<compile_context>
chip_gen: v7x
topology: tpu7x:2x2x1
jax: 0.10.2.dev20260603
libtpu: 0.0.44.dev20260713+nightly
codegen_flags: <defaults>
</compile_context>

<pallas_src>
import functools

import jax
import jax.numpy as jnp
from jax import lax
from jax.experimental import pallas as pl
from jax.experimental.pallas import tpu as pltpu
from jax.experimental.pallas import tpu_sc as plsc

N = 10240
E = 655360
G = 40
NPG = 256
D = 16
H = 4
HC = H * D
EPS = 1e-5

NW = 32
CHUNK = 128
EPW = E // NW
PW = 128
RPS = N // 16

def _sc_mesh():
    return plsc.VectorSubcoreMesh(core_axis_name="c", subcore_axis_name="s")


def _proj_body(x_ref, wq_ref, wkv_ref, ws_ref, bq_ref, bkv_ref, bs_ref,
               q_ref, kv_ref, xr_ref):
    x = x_ref[...]
    qm = jnp.dot(x, wq_ref[...], preferred_element_type=jnp.float32) + bq_ref[...]
    q_ref[...] = jnp.concatenate(
        [qm, jnp.zeros((qm.shape[0], 2 * HC - HC), jnp.float32)], axis=1)
    kv_ref[...] = jnp.dot(x, wkv_ref[...],
                          preferred_element_type=jnp.float32) + bkv_ref[...]
    xr_ref[...] = jnp.dot(x, ws_ref[...],
                          preferred_element_type=jnp.float32) + bs_ref[...]


def _proj(x, p):
    din = x.shape[1]
    wq = p['Wq']
    wkv = jnp.concatenate([p['Wk'], p['Wv']], axis=1)
    ws = p['Wskip']
    bq = p['bq'].reshape(1, HC)
    bkv = jnp.concatenate([p['bk'], p['bv']]).reshape(1, 2 * HC)
    bs = p['bskip'].reshape(1, HC)
    bn = 1024
    grid = (N // bn,)
    return pl.pallas_call(
        _proj_body,
        grid=grid,
        in_specs=[
            pl.BlockSpec((bn, din), lambda i: (i, 0)),
            pl.BlockSpec((din, HC), lambda i: (0, 0)),
            pl.BlockSpec((din, 2 * HC), lambda i: (0, 0)),
            pl.BlockSpec((din, HC), lambda i: (0, 0)),
            pl.BlockSpec((1, HC), lambda i: (0, 0)),
            pl.BlockSpec((1, 2 * HC), lambda i: (0, 0)),
            pl.BlockSpec((1, HC), lambda i: (0, 0)),
        ],
        out_specs=[
            pl.BlockSpec((bn, 2 * HC), lambda i: (i, 0)),
            pl.BlockSpec((bn, 2 * HC), lambda i: (i, 0)),
            pl.BlockSpec((bn, HC), lambda i: (i, 0)),
        ],
        out_shape=[
            jax.ShapeDtypeStruct((N, 2 * HC), jnp.float32),
            jax.ShapeDtypeStruct((N, 2 * HC), jnp.float32),
            jax.ShapeDtypeStruct((N, HC), jnp.float32),
        ],
    )(x, wq, wkv, ws, bq, bkv, bs)


_RPW = EPW // CHUNK


def _gather_body(q_hbm, kv_hbm, dstm_hbm, srcm_hbm, qd_out, kv_out,
                 id0, id1, is0, is1, qb0, qb1, kb0, kb1, semi, semg0, semg1,
                 semg2, semg3, semw):
    c = lax.axis_index("c")
    s = lax.axis_index("s")
    wid = s * 2 + c
    rbase = wid * _RPW

    def chunk(i, carry):
        r0 = rbase + i
        b0 = r0 * CHUNK
        pltpu.sync_copy(dstm_hbm.at[r0], id0)
        pltpu.sync_copy(srcm_hbm.at[r0], is0)
        g1 = pltpu.async_copy(q_hbm.at[id0], qb0, semg0)
        g2 = pltpu.async_copy(kv_hbm.at[is0], kb0, semg1)
        g1.wait()
        g2.wait()
        pltpu.sync_copy(qb0, qd_out.at[pl.ds(b0, CHUNK)])
        pltpu.sync_copy(kb0, kv_out.at[pl.ds(b0, CHUNK)])
        return carry

    lax.fori_loop(0, _RPW, chunk, 0)


def _gather(q, kv, dstm, srcm):
    k = pl.kernel(
        _gather_body,
        out_type=[
            jax.ShapeDtypeStruct((E, 2 * HC), jnp.float32),
            jax.ShapeDtypeStruct((E, 2 * HC), jnp.float32),
        ],
        mesh=_sc_mesh(),
        scratch_types=[
            pltpu.VMEM((CHUNK,), jnp.int32),
            pltpu.VMEM((CHUNK,), jnp.int32),
            pltpu.VMEM((CHUNK,), jnp.int32),
            pltpu.VMEM((CHUNK,), jnp.int32),
            pltpu.VMEM((CHUNK, 2 * HC), jnp.float32),
            pltpu.VMEM((CHUNK, 2 * HC), jnp.float32),
            pltpu.VMEM((CHUNK, 2 * HC), jnp.float32),
            pltpu.VMEM((CHUNK, 2 * HC), jnp.float32),
            pltpu.SemaphoreType.DMA,
            pltpu.SemaphoreType.DMA,
            pltpu.SemaphoreType.DMA,
            pltpu.SemaphoreType.DMA,
            pltpu.SemaphoreType.DMA,
            pltpu.SemaphoreType.DMA,
        ],
    )
    return k(q, kv, dstm, srcm)


def _edge_body(qd_ref, kv_ref, a_ref, hm_ref, hmt_ref, web_ref, pay_ref):
    qd = qd_ref[:, :HC]
    kvb = kv_ref[...]
    kk = kvb[:, :HC]
    vv = kvb[:, HC:]
    e = a_ref[...] * web_ref[0:1, :] + web_ref[1:2, :]
    logit = jnp.dot(qd * (kk + e), hm_ref[...],
                    preferred_element_type=jnp.float32) * 0.25
    w4 = jnp.exp(logit)
    w64 = jnp.dot(w4, hmt_ref[...], preferred_element_type=jnp.float32)
    msg = w64 * (vv + e)
    pad = jnp.zeros((msg.shape[0], PW - HC - H), jnp.float32)
    pay_ref[...] = jnp.concatenate([msg, w4, pad], axis=1)


def _edges(qd, kvs, a, web, hm, hmt):
    bn = 4096
    grid = (E // bn,)
    return pl.pallas_call(
        _edge_body,
        grid=grid,
        in_specs=[
            pl.BlockSpec((bn, 2 * HC), lambda i: (i, 0)),
            pl.BlockSpec((bn, 2 * HC), lambda i: (i, 0)),
            pl.BlockSpec((bn, 1), lambda i: (i, 0)),
            pl.BlockSpec((HC, H), lambda i: (0, 0)),
            pl.BlockSpec((H, HC), lambda i: (0, 0)),
            pl.BlockSpec((2, HC), lambda i: (0, 0)),
        ],
        out_specs=pl.BlockSpec((bn, PW), lambda i: (i, 0)),
        out_shape=jax.ShapeDtypeStruct((E, PW), jnp.float32),
    )(qd, kvs, a, hm, hmt, web)


def _scatter_body(pay_hbm, dstm_hbm, zeros_hbm, out_hbm, idx_v, pbuf, acc, sem):
    c = lax.axis_index("c")
    s = lax.axis_index("s")
    wid = s * 2 + c
    rbase = wid * _RPW
    pltpu.sync_copy(zeros_hbm.at[pl.ds(s * RPS, RPS)], acc.at[pl.ds(s * RPS, RPS)])
    plsc.subcore_barrier()

    def chunk(i, carry):
        b = (rbase + i) * CHUNK
        pltpu.sync_copy(dstm_hbm.at[rbase + i], idx_v)
        pltpu.sync_copy(pay_hbm.at[pl.ds(b, CHUNK)], pbuf)
        pltpu.sync_copy(pbuf, acc.at[idx_v], add=True)
        return carry

    lax.fori_loop(0, _RPW, chunk, 0)
    plsc.subcore_barrier()
    pltpu.sync_copy(acc.at[pl.ds(s * RPS, RPS)], out_hbm.at[c, pl.ds(s * RPS, RPS)])


def _scatter(pay, dstm, zeros):
    k = pl.kernel(
        _scatter_body,
        out_type=jax.ShapeDtypeStruct((2, N, PW), jnp.float32),
        mesh=_sc_mesh(),
        scratch_types=[
            pltpu.VMEM((CHUNK,), jnp.int32),
            pltpu.VMEM((CHUNK, PW), jnp.float32),
            pltpu.VMEM_SHARED((N, PW), jnp.float32),
            pltpu.SemaphoreType.DMA,
        ],
    )
    return k(pay, dstm, zeros)


def _combine_body(parts_ref, xr_ref, hmt_ref, wb_ref, wlin_ref, blin_ref,
                  gnw_ref, gnb_ref, gna_ref, h_ref):
    p = parts_ref[0] + parts_ref[1]
    u = p[:, :HC]
    s4 = p[:, HC:HC + H]
    s64 = jnp.dot(s4, hmt_ref[...], preferred_element_type=jnp.float32)
    out = u / (s64 + 1e-16)
    xr = xr_ref[...]
    cat = jnp.concatenate([out, xr, out - xr], axis=1)
    beta = jax.nn.sigmoid(jnp.dot(cat, wb_ref[...],
                                  preferred_element_type=jnp.float32))
    h1 = beta * xr + (1.0 - beta) * out
    h2 = jax.nn.relu(jnp.dot(h1, wlin_ref[...],
                             preferred_element_type=jnp.float32) + blin_ref[...])
    mean = jnp.mean(h2, axis=0, keepdims=True)
    og = h2 - gna_ref[...] * mean
    var = jnp.mean(og * og, axis=0, keepdims=True)
    h_ref[...] = gnw_ref[...] * og / jnp.sqrt(var + EPS) + gnb_ref[...]


def _combine(parts, xr, p, hmt):
    grid = (G,)
    return pl.pallas_call(
        _combine_body,
        grid=grid,
        in_specs=[
            pl.BlockSpec((2, NPG, PW), lambda g: (0, g, 0)),
            pl.BlockSpec((NPG, HC), lambda g: (g, 0)),
            pl.BlockSpec((H, HC), lambda g: (0, 0)),
            pl.BlockSpec((3 * HC, 1), lambda g: (0, 0)),
            pl.BlockSpec((HC, D), lambda g: (0, 0)),
            pl.BlockSpec((1, D), lambda g: (0, 0)),
            pl.BlockSpec((1, D), lambda g: (0, 0)),
            pl.BlockSpec((1, D), lambda g: (0, 0)),
            pl.BlockSpec((1, D), lambda g: (0, 0)),
        ],
        out_specs=pl.BlockSpec((NPG, D), lambda g: (g, 0)),
        out_shape=jax.ShapeDtypeStruct((N, D), jnp.float32),
    )(parts, xr, hmt, p['Wbeta'], p['Wlin'], p['blin'].reshape(1, D),
      p['gn_weight'].reshape(1, D), p['gn_bias'].reshape(1, D),
      p['gn_alpha'].reshape(1, D))


_ST = 32
_NPIX = NPG * NPG


def _cnn_body(zt_ref, w0a_ref, w0b_ref, b0_ref, wr_ref, br_ref, wf_ref, bf_ref,
              out_ref, hp_ref, acc_ref, c_ref):
    z2 = zt_ref[0]
    hp_ref[:, 0:1, :] = jnp.zeros((D, 1, NPG + 2), jnp.float32)
    hp_ref[:, NPG + 1:NPG + 2, :] = jnp.zeros((D, 1, NPG + 2), jnp.float32)
    hp_ref[:, :, 0:1] = jnp.zeros((D, NPG + 2, 1), jnp.float32)
    hp_ref[:, :, NPG + 1:NPG + 2] = jnp.zeros((D, NPG + 2, 1), jnp.float32)

    w0a = w0a_ref[...]
    w0b = w0b_ref[...]
    b0c = b0_ref[...]
    for t in range(NPG // _ST):
        zi = z2[:, t * _ST:(t + 1) * _ST][:, :, None]
        zj = z2[:, None, :]
        dif = jnp.abs(zi - zj).reshape(D, _ST * NPG)
        mul = (zi * zj).reshape(D, _ST * NPG)
        h0s = jax.nn.relu(
            jnp.dot(w0a, dif, preferred_element_type=jnp.float32)
            + jnp.dot(w0b, mul, preferred_element_type=jnp.float32) + b0c)
        hp_ref[:, 1 + t * _ST:1 + (t + 1) * _ST, 1:NPG + 1] = (
            h0s.reshape(D, _ST, NPG))

    for di in range(3):
        for dj in range(3):
            sl = hp_ref[:, di:di + NPG, dj:dj + NPG].reshape(D, _NPIX)
            contrib = jnp.dot(wr_ref[di, dj], sl,
                              preferred_element_type=jnp.float32)
            if di == 0 and dj == 0:
                acc_ref[...] = contrib
            else:
                acc_ref[...] = acc_ref[...] + contrib

    brc = br_ref[...]
    wf = wf_ref[...]
    for t in range(NPG // _ST):
        h0s = hp_ref[:, 1 + t * _ST:1 + (t + 1) * _ST, 1:NPG + 1].reshape(
            D, _ST * NPG)
        rs = jax.nn.relu(acc_ref[:, t * _ST * NPG:(t + 1) * _ST * NPG] + brc)
        h1 = jax.nn.relu(h0s + rs)
        logit = jnp.dot(wf, h1, preferred_element_type=jnp.float32) + bf_ref[0, 0]
        c_ref[t * _ST:(t + 1) * _ST, :] = jax.nn.sigmoid(logit).reshape(_ST, NPG)

    cmap = c_ref[...]
    out_ref[0] = 0.5 * (cmap + cmap.T)


def _cnn(zt, cnn):
    w0 = cnn['W0'][:, :, 0, 0]
    w0a = w0[:, :D]
    w0b = w0[:, D:]
    wr = jnp.transpose(cnn['Wres'][0], (2, 3, 0, 1))
    wf = cnn['Wf'][:, :, 0, 0]
    grid = (G,)
    return pl.pallas_call(
        _cnn_body,
        grid=grid,
        in_specs=[
            pl.BlockSpec((1, D, NPG), lambda g: (g, 0, 0)),
            pl.BlockSpec((D, D), lambda g: (0, 0)),
            pl.BlockSpec((D, D), lambda g: (0, 0)),
            pl.BlockSpec((D, 1), lambda g: (0, 0)),
            pl.BlockSpec((3, 3, D, D), lambda g: (0, 0, 0, 0)),
            pl.BlockSpec((D, 1), lambda g: (0, 0)),
            pl.BlockSpec((1, D), lambda g: (0, 0)),
            pl.BlockSpec((1, 1), lambda g: (0, 0)),
        ],
        out_specs=pl.BlockSpec((1, NPG, NPG), lambda g: (g, 0, 0)),
        out_shape=jax.ShapeDtypeStruct((G, NPG, NPG), jnp.float32),
        scratch_shapes=[
            pltpu.VMEM((D, NPG + 2, NPG + 2), jnp.float32),
            pltpu.VMEM((D, _NPIX), jnp.float32),
            pltpu.VMEM((NPG, NPG), jnp.float32),
        ],
    )(zt, w0a, w0b, cnn['b0'].reshape(D, 1), wr, cnn['bres'][0].reshape(D, 1),
      wf, cnn['bf'].reshape(1, 1))


def kernel(x, edge_index, edge_attr, batch, params):
    del batch
    srcm = edge_index[0].reshape(E // CHUNK, CHUNK)
    dstm = edge_index[1].reshape(E // CHUNK, CHUNK)
    a = edge_attr
    hm = (jnp.arange(HC)[:, None] // D == jnp.arange(H)[None, :]).astype(jnp.float32)
    hmt = hm.T
    zeros = jnp.zeros((N, PW), jnp.float32)

    h = x
    for p in params['blocks']:
        q, kv, xr = _proj(h, p)
        qd, kvs = _gather(q, kv, dstm, srcm)
        web = jnp.stack([p['We'][0], p['be']], axis=0)
        pay = _edges(qd, kvs, a, web, hm, hmt)
        parts = _scatter(pay, dstm, zeros)
        h = _combine(parts, xr, p, hmt)

    zt = jnp.transpose(h.reshape(G, NPG, D), (0, 2, 1))
    return _cnn(zt, params['cnn'])

# --- scband reference (transcript-rebuilt; emitter-appended) ---
"""Pipeline reference for scband-grap-hi-c-35416300323765 (READ-ONLY COPY).

The authoritative reference and input builder live on the scoring server;
editing this copy changes nothing except your own understanding.
"""

import jax, jax.numpy as jnp
import numpy as np

N = 10240
E = 655360
G = 40
NPG = 256
D_IN = 4
D = 16
H = 4
HC = H * D
EDGE_DIM = 1
EPS = 1e-5

def _dense(key, shape, scale=0.1):
    return jax.random.normal(key, shape, dtype=jnp.float32) * scale

def make_block_params(key, in_dim):
    ks = jax.random.split(key, 8)
    p = {}
    p['Wq'] = _dense(ks[0], (in_dim, HC)); p['bq'] = jnp.zeros((HC,), jnp.float32)
    p['Wk'] = _dense(ks[1], (in_dim, HC)); p['bk'] = jnp.zeros((HC,), jnp.float32)
    p['Wv'] = _dense(ks[2], (in_dim, HC)); p['bv'] = jnp.zeros((HC,), jnp.float32)
    p['We'] = _dense(ks[3], (EDGE_DIM, HC)); p['be'] = jnp.zeros((HC,), jnp.float32)
    p['Wskip'] = _dense(ks[4], (in_dim, HC)); p['bskip'] = jnp.zeros((HC,), jnp.float32)
    p['Wbeta'] = _dense(ks[5], (3 * HC, 1))
    p['Wlin'] = _dense(ks[6], (HC, D)); p['blin'] = jnp.zeros((D,), jnp.float32)
    p['gn_weight'] = jnp.ones((D,), jnp.float32)
    p['gn_bias'] = jnp.zeros((D,), jnp.float32)
    p['gn_alpha'] = jnp.ones((D,), jnp.float32)
    return p

def make_params(key):
    ks = jax.random.split(key, 8)
    blocks = [make_block_params(ks[0], D_IN), make_block_params(ks[1], D), make_block_params(ks[2], D)]
    cnn = {}
    cnn['W0'] = _dense(ks[3], (D, 2 * D, 1, 1)); cnn['b0'] = jnp.zeros((D,), jnp.float32)
    cnn['Wres'] = [_dense(ks[4], (D, D, 3, 3))]; cnn['bres'] = [jnp.zeros((D,), jnp.float32)]
    cnn['Wf'] = _dense(ks[5], (1, D, 1, 1)); cnn['bf'] = jnp.zeros((1,), jnp.float32)
    return {'blocks': blocks, 'cnn': cnn}

def setup_inputs(seed: int = 0):
    key = jax.random.key(seed)
    k1, k2, k3, k4 = jax.random.split(key, 4)
    x = jax.random.normal(k1, (N, D_IN), dtype=jnp.float32)
    edge_index = jax.random.randint(k2, (2, E), 0, N, dtype=jnp.int32)
    edge_attr = jax.random.uniform(k3, (E, EDGE_DIM), dtype=jnp.float32)
    batch = jnp.arange(N, dtype=jnp.int32) // NPG
    params = make_params(k4)
    return {'x': x, 'edge_index': edge_index, 'edge_attr': edge_attr, 'batch': batch, 'params': params}

def segment_softmax(alpha, seg, num_segments):
    m = jax.ops.segment_max(alpha, seg, num_segments=num_segments)
    m = jnp.where(jnp.isfinite(m), m, 0.0)
    a = jnp.exp(alpha - m[seg])
    s = jax.ops.segment_sum(a, seg, num_segments=num_segments)
    return a / (s[seg] + 1e-16)

def transformer_conv(x, edge_index, edge_attr, p):
    src = edge_index[0]; dst = edge_index[1]
    q = (x @ p['Wq'] + p['bq']).reshape(-1, H, D)
    k = (x @ p['Wk'] + p['bk']).reshape(-1, H, D)
    v = (x @ p['Wv'] + p['bv']).reshape(-1, H, D)
    e = (edge_attr @ p['We'] + p['be']).reshape(-1, H, D)
    kj = k[src] + e
    qi = q[dst]
    alpha = (qi * kj).sum(-1) / jnp.sqrt(float(D))
    alpha = segment_softmax(alpha, dst, x.shape[0])
    msg = (v[src] + e) * alpha[..., None]
    out = jax.ops.segment_sum(msg, dst, num_segments=x.shape[0]).reshape(-1, HC)
    xr = x @ p['Wskip'] + p['bskip']
    beta = jax.nn.sigmoid(jnp.concatenate([out, xr, out - xr], axis=-1) @ p['Wbeta'])
    return beta * xr + (1.0 - beta) * out

def graph_norm(x, batch, p, num_graphs):
    ones = jnp.ones((x.shape[0], 1), x.dtype)
    cnt = jax.ops.segment_sum(ones, batch, num_segments=num_graphs)
    mean = jax.ops.segment_sum(x, batch, num_segments=num_graphs) / cnt
    out = x - p['gn_alpha'] * mean[batch]
    var = jax.ops.segment_sum(out * out, batch, num_segments=num_graphs) / cnt
    std = jnp.sqrt(var + EPS)
    return p['gn_weight'] * out / std[batch] + p['gn_bias']

def block(x, edge_index, edge_attr, batch, p):
    h = transformer_conv(x, edge_index, edge_attr, p)
    h = jax.nn.relu(h @ p['Wlin'] + p['blin'])
    return graph_norm(h, batch, p, G)

def conv2d(x, w, b, padding):
    y = jax.lax.conv_general_dilated(x, w, (1, 1), padding, dimension_numbers=('NCHW', 'OIHW', 'NCHW'))
    return y + b[None, :, None, None]

def contact_cnn(z0, z1, cnn):
    z_dif = jnp.abs(z0[:, :, None, :] - z1[:, None, :, :])
    z_mul = z0[:, :, None, :] * z1[:, None, :, :]
    zc = jnp.concatenate([z_dif, z_mul], axis=-1)
    h = jnp.transpose(zc, (0, 3, 1, 2))
    h = jax.nn.relu(conv2d(h, cnn['W0'], cnn['b0'], 'SAME'))
    for w, b in zip(cnn['Wres'], cnn['bres']):
        h = jax.nn.relu(h + jax.nn.relu(conv2d(h, w, b, 'SAME')))
    c = jax.nn.sigmoid(conv2d(h, cnn['Wf'], cnn['bf'], 'SAME'))
    c = 0.5 * (c + jnp.transpose(c, (0, 1, 3, 2)))
    return c[:, 0, :, :]

def forward(x, edge_attr, params, edge_index, batch):
    h = block(x, edge_index, edge_attr, batch, params['blocks'][0])
    h = block(h, edge_index, edge_attr, batch, params['blocks'][1])
    h = block(h, edge_index, edge_attr, batch, params['blocks'][2])
    Z = h.reshape(G, NPG, D)
    return contact_cnn(Z, Z, params['cnn'])

def reference(x, edge_index, edge_attr, batch, params):
    return forward(x, edge_attr, params, edge_index, batch)

if __name__ == "__main__":
    import jax
    _d = setup_inputs()
    print(jax.jit(kernel)(*tuple(_d.values())))

</pallas_src>

<mosaic_0001>
#map = affine_map<(d0, d1) -> (0, 0)>
module attributes {stable_mosaic.version = 14 : i64} {
  func.func @_gather_body(%arg0: i32, %arg1: i32, %arg2: memref<10240x128xf32, #tpu.memory_space<hbm>>, %arg3: memref<10240x128xf32, #tpu.memory_space<hbm>>, %arg4: memref<5120x128xi32, #tpu.memory_space<hbm>>, %arg5: memref<5120x128xi32, #tpu.memory_space<hbm>>, %arg6: memref<655360x128xf32, #tpu.memory_space<hbm>>, %arg7: memref<655360x128xf32, #tpu.memory_space<hbm>>, %arg8: memref<128xi32, #tpu.memory_space<vmem>>, %arg9: memref<128xi32, #tpu.memory_space<vmem>>, %arg10: memref<128xi32, #tpu.memory_space<vmem>>, %arg11: memref<128xi32, #tpu.memory_space<vmem>>, %arg12: memref<128x128xf32, #tpu.memory_space<vmem>>, %arg13: memref<128x128xf32, #tpu.memory_space<vmem>>, %arg14: memref<128x128xf32, #tpu.memory_space<vmem>>, %arg15: memref<128x128xf32, #tpu.memory_space<vmem>>, %arg16: memref<!tpu.dma_semaphore, #tpu.memory_space<semaphore_mem>>, %arg17: memref<!tpu.dma_semaphore, #tpu.memory_space<semaphore_mem>>, %arg18: memref<!tpu.dma_semaphore, #tpu.memory_space<semaphore_mem>>, %arg19: memref<!tpu.dma_semaphore, #tpu.memory_space<semaphore_mem>>, %arg20: memref<!tpu.dma_semaphore, #tpu.memory_space<semaphore_mem>>, %arg21: memref<!tpu.dma_semaphore, #tpu.memory_space<semaphore_mem>>) attributes {dimension_semantics = [#tpu.dimension_semantics<core_parallel>, #tpu.dimension_semantics<subcore_parallel>], iteration_bounds = array<i64: 2, 16>, scalar_prefetch = 0 : i64, scratch_operands = 14 : i64, tpu.core_type = #tpu.core_type<sc_vector_subcore>, window_params = [{transform_indices = #map}, {transform_indices = #map}, {transform_indices = #map}, {transform_indices = #map}, {transform_indices = #map}, {transform_indices = #map}]} {
    %mul3A = arith.constant 2 : i32
    %mul3A_0 = arith.muli %arg1, %mul3A : i32
    %add3A = arith.addi %mul3A_0, %arg0 : i32
    %mul3A_1 = arith.constant 160 : i32
    %mul3A_2 = arith.muli %add3A, %mul3A_1 : i32
    %scan3A = arith.constant 0 : i32
    %scan3A_3 = arith.constant 0 : i32
    %scan3A_4 = arith.constant 160 : i32
    %scan3A_5 = arith.addi %scan3A_3, %scan3A_4 : i32
    %scan3A_6 = arith.constant 1 : i32
    scf.for %scan3A_8 = %scan3A_3 to %scan3A_5 step %scan3A_6  : i32 {
      %add3A_9 = arith.addi %mul3A_2, %scan3A_8 : i32
      %mul3A_10 = arith.constant 128 : i32
      %mul3A_11 = arith.muli %add3A_9, %mul3A_10 : i32
      "tpu.region"() ({
        %run_scoped3A = tpu.sem_alloc : memref<!tpu.dma_semaphore, #tpu.memory_space<semaphore_mem>>
        %dma_start3A_22 = arith.constant 0 : i32
        %dma_start3A_23 = tpu.memref_slice %arg4[%add3A_9, %dma_start3A_22] : memref<5120x128xi32, #tpu.memory_space<hbm>> -> memref<1x128xi32, #tpu.memory_space<hbm>>
        %dma_start3A_24 = tpu.memref_squeeze %dma_start3A_23 : memref<1x128xi32, #tpu.memory_space<hbm>> -> memref<128xi32, #tpu.memory_space<hbm>>
        %dma_start3A_25 = arith.constant 0 : i32
        %dma_start3A_26 = tpu.memref_slice %arg4[%add3A_9, %dma_start3A_25] : memref<5120x128xi32, #tpu.memory_space<hbm>> -> memref<1x128xi32, #tpu.memory_space<hbm>>
        %dma_start3A_27 = tpu.memref_squeeze %dma_start3A_26 : memref<1x128xi32, #tpu.memory_space<hbm>> -> memref<128xi32, #tpu.memory_space<hbm>>
        tpu.enqueue_dma source(%dma_start3A_27 : memref<128xi32, #tpu.memory_space<hbm>>) target(%arg8 : memref<128xi32, #tpu.memory_space<vmem>>) target_semaphore(%run_scoped3A : memref<!tpu.dma_semaphore, #tpu.memory_space<semaphore_mem>>)
        %dma_wait3A_28 = arith.constant 0 : i32
        %dma_wait3A_29 = tpu.memref_slice %arg4[%add3A_9, %dma_wait3A_28] : memref<5120x128xi32, #tpu.memory_space<hbm>> -> memref<1x128xi32, #tpu.memory_space<hbm>>
        %dma_wait3A_30 = tpu.memref_squeeze %dma_wait3A_29 : memref<1x128xi32, #tpu.memory_space<hbm>> -> memref<128xi32, #tpu.memory_space<hbm>>
        %dma_wait3A_31 = arith.constant 0 : i32
        %dma_wait3A_32 = tpu.memref_slice %arg4[%add3A_9, %dma_wait3A_31] : memref<5120x128xi32, #tpu.memory_space<hbm>> -> memref<1x128xi32, #tpu.memory_space<hbm>>
        %dma_wait3A_33 = tpu.memref_squeeze %dma_wait3A_32 : memref<1x128xi32, #tpu.memory_space<hbm>> -> memref<128xi32, #tpu.memory_space<hbm>>
        tpu.wait_dma2 semaphore(%run_scoped3A : memref<!tpu.dma_semaphore, #tpu.memory_space<semaphore_mem>>) src(%dma_wait3A_33 : memref<128xi32, #tpu.memory_space<hbm>>) dst(%arg8 : memref<128xi32, #tpu.memory_space<vmem>>)
        tpu.yield
      }) : () -> ()
      "tpu.region"() ({
        %run_scoped3A = tpu.sem_alloc : memref<!tpu.dma_semaphore, #tpu.memory_space<semaphore_mem>>
        %dma_start3A_22 = arith.constant 0 : i32
        %dma_start3A_23 = tpu.memref_slice %arg5[%add3A_9, %dma_start3A_22] : memref<5120x128xi32, #tpu.memory_space<hbm>> -> memref<1x128xi32, #tpu.memory_space<hbm>>
        %dma_start3A_24 = tpu.memref_squeeze %dma_start3A_23 : memref<1x128xi32, #tpu.memory_space<hbm>> -> memref<128xi32, #tpu.memory_space<hbm>>
        %dma_start3A_25 = arith.constant 0 : i32
        %dma_start3A_26 = tpu.memref_slice %arg5[%add3A_9, %dma_start3A_25] : memref<5120x128xi32, #tpu.memory_space<hbm>> -> memref<1x128xi32, #tpu.memory_space<hbm>>
        %dma_start3A_27 = tpu.memref_squeeze %dma_start3A_26 : memref<1x128xi32, #tpu.memory_space<hbm>> -> memref<128xi32, #tpu.memory_space<hbm>>
        tpu.enqueue_dma source(%dma_start3A_27 : memref<128xi32, #tpu.memory_space<hbm>>) target(%arg10 : memref<128xi32, #tpu.memory_space<vmem>>) target_semaphore(%run_scoped3A : memref<!tpu.dma_semaphore, #tpu.memory_space<semaphore_mem>>)
        %dma_wait3A_28 = arith.constant 0 : i32
        %dma_wait3A_29 = tpu.memref_slice %arg5[%add3A_9, %dma_wait3A_28] : memref<5120x128xi32, #tpu.memory_space<hbm>> -> memref<1x128xi32, #tpu.memory_space<hbm>>
        %dma_wait3A_30 = tpu.memref_squeeze %dma_wait3A_29 : memref<1x128xi32, #tpu.memory_space<hbm>> -> memref<128xi32, #tpu.memory_space<hbm>>
        %dma_wait3A_31 = arith.constant 0 : i32
        %dma_wait3A_32 = tpu.memref_slice %arg5[%add3A_9, %dma_wait3A_31] : memref<5120x128xi32, #tpu.memory_space<hbm>> -> memref<1x128xi32, #tpu.memory_space<hbm>>
        %dma_wait3A_33 = tpu.memref_squeeze %dma_wait3A_32 : memref<1x128xi32, #tpu.memory_space<hbm>> -> memref<128xi32, #tpu.memory_space<hbm>>
        tpu.wait_dma2 semaphore(%run_scoped3A : memref<!tpu.dma_semaphore, #tpu.memory_space<semaphore_mem>>) src(%dma_wait3A_33 : memref<128xi32, #tpu.memory_space<hbm>>) dst(%arg10 : memref<128xi32, #tpu.memory_space<vmem>>)
        tpu.yield
      }) : () -> ()
      %dma_start3A = arith.constant 0 : i32
      %dma_start3A_12 = arith.constant 0 : i32
      %dma_start3A_13 = tpu.memref_slice %arg2[%dma_start3A, %dma_start3A_12] : memref<10240x128xf32, #tpu.memory_space<hbm>> -> memref<10240x128xf32, #tpu.memory_space<hbm>>
      tpu.enqueue_indirect_dma source(%dma_start3A_13 : memref<10240x128xf32, #tpu.memory_space<hbm>>) target(%arg12 : memref<128x128xf32, #tpu.memory_space<vmem>>) offsets(%arg8 : memref<128xi32, #tpu.memory_space<vmem>>) semaphore(%arg17 : memref<!tpu.dma_semaphore, #tpu.memory_space<semaphore_mem>>)
      %dma_start3A_14 = arith.constant 0 : i32
      %dma_start3A_15 = arith.constant 0 : i32
      %dma_start3A_16 = tpu.memref_slice %arg3[%dma_start3A_14, %dma_start3A_15] : memref<10240x128xf32, #tpu.memory_space<hbm>> -> memref<10240x128xf32, #tpu.memory_space<hbm>>
      tpu.enqueue_indirect_dma source(%dma_start3A_16 : memref<10240x128xf32, #tpu.memory_space<hbm>>) target(%arg14 : memref<128x128xf32, #tpu.memory_space<vmem>>) offsets(%arg10 : memref<128xi32, #tpu.memory_space<vmem>>) semaphore(%arg18 : memref<!tpu.dma_semaphore, #tpu.memory_space<semaphore_mem>>)
      %dma_wait3A = arith.constant 0 : i32
      %dma_wait3A_17 = arith.constant 0 : i32
      %dma_wait3A_18 = tpu.memref_slice %arg2[%dma_wait3A, %dma_wait3A_17] : memref<10240x128xf32, #tpu.memory_space<hbm>> -> memref<10240x128xf32, #tpu.memory_space<hbm>>
      tpu.wait_indirect_dma semaphore(%arg17 : memref<!tpu.dma_semaphore, #tpu.memory_space<semaphore_mem>>) src(%dma_wait3A_18 : memref<10240x128xf32, #tpu.memory_space<hbm>>) dst(%arg12 : memref<128x128xf32, #tpu.memory_space<vmem>>)
      %dma_wait3A_19 = arith.constant 0 : i32
      %dma_wait3A_20 = arith.constant 0 : i32
      %dma_wait3A_21 = tpu.memref_slice %arg3[%dma_wait3A_19, %dma_wait3A_20] : memref<10240x128xf32, #tpu.memory_space<hbm>> -> memref<10240x128xf32, #tpu.memory_space<hbm>>
      tpu.wait_indirect_dma semaphore(%arg18 : memref<!tpu.dma_semaphore, #tpu.memory_space<semaphore_mem>>) src(%dma_wait3A_21 : memref<10240x128xf32, #tpu.memory_space<hbm>>) dst(%arg14 : memref<128x128xf32, #tpu.memory_space<vmem>>)
      "tpu.region"() ({
        %run_scoped3A = tpu.sem_alloc : memref<!tpu.dma_semaphore, #tpu.memory_space<semaphore_mem>>
        %dma_start3A_22 = arith.constant 0 : i32
        %dma_start3A_23 = tpu.memref_slice %arg6[%mul3A_11, %dma_start3A_22] : memref<655360x128xf32, #tpu.memory_space<hbm>> -> memref<128x128xf32, #tpu.memory_space<hbm>>
        %dma_start3A_24 = arith.constant 0 : i32
        %dma_start3A_25 = tpu.memref_slice %arg6[%mul3A_11, %dma_start3A_24] : memref<655360x128xf32, #tpu.memory_space<hbm>> -> memref<128x128xf32, #tpu.memory_space<hbm>>
        tpu.enqueue_dma source(%arg12 : memref<128x128xf32, #tpu.memory_space<vmem>>) target(%dma_start3A_25 : memref<128x128xf32, #tpu.memory_space<hbm>>) target_semaphore(%run_scoped3A : memref<!tpu.dma_semaphore, #tpu.memory_space<semaphore_mem>>)
        %dma_wait3A_26 = arith.constant 0 : i32
        %dma_wait3A_27 = tpu.memref_slice %arg6[%mul3A_11, %dma_wait3A_26] : memref<655360x128xf32, #tpu.memory_space<hbm>> -> memref<128x128xf32, #tpu.memory_space<hbm>>
        %dma_wait3A_28 = arith.constant 0 : i32
        %dma_wait3A_29 = tpu.memref_slice %arg6[%mul3A_11, %dma_wait3A_28] : memref<655360x128xf32, #tpu.memory_space<hbm>> -> memref<128x128xf32, #tpu.memory_space<hbm>>
        tpu.wait_dma2 semaphore(%run_scoped3A : memref<!tpu.dma_semaphore, #tpu.memory_space<semaphore_mem>>) src(%arg12 : memref<128x128xf32, #tpu.memory_space<vmem>>) dst(%dma_wait3A_29 : memref<128x128xf32, #tpu.memory_space<hbm>>)
        tpu.yield
      }) : () -> ()
      "tpu.region"() ({
        %run_scoped3A = tpu.sem_alloc : memref<!tpu.dma_semaphore, #tpu.memory_space<semaphore_mem>>
        %dma_start3A_22 = arith.constant 0 : i32
        %dma_start3A_23 = tpu.memref_slice %arg7[%mul3A_11, %dma_start3A_22] : memref<655360x128xf32, #tpu.memory_space<hbm>> -> memref<128x128xf32, #tpu.memory_space<hbm>>
        %dma_start3A_24 = arith.constant 0 : i32
        %dma_start3A_25 = tpu.memref_slice %arg7[%mul3A_11, %dma_start3A_24] : memref<655360x128xf32, #tpu.memory_space<hbm>> -> memref<128x128xf32, #tpu.memory_space<hbm>>
        tpu.enqueue_dma source(%arg14 : memref<128x128xf32, #tpu.memory_space<vmem>>) target(%dma_start3A_25 : memref<128x128xf32, #tpu.memory_space<hbm>>) target_semaphore(%run_scoped3A : memref<!tpu.dma_semaphore, #tpu.memory_space<semaphore_mem>>)
        %dma_wait3A_26 = arith.constant 0 : i32
        %dma_wait3A_27 = tpu.memref_slice %arg7[%mul3A_11, %dma_wait3A_26] : memref<655360x128xf32, #tpu.memory_space<hbm>> -> memref<128x128xf32, #tpu.memory_space<hbm>>
        %dma_wait3A_28 = arith.constant 0 : i32
        %dma_wait3A_29 = tpu.memref_slice %arg7[%mul3A_11, %dma_wait3A_28] : memref<655360x128xf32, #tpu.memory_space<hbm>> -> memref<128x128xf32, #tpu.memory_space<hbm>>
        tpu.wait_dma2 semaphore(%run_scoped3A : memref<!tpu.dma_semaphore, #tpu.memory_space<semaphore_mem>>) src(%arg14 : memref<128x128xf32, #tpu.memory_space<vmem>>) dst(%dma_wait3A_29 : memref<128x128xf32, #tpu.memory_space<hbm>>)
        tpu.yield
      }) : () -> ()
    }
    %scan3A_7 = arith.constant 160 : i32
    return
  }
}

#map = affine_map<(d0, d1) -> (0, 0)>
#map1 = affine_map<(d0, d1) -> (0, 0, 0)>
module attributes {stable_mosaic.version = 14 : i64} {
  func.func @_scatter_body(%arg0: i32, %arg1: i32, %arg2: memref<655360x128xf32, #tpu.memory_space<hbm>>, %arg3: memref<5120x128xi32, #tpu.memory_space<hbm>>, %arg4: memref<10240x128xf32, #tpu.memory_space<hbm>>, %arg5: memref<2x10240x128xf32, #tpu.memory_space<hbm>>, %arg6: memref<128xi32, #tpu.memory_space<vmem>>, %arg7: memref<128x128xf32, #tpu.memory_space<vmem>>, %arg8: memref<10240x128xf32, #tpu.memory_space<vmem_shared>>, %arg9: memref<!tpu.dma_semaphore, #tpu.memory_space<semaphore_mem>>) attributes {dimension_semantics = [#tpu.dimension_semantics<core_parallel>, #tpu.dimension_semantics<subcore_parallel>], iteration_bounds = array<i64: 2, 16>, scalar_prefetch = 0 : i64, scratch_operands = 4 : i64, tpu.core_type = #tpu.core_type<sc_vector_subcore>, window_params = [{transform_indices = #map}, {transform_indices = #map}, {transform_indices = #map}, {transform_indices = #map1}]} {
    %mul3A = arith.constant 2 : i32
    %mul3A_0 = arith.muli %arg1, %mul3A : i32
    %add3A = arith.addi %mul3A_0, %arg0 : i32
    %mul3A_1 = arith.constant 160 : i32
    %mul3A_2 = arith.muli %add3A, %mul3A_1 : i32
    %mul3A_3 = arith.constant 640 : i32
    %mul3A_4 = arith.muli %arg1, %mul3A_3 : i32
    %mul3A_5 = arith.constant 640 : i32
    %mul3A_6 = arith.muli %arg1, %mul3A_5 : i32
    "tpu.region"() ({
      %run_scoped3A = tpu.sem_alloc : memref<!tpu.dma_semaphore, #tpu.memory_space<semaphore_mem>>
      %dma_start3A = arith.constant 0 : i32
      %dma_start3A_17 = tpu.memref_slice %arg8[%mul3A_6, %dma_start3A] : memref<10240x128xf32, #tpu.memory_space<vmem_shared>> -> memref<640x128xf32, #tpu.memory_space<vmem_shared>>
      %dma_start3A_18 = arith.constant 0 : i32
      %dma_start3A_19 = tpu.memref_slice %arg4[%mul3A_4, %dma_start3A_18] : memref<10240x128xf32, #tpu.memory_space<hbm>> -> memref<640x128xf32, #tpu.memory_space<hbm>>
      tpu.enqueue_dma source(%dma_start3A_19 : memref<640x128xf32, #tpu.memory_space<hbm>>) target(%dma_start3A_17 : memref<640x128xf32, #tpu.memory_space<vmem_shared>>) target_semaphore(%run_scoped3A : memref<!tpu.dma_semaphore, #tpu.memory_space<semaphore_mem>>)
      %dma_wait3A = arith.constant 0 : i32
      %dma_wait3A_20 = tpu.memref_slice %arg8[%mul3A_6, %dma_wait3A] : memref<10240x128xf32, #tpu.memory_space<vmem_shared>> -> memref<640x128xf32, #tpu.memory_space<vmem_shared>>
      %dma_wait3A_21 = arith.constant 0 : i32
      %dma_wait3A_22 = tpu.memref_slice %arg4[%mul3A_4, %dma_wait3A_21] : memref<10240x128xf32, #tpu.memory_space<hbm>> -> memref<640x128xf32, #tpu.memory_space<hbm>>
      tpu.wait_dma2 semaphore(%run_scoped3A : memref<!tpu.dma_semaphore, #tpu.memory_space<semaphore_mem>>) src(%dma_wait3A_22 : memref<640x128xf32, #tpu.memory_space<hbm>>) dst(%dma_wait3A_20 : memref<640x128xf32, #tpu.memory_space<vmem_shared>>)
      tpu.yield
    }) : () -> ()
    %barrier3A = arith.constant 0 : index
    tpu.barrier barrier_id(%barrier3A)
    %scan3A = arith.constant 0 : i32
    %scan3A_7 = arith.constant 0 : i32
    %scan3A_8 = arith.constant 160 : i32
    %scan3A_9 = arith.addi %scan3A_7, %scan3A_8 : i32
    %scan3A_10 = arith.constant 1 : i32
    scf.for %scan3A_17 = %scan3A_7 to %scan3A_9 step %scan3A_10  : i32 {
      %add3A_18 = arith.addi %mul3A_2, %scan3A_17 : i32
      %mul3A_19 = arith.constant 128 : i32
      %mul3A_20 = arith.muli %add3A_18, %mul3A_19 : i32
      %add3A_21 = arith.addi %mul3A_2, %scan3A_17 : i32
      "tpu.region"() ({
        %run_scoped3A = tpu.sem_alloc : memref<!tpu.dma_semaphore, #tpu.memory_space<semaphore_mem>>
        %dma_start3A = arith.constant 0 : i32
        %dma_start3A_22 = tpu.memref_slice %arg3[%add3A_21, %dma_start3A] : memref<5120x128xi32, #tpu.memory_space<hbm>> -> memref<1x128xi32, #tpu.memory_space<hbm>>
        %dma_start3A_23 = tpu.memref_squeeze %dma_start3A_22 : memref<1x128xi32, #tpu.memory_space<hbm>> -> memref<128xi32, #tpu.memory_space<hbm>>
        %dma_start3A_24 = arith.constant 0 : i32
        %dma_start3A_25 = tpu.memref_slice %arg3[%add3A_21, %dma_start3A_24] : memref<5120x128xi32, #tpu.memory_space<hbm>> -> memref<1x128xi32, #tpu.memory_space<hbm>>
        %dma_start3A_26 = tpu.memref_squeeze %dma_start3A_25 : memref<1x128xi32, #tpu.memory_space<hbm>> -> memref<128xi32, #tpu.memory_space<hbm>>
        tpu.enqueue_dma source(%dma_start3A_26 : memref<128xi32, #tpu.memory_space<hbm>>) target(%arg6 : memref<128xi32, #tpu.memory_space<vmem>>) target_semaphore(%run_scoped3A : memref<!tpu.dma_semaphore, #tpu.memory_space<semaphore_mem>>)
        %dma_wait3A = arith.constant 0 : i32
        %dma_wait3A_27 = tpu.memref_slice %arg3[%add3A_21, %dma_wait3A] : memref<5120x128xi32, #tpu.memory_space<hbm>> -> memref<1x128xi32, #tpu.memory_space<hbm>>
        %dma_wait3A_28 = tpu.memref_squeeze %dma_wait3A_27 : memref<1x128xi32, #tpu.memory_space<hbm>> -> memref<128xi32, #tpu.memory_space<hbm>>
        %dma_wait3A_29 = arith.constant 0 : i32
        %dma_wait3A_30 = tpu.memref_slice %arg3[%add3A_21, %dma_wait3A_29] : memref<5120x128xi32, #tpu.memory_space<hbm>> -> memref<1x128xi32, #tpu.memory_space<hbm>>
        %dma_wait3A_31 = tpu.memref_squeeze %dma_wait3A_30 : memref<1x128xi32, #tpu.memory_space<hbm>> -> memref<128xi32, #tpu.memory_space<hbm>>
        tpu.wait_dma2 semaphore(%run_scoped3A : memref<!tpu.dma_semaphore, #tpu.memory_space<semaphore_mem>>) src(%dma_wait3A_31 : memref<128xi32, #tpu.memory_space<hbm>>) dst(%arg6 : memref<128xi32, #tpu.memory_space<vmem>>)
        tpu.yield
      }) : () -> ()
      "tpu.region"() ({
        %run_scoped3A = tpu.sem_alloc : memref<!tpu.dma_semaphore, #tpu.memory_space<semaphore_mem>>
        %dma_start3A = arith.constant 0 : i32
        %dma_start3A_22 = tpu.memref_slice %arg2[%mul3A_20, %dma_start3A] : memref<655360x128xf32, #tpu.memory_space<hbm>> -> memref<128x128xf32, #tpu.memory_space<hbm>>
        %dma_start3A_23 = arith.constant 0 : i32
        %dma_start3A_24 = tpu.memref_slice %arg2[%mul3A_20, %dma_start3A_23] : memref<655360x128xf32, #tpu.memory_space<hbm>> -> memref<128x128xf32, #tpu.memory_space<hbm>>
        tpu.enqueue_dma source(%dma_start3A_24 : memref<128x128xf32, #tpu.memory_space<hbm>>) target(%arg7 : memref<128x128xf32, #tpu.memory_space<vmem>>) target_semaphore(%run_scoped3A : memref<!tpu.dma_semaphore, #tpu.memory_space<semaphore_mem>>)
        %dma_wait3A = arith.constant 0 : i32
        %dma_wait3A_25 = tpu.memref_slice %arg2[%mul3A_20, %dma_wait3A] : memref<655360x128xf32, #tpu.memory_space<hbm>> -> memref<128x128xf32, #tpu.memory_space<hbm>>
        %dma_wait3A_26 = arith.constant 0 : i32
        %dma_wait3A_27 = tpu.memref_slice %arg2[%mul3A_20, %dma_wait3A_26] : memref<655360x128xf32, #tpu.memory_space<hbm>> -> memref<128x128xf32, #tpu.memory_space<hbm>>
        tpu.wait_dma2 semaphore(%run_scoped3A : memref<!tpu.dma_semaphore, #tpu.memory_space<semaphore_mem>>) src(%dma_wait3A_27 : memref<128x128xf32, #tpu.memory_space<hbm>>) dst(%arg7 : memref<128x128xf32, #tpu.memory_space<vmem>>)
        tpu.yield
      }) : () -> ()
      "tpu.region"() ({
        %run_scoped3A = tpu.sem_alloc : memref<!tpu.dma_semaphore, #tpu.memory_space<semaphore_mem>>
        %dma_start3A = arith.constant 0 : i32
        %dma_start3A_22 = arith.constant 0 : i32
        %dma_start3A_23 = tpu.memref_slice %arg8[%dma_start3A, %dma_start3A_22] : memref<10240x128xf32, #tpu.memory_space<vmem_shared>> -> memref<10240x128xf32, #tpu.memory_space<vmem_shared>>
        tpu.enqueue_indirect_dma source(%arg7 : memref<128x128xf32, #tpu.memory_space<vmem>>) target(%dma_start3A_23 : memref<10240x128xf32, #tpu.memory_space<vmem_shared>>) offsets(%arg6 : memref<128xi32, #tpu.memory_space<vmem>>) semaphore(%run_scoped3A : memref<!tpu.dma_semaphore, #tpu.memory_space<semaphore_mem>>) {add = true}
        %dma_wait3A = arith.constant 0 : i32
        %dma_wait3A_24 = arith.constant 0 : i32
        %dma_wait3A_25 = tpu.memref_slice %arg8[%dma_wait3A, %dma_wait3A_24] : memref<10240x128xf32, #tpu.memory_space<vmem_shared>> -> memref<10240x128xf32, #tpu.memory_space<vmem_shared>>
        tpu.wait_indirect_dma semaphore(%run_scoped3A : memref<!tpu.dma_semaphore, #tpu.memory_space<semaphore_mem>>) src(%arg7 : memref<128x128xf32, #tpu.memory_space<vmem>>) dst(%dma_wait3A_25 : memref<10240x128xf32, #tpu.memory_space<vmem_shared>>)
        tpu.yield
      }) : () -> ()
    }
    %scan3A_11 = arith.constant 160 : i32
    %barrier3A_12 = arith.constant 0 : index
    tpu.barrier barrier_id(%barrier3A_12)
    %mul3A_13 = arith.constant 640 : i32
    %mul3A_14 = arith.muli %arg1, %mul3A_13 : i32
    %mul3A_15 = arith.constant 640 : i32
    %mul3A_16 = arith.muli %arg1, %mul3A_15 : i32
    "tpu.region"() ({
      %run_scoped3A = tpu.sem_alloc : memref<!tpu.dma_semaphore, #tpu.memory_space<semaphore_mem>>
      %dma_start3A = arith.constant 0 : i32
      %dma_start3A_17 = tpu.memref_slice %arg5[%arg0, %mul3A_16, %dma_start3A] : memref<2x10240x128xf32, #tpu.memory_space<hbm>> -> memref<1x640x128xf32, #tpu.memory_space<hbm>>
      %dma_start3A_18 = tpu.memref_squeeze %dma_start3A_17 : memref<1x640x128xf32, #tpu.memory_space<hbm>> -> memref<640x128xf32, #tpu.memory_space<hbm>>
      %dma_start3A_19 = arith.constant 0 : i32
      %dma_start3A_20 = tpu.memref_slice %arg8[%mul3A_14, %dma_start3A_19] : memref<10240x128xf32, #tpu.memory_space<vmem_shared>> -> memref<640x128xf32, #tpu.memory_space<vmem_shared>>
      tpu.enqueue_dma source(%dma_start3A_20 : memref<640x128xf32, #tpu.memory_space<vmem_shared>>) target(%dma_start3A_18 : memref<640x128xf32, #tpu.memory_space<hbm>>) target_semaphore(%run_scoped3A : memref<!tpu.dma_semaphore, #tpu.memory_space<semaphore_mem>>)
      %dma_wait3A = arith.constant 0 : i32
      %dma_wait3A_21 = tpu.memref_slice %arg5[%arg0, %mul3A_16, %dma_wait3A] : memref<2x10240x128xf32, #tpu.memory_space<hbm>> -> memref<1x640x128xf32, #tpu.memory_space<hbm>>
      %dma_wait3A_22 = tpu.memref_squeeze %dma_wait3A_21 : memref<1x640x128xf32, #tpu.memory_space<hbm>> -> memref<640x128xf32, #tpu.memory_space<hbm>>
      %dma_wait3A_23 = arith.constant 0 : i32
      %dma_wait3A_24 = tpu.memref_slice %arg8[%mul3A_14, %dma_wait3A_23] : memref<10240x128xf32, #tpu.memory_space<vmem_shared>> -> memref<640x128xf32, #tpu.memory_space<vmem_shared>>
      tpu.wait_dma2 semaphore(%run_scoped3A : memref<!tpu.dma_semaphore, #tpu.memory_space<semaphore_mem>>) src(%dma_wait3A_24 : memref<640x128xf32, #tpu.memory_space<vmem_shared>>) dst(%dma_wait3A_22 : memref<640x128xf32, #tpu.memory_space<hbm>>)
      tpu.yield
    }) : () -> ()
    return
  }
}

#map = affine_map<(d0, d1) -> (0, 0)>
#map1 = affine_map<(d0, d1) -> (0, 0, 0)>
module attributes {stable_mosaic.version = 14 : i64} {
  func.func @_scatter_body(%arg0: i32, %arg1: i32, %arg2: memref<655360x128xf32, #tpu.memory_space<hbm>>, %arg3: memref<5120x128xi32, #tpu.memory_space<hbm>>, %arg4: memref<10240x128xf32, #tpu.memory_space<hbm>>, %arg5: memref<2x10240x128xf32, #tpu.memory_space<hbm>>, %arg6: memref<128xi32, #tpu.memory_space<vmem>>, %arg7: memref<128x128xf32, #tpu.memory_space<vmem>>, %arg8: memref<10240x128xf32, #tpu.memory_space<vmem_shared>>, %arg9: memref<!tpu.dma_semaphore, #tpu.memory_space<semaphore_mem>>) attributes {dimension_semantics = [#tpu.dimension_semantics<core_parallel>, #tpu.dimension_semantics<subcore_parallel>], iteration_bounds = array<i64: 2, 16>, scalar_prefetch = 0 : i64, scratch_operands = 4 : i64, tpu.core_type = #tpu.core_type<sc_vector_subcore>, window_params = [{transform_indices = #map}, {transform_indices = #map}, {transform_indices = #map}, {transform_indices = #map1}]} {
    %mul3A = arith.constant 2 : i32
    %mul3A_0 = arith.muli %arg1, %mul3A : i32
    %add3A = arith.addi %mul3A_0, %arg0 : i32
    %mul3A_1 = arith.constant 160 : i32
    %mul3A_2 = arith.muli %add3A, %mul3A_1 : i32
    %mul3A_3 = arith.constant 640 : i32
    %mul3A_4 = arith.muli %arg1, %mul3A_3 : i32
    %mul3A_5 = arith.constant 640 : i32
    %mul3A_6 = arith.muli %arg1, %mul3A_5 : i32
    "tpu.region"() ({
      %run_scoped3A = tpu.sem_alloc : memref<!tpu.dma_semaphore, #tpu.memory_space<semaphore_mem>>
      %dma_start3A = arith.constant 0 : i32
      %dma_start3A_17 = tpu.memref_slice %arg8[%mul3A_6, %dma_start3A] : memref<10240x128xf32, #tpu.memory_space<vmem_shared>> -> memref<640x128xf32, #tpu.memory_space<vmem_shared>>
      %dma_start3A_18 = arith.constant 0 : i32
      %dma_start3A_19 = tpu.memref_slice %arg4[%mul3A_4, %dma_start3A_18] : memref<10240x128xf32, #tpu.memory_space<hbm>> -> memref<640x128xf32, #tpu.memory_space<hbm>>
      tpu.enqueue_dma source(%dma_start3A_19 : memref<640x128xf32, #tpu.memory_space<hbm>>) target(%dma_start3A_17 : memref<640x128xf32, #tpu.memory_space<vmem_shared>>) target_semaphore(%run_scoped3A : memref<!tpu.dma_semaphore, #tpu.memory_space<semaphore_mem>>)
      %dma_wait3A = arith.constant 0 : i32
      %dma_wait3A_20 = tpu.memref_slice %arg8[%mul3A_6, %dma_wait3A] : memref<10240x128xf32, #tpu.memory_space<vmem_shared>> -> memref<640x128xf32, #tpu.memory_space<vmem_shared>>
      %dma_wait3A_21 = arith.constant 0 : i32
      %dma_wait3A_22 = tpu.memref_slice %arg4[%mul3A_4, %dma_wait3A_21] : memref<10240x128xf32, #tpu.memory_space<hbm>> -> memref<640x128xf32, #tpu.memory_space<hbm>>
      tpu.wait_dma2 semaphore(%run_scoped3A : memref<!tpu.dma_semaphore, #tpu.memory_space<semaphore_mem>>) src(%dma_wait3A_22 : memref<640x128xf32, #tpu.memory_space<hbm>>) dst(%dma_wait3A_20 : memref<640x128xf32, #tpu.memory_space<vmem_shared>>)
      tpu.yield
    }) : () -> ()
    %barrier3A = arith.constant 0 : index
    tpu.barrier barrier_id(%barrier3A)
    %scan3A = arith.constant 0 : i32
    %scan3A_7 = arith.constant 0 : i32
    %scan3A_8 = arith.constant 160 : i32
    %scan3A_9 = arith.addi %scan3A_7, %scan3A_8 : i32
    %scan3A_10 = arith.constant 1 : i32
    scf.for %scan3A_17 = %scan3A_7 to %scan3A_9 step %scan3A_10  : i32 {
      %add3A_18 = arith.addi %mul3A_2, %scan3A_17 : i32
      %mul3A_19 = arith.constant 128 : i32
      %mul3A_20 = arith.muli %add3A_18, %mul3A_19 : i32
      %add3A_21 = arith.addi %mul3A_2, %scan3A_17 : i32
      "tpu.region"() ({
        %run_scoped3A = tpu.sem_alloc : memref<!tpu.dma_semaphore, #tpu.memory_space<semaphore_mem>>
        %dma_start3A = arith.constant 0 : i32
        %dma_start3A_22 = tpu.memref_slice %arg3[%add3A_21, %dma_start3A] : memref<5120x128xi32, #tpu.memory_space<hbm>> -> memref<1x128xi32, #tpu.memory_space<hbm>>
        %dma_start3A_23 = tpu.memref_squeeze %dma_start3A_22 : memref<1x128xi32, #tpu.memory_space<hbm>> -> memref<128xi32, #tpu.memory_space<hbm>>
        %dma_start3A_24 = arith.constant 0 : i32
        %dma_start3A_25 = tpu.memref_slice %arg3[%add3A_21, %dma_start3A_24] : memref<5120x128xi32, #tpu.memory_space<hbm>> -> memref<1x128xi32, #tpu.memory_space<hbm>>
        %dma_start3A_26 = tpu.memref_squeeze %dma_start3A_25 : memref<1x128xi32, #tpu.memory_space<hbm>> -> memref<128xi32, #tpu.memory_space<hbm>>
        tpu.enqueue_dma source(%dma_start3A_26 : memref<128xi32, #tpu.memory_space<hbm>>) target(%arg6 : memref<128xi32, #tpu.memory_space<vmem>>) target_semaphore(%run_scoped3A : memref<!tpu.dma_semaphore, #tpu.memory_space<semaphore_mem>>)
        %dma_wait3A = arith.constant 0 : i32
        %dma_wait3A_27 = tpu.memref_slice %arg3[%add3A_21, %dma_wait3A] : memref<5120x128xi32, #tpu.memory_space<hbm>> -> memref<1x128xi32, #tpu.memory_space<hbm>>
        %dma_wait3A_28 = tpu.memref_squeeze %dma_wait3A_27 : memref<1x128xi32, #tpu.memory_space<hbm>> -> memref<128xi32, #tpu.memory_space<hbm>>
        %dma_wait3A_29 = arith.constant 0 : i32
        %dma_wait3A_30 = tpu.memref_slice %arg3[%add3A_21, %dma_wait3A_29] : memref<5120x128xi32, #tpu.memory_space<hbm>> -> memref<1x128xi32, #tpu.memory_space<hbm>>
        %dma_wait3A_31 = tpu.memref_squeeze %dma_wait3A_30 : memref<1x128xi32, #tpu.memory_space<hbm>> -> memref<128xi32, #tpu.memory_space<hbm>>
        tpu.wait_dma2 semaphore(%run_scoped3A : memref<!tpu.dma_semaphore, #tpu.memory_space<semaphore_mem>>) src(%dma_wait3A_31 : memref<128xi32, #tpu.memory_space<hbm>>) dst(%arg6 : memref<128xi32, #tpu.memory_space<vmem>>)
        tpu.yield
      }) : () -> ()
      "tpu.region"() ({
        %run_scoped3A = tpu.sem_alloc : memref<!tpu.dma_semaphore, #tpu.memory_space<semaphore_mem>>
        %dma_start3A = arith.constant 0 : i32
        %dma_start3A_22 = tpu.memref_slice %arg2[%mul3A_20, %dma_start3A] : memref<655360x128xf32, #tpu.memory_space<hbm>> -> memref<128x128xf32, #tpu.memory_space<hbm>>
        %dma_start3A_23 = arith.constant 0 : i32
        %dma_start3A_24 = tpu.memref_slice %arg2[%mul3A_20, %dma_start3A_23] : memref<655360x128xf32, #tpu.memory_space<hbm>> -> memref<128x128xf32, #tpu.memory_space<hbm>>
        tpu.enqueue_dma source(%dma_start3A_24 : memref<128x128xf32, #tpu.memory_space<hbm>>) target(%arg7 : memref<128x128xf32, #tpu.memory_space<vmem>>) target_semaphore(%run_scoped3A : memref<!tpu.dma_semaphore, #tpu.memory_space<semaphore_mem>>)
        %dma_wait3A = arith.constant 0 : i32
        %dma_wait3A_25 = tpu.memref_slice %arg2[%mul3A_20, %dma_wait3A] : memref<655360x128xf32, #tpu.memory_space<hbm>> -> memref<128x128xf32, #tpu.memory_space<hbm>>
        %dma_wait3A_26 = arith.constant 0 : i32
        %dma_wait3A_27 = tpu.memref_slice %arg2[%mul3A_20, %dma_wait3A_26] : memref<655360x128xf32, #tpu.memory_space<hbm>> -> memref<128x128xf32, #tpu.memory_space<hbm>>
        tpu.wait_dma2 semaphore(%run_scoped3A : memref<!tpu.dma_semaphore, #tpu.memory_space<semaphore_mem>>) src(%dma_wait3A_27 : memref<128x128xf32, #tpu.memory_space<hbm>>) dst(%arg7 : memref<128x128xf32, #tpu.memory_space<vmem>>)
        tpu.yield
      }) : () -> ()
      "tpu.region"() ({
        %run_scoped3A = tpu.sem_alloc : memref<!tpu.dma_semaphore, #tpu.memory_space<semaphore_mem>>
        %dma_start3A = arith.constant 0 : i32
        %dma_start3A_22 = arith.constant 0 : i32
        %dma_start3A_23 = tpu.memref_slice %arg8[%dma_start3A, %dma_start3A_22] : memref<10240x128xf32, #tpu.memory_space<vmem_shared>> -> memref<10240x128xf32, #tpu.memory_space<vmem_shared>>
        tpu.enqueue_indirect_dma source(%arg7 : memref<128x128xf32, #tpu.memory_space<vmem>>) target(%dma_start3A_23 : memref<10240x128xf32, #tpu.memory_space<vmem_shared>>) offsets(%arg6 : memref<128xi32, #tpu.memory_space<vmem>>) semaphore(%run_scoped3A : memref<!tpu.dma_semaphore, #tpu.memory_space<semaphore_mem>>) {add = true}
        %dma_wait3A = arith.constant 0 : i32
        %dma_wait3A_24 = arith.constant 0 : i32
        %dma_wait3A_25 = tpu.memref_slice %arg8[%dma_wait3A, %dma_wait3A_24] : memref<10240x128xf32, #tpu.memory_space<vmem_shared>> -> memref<10240x128xf32, #tpu.memory_space<vmem_shared>>
        tpu.wait_indirect_dma semaphore(%run_scoped3A : memref<!tpu.dma_semaphore, #tpu.memory_space<semaphore_mem>>) src(%arg7 : memref<128x128xf32, #tpu.memory_space<vmem>>) dst(%dma_wait3A_25 : memref<10240x128xf32, #tpu.memory_space<vmem_shared>>)
        tpu.yield
      }) : () -> ()
    }
    %scan3A_11 = arith.constant 160 : i32
    %barrier3A_12 = arith.constant 0 : index
    tpu.barrier barrier_id(%barrier3A_12)
    %mul3A_13 = arith.constant 640 : i32
    %mul3A_14 = arith.muli %arg1, %mul3A_13 : i32
    %mul3A_15 = arith.constant 640 : i32
    %mul3A_16 = arith.muli %arg1, %mul3A_15 : i32
    "tpu.region"() ({
      %run_scoped3A = tpu.sem_alloc : memref<!tpu.dma_semaphore, #tpu.memory_space<semaphore_mem>>
      %dma_start3A = arith.constant 0 : i32
      %dma_start3A_17 = tpu.memref_slice %arg5[%arg0, %mul3A_16, %dma_start3A] : memref<2x10240x128xf32, #tpu.memory_space<hbm>> -> memref<1x640x128xf32, #tpu.memory_space<hbm>>
      %dma_start3A_18 = tpu.memref_squeeze %dma_start3A_17 : memref<1x640x128xf32, #tpu.memory_space<hbm>> -> memref<640x128xf32, #tpu.memory_space<hbm>>
      %dma_start3A_19 = arith.constant 0 : i32
      %dma_start3A_20 = tpu.memref_slice %arg8[%mul3A_14, %dma_start3A_19] : memref<10240x128xf32, #tpu.memory_space<vmem_shared>> -> memref<640x128xf32, #tpu.memory_space<vmem_shared>>
      tpu.enqueue_dma source(%dma_start3A_20 : memref<640x128xf32, #tpu.memory_space<vmem_shared>>) target(%dma_start3A_18 : memref<640x128xf32, #tpu.memory_space<hbm>>) target_semaphore(%run_scoped3A : memref<!tpu.dma_semaphore, #tpu.memory_space<semaphore_mem>>)
      %dma_wait3A = arith.constant 0 : i32
      %dma_wait3A_21 = tpu.memref_slice %arg5[%arg0, %mul3A_16, %dma_wait3A] : memref<2x10240x128xf32, #tpu.memory_space<hbm>> -> memref<1x640x128xf32, #tpu.memory_space<hbm>>
      %dma_wait3A_22 = tpu.memref_squeeze %dma_wait3A_21 : memref<1x640x128xf32, #tpu.memory_space<hbm>> -> memref<640x128xf32, #tpu.memory_space<hbm>>
      %dma_wait3A_23 = arith.constant 0 : i32
      %dma_wait3A_24 = tpu.memref_slice %arg8[%mul3A_14, %dma_wait3A_23] : memref<10240x128xf32, #tpu.memory_space<vmem_shared>> -> memref<640x128xf32, #tpu.memory_space<vmem_shared>>
      tpu.wait_dma2 semaphore(%run_scoped3A : memref<!tpu.dma_semaphore, #tpu.memory_space<semaphore_mem>>) src(%dma_wait3A_24 : memref<640x128xf32, #tpu.memory_space<vmem_shared>>) dst(%dma_wait3A_22 : memref<640x128xf32, #tpu.memory_space<hbm>>)
      tpu.yield
    }) : () -> ()
    return
  }
}

#map = affine_map<(d0, d1) -> (0, 0)>
module attributes {stable_mosaic.version = 14 : i64} {
  func.func @_gather_body(%arg0: i32, %arg1: i32, %arg2: memref<10240x128xf32, #tpu.memory_space<hbm>>, %arg3: memref<10240x128xf32, #tpu.memory_space<hbm>>, %arg4: memref<5120x128xi32, #tpu.memory_space<hbm>>, %arg5: memref<5120x128xi32, #tpu.memory_space<hbm>>, %arg6: memref<655360x128xf32, #tpu.memory_space<hbm>>, %arg7: memref<655360x128xf32, #tpu.memory_space<hbm>>, %arg8: memref<128xi32, #tpu.memory_space<vmem>>, %arg9: memref<128xi32, #tpu.memory_space<vmem>>, %arg10: memref<128xi32, #tpu.memory_space<vmem>>, %arg11: memref<128xi32, #tpu.memory_space<vmem>>, %arg12: memref<128x128xf32, #tpu.memory_space<vmem>>, %arg13: memref<128x128xf32, #tpu.memory_space<vmem>>, %arg14: memref<128x128xf32, #tpu.memory_space<vmem>>, %arg15: memref<128x128xf32, #tpu.memory_space<vmem>>, %arg16: memref<!tpu.dma_semaphore, #tpu.memory_space<semaphore_mem>>, %arg17: memref<!tpu.dma_semaphore, #tpu.memory_space<semaphore_mem>>, %arg18: memref<!tpu.dma_semaphore, #tpu.memory_space<semaphore_mem>>, %arg19: memref<!tpu.dma_semaphore, #tpu.memory_space<semaphore_mem>>, %arg20: memref<!tpu.dma_semaphore, #tpu.memory_space<semaphore_mem>>, %arg21: memref<!tpu.dma_semaphore, #tpu.memory_space<semaphore_mem>>) attributes {dimension_semantics = [#tpu.dimension_semantics<core_parallel>, #tpu.dimension_semantics<subcore_parallel>], iteration_bounds = array<i64: 2, 16>, scalar_prefetch = 0 : i64, scratch_operands = 14 : i64, tpu.core_type = #tpu.core_type<sc_vector_subcore>, window_params = [{transform_indices = #map}, {transform_indices = #map}, {transform_indices = #map}, {transform_indices = #map}, {transform_indices = #map}, {transform_indices = #map}]} {
    %mul3A = arith.constant 2 : i32
    %mul3A_0 = arith.muli %arg1, %mul3A : i32
    %add3A = arith.addi %mul3A_0, %arg0 : i32
    %mul3A_1 = arith.constant 160 : i32
    %mul3A_2 = arith.muli %add3A, %mul3A_1 : i32
    %scan3A = arith.constant 0 : i32
    %scan3A_3 = arith.constant 0 : i32
    %scan3A_4 = arith.constant 160 : i32
    %scan3A_5 = arith.addi %scan3A_3, %scan3A_4 : i32
    %scan3A_6 = arith.constant 1 : i32
    scf.for %scan3A_8 = %scan3A_3 to %scan3A_5 step %scan3A_6  : i32 {
      %add3A_9 = arith.addi %mul3A_2, %scan3A_8 : i32
      %mul3A_10 = arith.constant 128 : i32
      %mul3A_11 = arith.muli %add3A_9, %mul3A_10 : i32
      "tpu.region"() ({
        %run_scoped3A = tpu.sem_alloc : memref<!tpu.dma_semaphore, #tpu.memory_space<semaphore_mem>>
        %dma_start3A_22 = arith.constant 0 : i32
        %dma_start3A_23 = tpu.memref_slice %arg4[%add3A_9, %dma_start3A_22] : memref<5120x128xi32, #tpu.memory_space<hbm>> -> memref<1x128xi32, #tpu.memory_space<hbm>>
        %dma_start3A_24 = tpu.memref_squeeze %dma_start3A_23 : memref<1x128xi32, #tpu.memory_space<hbm>> -> memref<128xi32, #tpu.memory_space<hbm>>
        %dma_start3A_25 = arith.constant 0 : i32
        %dma_start3A_26 = tpu.memref_slice %arg4[%add3A_9, %dma_start3A_25] : memref<5120x128xi32, #tpu.memory_space<hbm>> -> memref<1x128xi32, #tpu.memory_space<hbm>>
        %dma_start3A_27 = tpu.memref_squeeze %dma_start3A_26 : memref<1x128xi32, #tpu.memory_space<hbm>> -> memref<128xi32, #tpu.memory_space<hbm>>
        tpu.enqueue_dma source(%dma_start3A_27 : memref<128xi32, #tpu.memory_space<hbm>>) target(%arg8 : memref<128xi32, #tpu.memory_space<vmem>>) target_semaphore(%run_scoped3A : memref<!tpu.dma_semaphore, #tpu.memory_space<semaphore_mem>>)
        %dma_wait3A_28 = arith.constant 0 : i32
        %dma_wait3A_29 = tpu.memref_slice %arg4[%add3A_9, %dma_wait3A_28] : memref<5120x128xi32, #tpu.memory_space<hbm>> -> memref<1x128xi32, #tpu.memory_space<hbm>>
        %dma_wait3A_30 = tpu.memref_squeeze %dma_wait3A_29 : memref<1x128xi32, #tpu.memory_space<hbm>> -> memref<128xi32, #tpu.memory_space<hbm>>
        %dma_wait3A_31 = arith.constant 0 : i32
        %dma_wait3A_32 = tpu.memref_slice %arg4[%add3A_9, %dma_wait3A_31] : memref<5120x128xi32, #tpu.memory_space<hbm>> -> memref<1x128xi32, #tpu.memory_space<hbm>>
        %dma_wait3A_33 = tpu.memref_squeeze %dma_wait3A_32 : memref<1x128xi32, #tpu.memory_space<hbm>> -> memref<128xi32, #tpu.memory_space<hbm>>
        tpu.wait_dma2 semaphore(%run_scoped3A : memref<!tpu.dma_semaphore, #tpu.memory_space<semaphore_mem>>) src(%dma_wait3A_33 : memref<128xi32, #tpu.memory_space<hbm>>) dst(%arg8 : memref<128xi32, #tpu.memory_space<vmem>>)
        tpu.yield
      }) : () -> ()
      "tpu.region"() ({
        %run_scoped3A = tpu.sem_alloc : memref<!tpu.dma_semaphore, #tpu.memory_space<semaphore_mem>>
        %dma_start3A_22 = arith.constant 0 : i32
        %dma_start3A_23 = tpu.memref_slice %arg5[%add3A_9, %dma_start3A_22] : memref<5120x128xi32, #tpu.memory_space<hbm>> -> memref<1x128xi32, #tpu.memory_space<hbm>>
        %dma_start3A_24 = tpu.memref_squeeze %dma_start3A_23 : memref<1x128xi32, #tpu.memory_space<hbm>> -> memref<128xi32, #tpu.memory_space<hbm>>
        %dma_start3A_25 = arith.constant 0 : i32
        %dma_start3A_26 = tpu.memref_slice %arg5[%add3A_9, %dma_start3A_25] : memref<5120x128xi32, #tpu.memory_space<hbm>> -> memref<1x128xi32, #tpu.memory_space<hbm>>
        %dma_start3A_27 = tpu.memref_squeeze %dma_start3A_26 : memref<1x128xi32, #tpu.memory_space<hbm>> -> memref<128xi32, #tpu.memory_space<hbm>>
        tpu.enqueue_dma source(%dma_start3A_27 : memref<128xi32, #tpu.memory_space<hbm>>) target(%arg10 : memref<128xi32, #tpu.memory_space<vmem>>) target_semaphore(%run_scoped3A : memref<!tpu.dma_semaphore, #tpu.memory_space<semaphore_mem>>)
        %dma_wait3A_28 = arith.constant 0 : i32
        %dma_wait3A_29 = tpu.memref_slice %arg5[%add3A_9, %dma_wait3A_28] : memref<5120x128xi32, #tpu.memory_space<hbm>> -> memref<1x128xi32, #tpu.memory_space<hbm>>
        %dma_wait3A_30 = tpu.memref_squeeze %dma_wait3A_29 : memref<1x128xi32, #tpu.memory_space<hbm>> -> memref<128xi32, #tpu.memory_space<hbm>>
        %dma_wait3A_31 = arith.constant 0 : i32
        %dma_wait3A_32 = tpu.memref_slice %arg5[%add3A_9, %dma_wait3A_31] : memref<5120x128xi32, #tpu.memory_space<hbm>> -> memref<1x128xi32, #tpu.memory_space<hbm>>
        %dma_wait3A_33 = tpu.memref_squeeze %dma_wait3A_32 : memref<1x128xi32, #tpu.memory_space<hbm>> -> memref<128xi32, #tpu.memory_space<hbm>>
        tpu.wait_dma2 semaphore(%run_scoped3A : memref<!tpu.dma_semaphore, #tpu.memory_space<semaphore_mem>>) src(%dma_wait3A_33 : memref<128xi32, #tpu.memory_space<hbm>>) dst(%arg10 : memref<128xi32, #tpu.memory_space<vmem>>)
        tpu.yield
      }) : () -> ()
      %dma_start3A = arith.constant 0 : i32
      %dma_start3A_12 = arith.constant 0 : i32
      %dma_start3A_13 = tpu.memref_slice %arg2[%dma_start3A, %dma_start3A_12] : memref<10240x128xf32, #tpu.memory_space<hbm>> -> memref<10240x128xf32, #tpu.memory_space<hbm>>
      tpu.enqueue_indirect_dma source(%dma_start3A_13 : memref<10240x128xf32, #tpu.memory_space<hbm>>) target(%arg12 : memref<128x128xf32, #tpu.memory_space<vmem>>) offsets(%arg8 : memref<128xi32, #tpu.memory_space<vmem>>) semaphore(%arg17 : memref<!tpu.dma_semaphore, #tpu.memory_space<semaphore_mem>>)
      %dma_start3A_14 = arith.constant 0 : i32
      %dma_start3A_15 = arith.constant 0 : i32
      %dma_start3A_16 = tpu.memref_slice %arg3[%dma_start3A_14, %dma_start3A_15] : memref<10240x128xf32, #tpu.memory_space<hbm>> -> memref<10240x128xf32, #tpu.memory_space<hbm>>
      tpu.enqueue_indirect_dma source(%dma_start3A_16 : memref<10240x128xf32, #tpu.memory_space<hbm>>) target(%arg14 : memref<128x128xf32, #tpu.memory_space<vmem>>) offsets(%arg10 : memref<128xi32, #tpu.memory_space<vmem>>) semaphore(%arg18 : memref<!tpu.dma_semaphore, #tpu.memory_space<semaphore_mem>>)
      %dma_wait3A = arith.constant 0 : i32
      %dma_wait3A_17 = arith.constant 0 : i32
      %dma_wait3A_18 = tpu.memref_slice %arg2[%dma_wait3A, %dma_wait3A_17] : memref<10240x128xf32, #tpu.memory_space<hbm>> -> memref<10240x128xf32, #tpu.memory_space<hbm>>
      tpu.wait_indirect_dma semaphore(%arg17 : memref<!tpu.dma_semaphore, #tpu.memory_space<semaphore_mem>>) src(%dma_wait3A_18 : memref<10240x128xf32, #tpu.memory_space<hbm>>) dst(%arg12 : memref<128x128xf32, #tpu.memory_space<vmem>>)
      %dma_wait3A_19 = arith.constant 0 : i32
      %dma_wait3A_20 = arith.constant 0 : i32
      %dma_wait3A_21 = tpu.memref_slice %arg3[%dma_wait3A_19, %dma_wait3A_20] : memref<10240x128xf32, #tpu.memory_space<hbm>> -> memref<10240x128xf32, #tpu.memory_space<hbm>>
      tpu.wait_indirect_dma semaphore(%arg18 : memref<!tpu.dma_semaphore, #tpu.memory_space<semaphore_mem>>) src(%dma_wait3A_21 : memref<10240x128xf32, #tpu.memory_space<hbm>>) dst(%arg14 : memref<128x128xf32, #tpu.memory_space<vmem>>)
      "tpu.region"() ({
        %run_scoped3A = tpu.sem_alloc : memref<!tpu.dma_semaphore, #tpu.memory_space<semaphore_mem>>
        %dma_start3A_22 = arith.constant 0 : i32
        %dma_start3A_23 = tpu.memref_slice %arg6[%mul3A_11, %dma_start3A_22] : memref<655360x128xf32, #tpu.memory_space<hbm>> -> memref<128x128xf32, #tpu.memory_space<hbm>>
        %dma_start3A_24 = arith.constant 0 : i32
        %dma_start3A_25 = tpu.memref_slice %arg6[%mul3A_11, %dma_start3A_24] : memref<655360x128xf32, #tpu.memory_space<hbm>> -> memref<128x128xf32, #tpu.memory_space<hbm>>
        tpu.enqueue_dma source(%arg12 : memref<128x128xf32, #tpu.memory_space<vmem>>) target(%dma_start3A_25 : memref<128x128xf32, #tpu.memory_space<hbm>>) target_semaphore(%run_scoped3A : memref<!tpu.dma_semaphore, #tpu.memory_space<semaphore_mem>>)
        %dma_wait3A_26 = arith.constant 0 : i32
        %dma_wait3A_27 = tpu.memref_slice %arg6[%mul3A_11, %dma_wait3A_26] : memref<655360x128xf32, #tpu.memory_space<hbm>> -> memref<128x128xf32, #tpu.memory_space<hbm>>
        %dma_wait3A_28 = arith.constant 0 : i32
        %dma_wait3A_29 = tpu.memref_slice %arg6[%mul3A_11, %dma_wait3A_28] : memref<655360x128xf32, #tpu.memory_space<hbm>> -> memref<128x128xf32, #tpu.memory_space<hbm>>
        tpu.wait_dma2 semaphore(%run_scoped3A : memref<!tpu.dma_semaphore, #tpu.memory_space<semaphore_mem>>) src(%arg12 : memref<128x128xf32, #tpu.memory_space<vmem>>) dst(%dma_wait3A_29 : memref<128x128xf32, #tpu.memory_space<hbm>>)
        tpu.yield
      }) : () -> ()
      "tpu.region"() ({
        %run_scoped3A = tpu.sem_alloc : memref<!tpu.dma_semaphore, #tpu.memory_space<semaphore_mem>>
        %dma_start3A_22 = arith.constant 0 : i32
        %dma_start3A_23 = tpu.memref_slice %arg7[%mul3A_11, %dma_start3A_22] : memref<655360x128xf32, #tpu.memory_space<hbm>> -> memref<128x128xf32, #tpu.memory_space<hbm>>
        %dma_start3A_24 = arith.constant 0 : i32
        %dma_start3A_25 = tpu.memref_slice %arg7[%mul3A_11, %dma_start3A_24] : memref<655360x128xf32, #tpu.memory_space<hbm>> -> memref<128x128xf32, #tpu.memory_space<hbm>>
        tpu.enqueue_dma source(%arg14 : memref<128x128xf32, #tpu.memory_space<vmem>>) target(%dma_start3A_25 : memref<128x128xf32, #tpu.memory_space<hbm>>) target_semaphore(%run_scoped3A : memref<!tpu.dma_semaphore, #tpu.memory_space<semaphore_mem>>)
        %dma_wait3A_26 = arith.constant 0 : i32
        %dma_wait3A_27 = tpu.memref_slice %arg7[%mul3A_11, %dma_wait3A_26] : memref<655360x128xf32, #tpu.memory_space<hbm>> -> memref<128x128xf32, #tpu.memory_space<hbm>>
        %dma_wait3A_28 = arith.constant 0 : i32
        %dma_wait3A_29 = tpu.memref_slice %arg7[%mul3A_11, %dma_wait3A_28] : memref<655360x128xf32, #tpu.memory_space<hbm>> -> memref<128x128xf32, #tpu.memory_space<hbm>>
        tpu.wait_dma2 semaphore(%run_scoped3A : memref<!tpu.dma_semaphore, #tpu.memory_space<semaphore_mem>>) src(%arg14 : memref<128x128xf32, #tpu.memory_space<vmem>>) dst(%dma_wait3A_29 : memref<128x128xf32, #tpu.memory_space<hbm>>)
        tpu.yield
      }) : () -> ()
    }
    %scan3A_7 = arith.constant 160 : i32
    return
  }
}

#map = affine_map<(d0, d1) -> (0, 0)>
module attributes {stable_mosaic.version = 14 : i64} {
  func.func @_gather_body(%arg0: i32, %arg1: i32, %arg2: memref<10240x128xf32, #tpu.memory_space<hbm>>, %arg3: memref<10240x128xf32, #tpu.memory_space<hbm>>, %arg4: memref<5120x128xi32, #tpu.memory_space<hbm>>, %arg5: memref<5120x128xi32, #tpu.memory_space<hbm>>, %arg6: memref<655360x128xf32, #tpu.memory_space<hbm>>, %arg7: memref<655360x128xf32, #tpu.memory_space<hbm>>, %arg8: memref<128xi32, #tpu.memory_space<vmem>>, %arg9: memref<128xi32, #tpu.memory_space<vmem>>, %arg10: memref<128xi32, #tpu.memory_space<vmem>>, %arg11: memref<128xi32, #tpu.memory_space<vmem>>, %arg12: memref<128x128xf32, #tpu.memory_space<vmem>>, %arg13: memref<128x128xf32, #tpu.memory_space<vmem>>, %arg14: memref<128x128xf32, #tpu.memory_space<vmem>>, %arg15: memref<128x128xf32, #tpu.memory_space<vmem>>, %arg16: memref<!tpu.dma_semaphore, #tpu.memory_space<semaphore_mem>>, %arg17: memref<!tpu.dma_semaphore, #tpu.memory_space<semaphore_mem>>, %arg18: memref<!tpu.dma_semaphore, #tpu.memory_space<semaphore_mem>>, %arg19: memref<!tpu.dma_semaphore, #tpu.memory_space<semaphore_mem>>, %arg20: memref<!tpu.dma_semaphore, #tpu.memory_space<semaphore_mem>>, %arg21: memref<!tpu.dma_semaphore, #tpu.memory_space<semaphore_mem>>) attributes {dimension_semantics = [#tpu.dimension_semantics<core_parallel>, #tpu.dimension_semantics<subcore_parallel>], iteration_bounds = array<i64: 2, 16>, scalar_prefetch = 0 : i64, scratch_operands = 14 : i64, tpu.core_type = #tpu.core_type<sc_vector_subcore>, window_params = [{transform_indices = #map}, {transform_indices = #map}, {transform_indices = #map}, {transform_indices = #map}, {transform_indices = #map}, {transform_indices = #map}]} {
    %mul3A = arith.constant 2 : i32
    %mul3A_0 = arith.muli %arg1, %mul3A : i32
    %add3A = arith.addi %mul3A_0, %arg0 : i32
    %mul3A_1 = arith.constant 160 : i32
    %mul3A_2 = arith.muli %add3A, %mul3A_1 : i32
    %scan3A = arith.constant 0 : i32
    %scan3A_3 = arith.constant 0 : i32
    %scan3A_4 = arith.constant 160 : i32
    %scan3A_5 = arith.addi %scan3A_3, %scan3A_4 : i32
    %scan3A_6 = arith.constant 1 : i32
    scf.for %scan3A_8 = %scan3A_3 to %scan3A_5 step %scan3A_6  : i32 {
      %add3A_9 = arith.addi %mul3A_2, %scan3A_8 : i32
      %mul3A_10 = arith.constant 128 : i32
      %mul3A_11 = arith.muli %add3A_9, %mul3A_10 : i32
      "tpu.region"() ({
        %run_scoped3A = tpu.sem_alloc : memref<!tpu.dma_semaphore, #tpu.memory_space<semaphore_mem>>
        %dma_start3A_22 = arith.constant 0 : i32
        %dma_start3A_23 = tpu.memref_slice %arg4[%add3A_9, %dma_start3A_22] : memref<5120x128xi32, #tpu.memory_space<hbm>> -> memref<1x128xi32, #tpu.memory_space<hbm>>
        %dma_start3A_24 = tpu.memref_squeeze %dma_start3A_23 : memref<1x128xi32, #tpu.memory_space<hbm>> -> memref<128xi32, #tpu.memory_space<hbm>>
        %dma_start3A_25 = arith.constant 0 : i32
        %dma_start3A_26 = tpu.memref_slice %arg4[%add3A_9, %dma_start3A_25] : memref<5120x128xi32, #tpu.memory_space<hbm>> -> memref<1x128xi32, #tpu.memory_space<hbm>>
        %dma_start3A_27 = tpu.memref_squeeze %dma_start3A_26 : memref<1x128xi32, #tpu.memory_space<hbm>> -> memref<128xi32, #tpu.memory_space<hbm>>
        tpu.enqueue_dma source(%dma_start3A_27 : memref<128xi32, #tpu.memory_space<hbm>>) target(%arg8 : memref<128xi32, #tpu.memory_space<vmem>>) target_semaphore(%run_scoped3A : memref<!tpu.dma_semaphore, #tpu.memory_space<semaphore_mem>>)
        %dma_wait3A_28 = arith.constant 0 : i32
        %dma_wait3A_29 = tpu.memref_slice %arg4[%add3A_9, %dma_wait3A_28] : memref<5120x128xi32, #tpu.memory_space<hbm>> -> memref<1x128xi32, #tpu.memory_space<hbm>>
        %dma_wait3A_30 = tpu.memref_squeeze %dma_wait3A_29 : memref<1x128xi32, #tpu.memory_space<hbm>> -> memref<128xi32, #tpu.memory_space<hbm>>
        %dma_wait3A_31 = arith.constant 0 : i32
        %dma_wait3A_32 = tpu.memref_slice %arg4[%add3A_9, %dma_wait3A_31] : memref<5120x128xi32, #tpu.memory_space<hbm>> -> memref<1x128xi32, #tpu.memory_space<hbm>>
        %dma_wait3A_33 = tpu.memref_squeeze %dma_wait3A_32 : memref<1x128xi32, #tpu.memory_space<hbm>> -> memref<128xi32, #tpu.memory_space<hbm>>
        tpu.wait_dma2 semaphore(%run_scoped3A : memref<!tpu.dma_semaphore, #tpu.memory_space<semaphore_mem>>) src(%dma_wait3A_33 : memref<128xi32, #tpu.memory_space<hbm>>) dst(%arg8 : memref<128xi32, #tpu.memory_space<vmem>>)
        tpu.yield
      }) : () -> ()
      "tpu.region"() ({
        %run_scoped3A = tpu.sem_alloc : memref<!tpu.dma_semaphore, #tpu.memory_space<semaphore_mem>>
        %dma_start3A_22 = arith.constant 0 : i32
        %dma_start3A_23 = tpu.memref_slice %arg5[%add3A_9, %dma_start3A_22] : memref<5120x128xi32, #tpu.memory_space<hbm>> -> memref<1x128xi32, #tpu.memory_space<hbm>>
        %dma_start3A_24 = tpu.memref_squeeze %dma_start3A_23 : memref<1x128xi32, #tpu.memory_space<hbm>> -> memref<128xi32, #tpu.memory_space<hbm>>
        %dma_start3A_25 = arith.constant 0 : i32
        %dma_start3A_26 = tpu.memref_slice %arg5[%add3A_9, %dma_start3A_25] : memref<5120x128xi32, #tpu.memory_space<hbm>> -> memref<1x128xi32, #tpu.memory_space<hbm>>
        %dma_start3A_27 = tpu.memref_squeeze %dma_start3A_26 : memref<1x128xi32, #tpu.memory_space<hbm>> -> memref<128xi32, #tpu.memory_space<hbm>>
        tpu.enqueue_dma source(%dma_start3A_27 : memref<128xi32, #tpu.memory_space<hbm>>) target(%arg10 : memref<128xi32, #tpu.memory_space<vmem>>) target_semaphore(%run_scoped3A : memref<!tpu.dma_semaphore, #tpu.memory_space<semaphore_mem>>)
        %dma_wait3A_28 = arith.constant 0 : i32
        %dma_wait3A_29 = tpu.memref_slice %arg5[%add3A_9, %dma_wait3A_28] : memref<5120x128xi32, #tpu.memory_space<hbm>> -> memref<1x128xi32, #tpu.memory_space<hbm>>
        %dma_wait3A_30 = tpu.memref_squeeze %dma_wait3A_29 : memref<1x128xi32, #tpu.memory_space<hbm>> -> memref<128xi32, #tpu.memory_space<hbm>>
        %dma_wait3A_31 = arith.constant 0 : i32
        %dma_wait3A_32 = tpu.memref_slice %arg5[%add3A_9, %dma_wait3A_31] : memref<5120x128xi32, #tpu.memory_space<hbm>> -> memref<1x128xi32, #tpu.memory_space<hbm>>
        %dma_wait3A_33 = tpu.memref_squeeze %dma_wait3A_32 : memref<1x128xi32, #tpu.memory_space<hbm>> -> memref<128xi32, #tpu.memory_space<hbm>>
        tpu.wait_dma2 semaphore(%run_scoped3A : memref<!tpu.dma_semaphore, #tpu.memory_space<semaphore_mem>>) src(%dma_wait3A_33 : memref<128xi32, #tpu.memory_space<hbm>>) dst(%arg10 : memref<128xi32, #tpu.memory_space<vmem>>)
        tpu.yield
      }) : () -> ()
      %dma_start3A = arith.constant 0 : i32
      %dma_start3A_12 = arith.constant 0 : i32
      %dma_start3A_13 = tpu.memref_slice %arg2[%dma_start3A, %dma_start3A_12] : memref<10240x128xf32, #tpu.memory_space<hbm>> -> memref<10240x128xf32, #tpu.memory_space<hbm>>
      tpu.enqueue_indirect_dma source(%dma_start3A_13 : memref<10240x128xf32, #tpu.memory_space<hbm>>) target(%arg12 : memref<128x128xf32, #tpu.memory_space<vmem>>) offsets(%arg8 : memref<128xi32, #tpu.memory_space<vmem>>) semaphore(%arg17 : memref<!tpu.dma_semaphore, #tpu.memory_space<semaphore_mem>>)
      %dma_start3A_14 = arith.constant 0 : i32
      %dma_start3A_15 = arith.constant 0 : i32
      %dma_start3A_16 = tpu.memref_slice %arg3[%dma_start3A_14, %dma_start3A_15] : memref<10240x128xf32, #tpu.memory_space<hbm>> -> memref<10240x128xf32, #tpu.memory_space<hbm>>
      tpu.enqueue_indirect_dma source(%dma_start3A_16 : memref<10240x128xf32, #tpu.memory_space<hbm>>) target(%arg14 : memref<128x128xf32, #tpu.memory_space<vmem>>) offsets(%arg10 : memref<128xi32, #tpu.memory_space<vmem>>) semaphore(%arg18 : memref<!tpu.dma_semaphore, #tpu.memory_space<semaphore_mem>>)
      %dma_wait3A = arith.constant 0 : i32
      %dma_wait3A_17 = arith.constant 0 : i32
      %dma_wait3A_18 = tpu.memref_slice %arg2[%dma_wait3A, %dma_wait3A_17] : memref<10240x128xf32, #tpu.memory_space<hbm>> -> memref<10240x128xf32, #tpu.memory_space<hbm>>
      tpu.wait_indirect_dma semaphore(%arg17 : memref<!tpu.dma_semaphore, #tpu.memory_space<semaphore_mem>>) src(%dma_wait3A_18 : memref<10240x128xf32, #tpu.memory_space<hbm>>) dst(%arg12 : memref<128x128xf32, #tpu.memory_space<vmem>>)
      %dma_wait3A_19 = arith.constant 0 : i32
      %dma_wait3A_20 = arith.constant 0 : i32
      %dma_wait3A_21 = tpu.memref_slice %arg3[%dma_wait3A_19, %dma_wait3A_20] : memref<10240x128xf32, #tpu.memory_space<hbm>> -> memref<10240x128xf32, #tpu.memory_space<hbm>>
      tpu.wait_indirect_dma semaphore(%arg18 : memref<!tpu.dma_semaphore, #tpu.memory_space<semaphore_mem>>) src(%dma_wait3A_21 : memref<10240x128xf32, #tpu.memory_space<hbm>>) dst(%arg14 : memref<128x128xf32, #tpu.memory_space<vmem>>)
      "tpu.region"() ({
        %run_scoped3A = tpu.sem_alloc : memref<!tpu.dma_semaphore, #tpu.memory_space<semaphore_mem>>
        %dma_start3A_22 = arith.constant 0 : i32
        %dma_start3A_23 = tpu.memref_slice %arg6[%mul3A_11, %dma_start3A_22] : memref<655360x128xf32, #tpu.memory_space<hbm>> -> memref<128x128xf32, #tpu.memory_space<hbm>>
        %dma_start3A_24 = arith.constant 0 : i32
        %dma_start3A_25 = tpu.memref_slice %arg6[%mul3A_11, %dma_start3A_24] : memref<655360x128xf32, #tpu.memory_space<hbm>> -> memref<128x128xf32, #tpu.memory_space<hbm>>
        tpu.enqueue_dma source(%arg12 : memref<128x128xf32, #tpu.memory_space<vmem>>) target(%dma_start3A_25 : memref<128x128xf32, #tpu.memory_space<hbm>>) target_semaphore(%run_scoped3A : memref<!tpu.dma_semaphore, #tpu.memory_space<semaphore_mem>>)
        %dma_wait3A_26 = arith.constant 0 : i32
        %dma_wait3A_27 = tpu.memref_slice %arg6[%mul3A_11, %dma_wait3A_26] : memref<655360x128xf32, #tpu.memory_space<hbm>> -> memref<128x128xf32, #tpu.memory_space<hbm>>
        %dma_wait3A_28 = arith.constant 0 : i32
        %dma_wait3A_29 = tpu.memref_slice %arg6[%mul3A_11, %dma_wait3A_28] : memref<655360x128xf32, #tpu.memory_space<hbm>> -> memref<128x128xf32, #tpu.memory_space<hbm>>
        tpu.wait_dma2 semaphore(%run_scoped3A : memref<!tpu.dma_semaphore, #tpu.memory_space<semaphore_mem>>) src(%arg12 : memref<128x128xf32, #tpu.memory_space<vmem>>) dst(%dma_wait3A_29 : memref<128x128xf32, #tpu.memory_space<hbm>>)
        tpu.yield
      }) : () -> ()
      "tpu.region"() ({
        %run_scoped3A = tpu.sem_alloc : memref<!tpu.dma_semaphore, #tpu.memory_space<semaphore_mem>>
        %dma_start3A_22 = arith.constant 0 : i32
        %dma_start3A_23 = tpu.memref_slice %arg7[%mul3A_11, %dma_start3A_22] : memref<655360x128xf32, #tpu.memory_space<hbm>> -> memref<128x128xf32, #tpu.memory_space<hbm>>
        %dma_start3A_24 = arith.constant 0 : i32
        %dma_start3A_25 = tpu.memref_slice %arg7[%mul3A_11, %dma_start3A_24] : memref<655360x128xf32, #tpu.memory_space<hbm>> -> memref<128x128xf32, #tpu.memory_space<hbm>>
        tpu.enqueue_dma source(%arg14 : memref<128x128xf32, #tpu.memory_space<vmem>>) target(%dma_start3A_25 : memref<128x128xf32, #tpu.memory_space<hbm>>) target_semaphore(%run_scoped3A : memref<!tpu.dma_semaphore, #tpu.memory_space<semaphore_mem>>)
        %dma_wait3A_26 = arith.constant 0 : i32
        %dma_wait3A_27 = tpu.memref_slice %arg7[%mul3A_11, %dma_wait3A_26] : memref<655360x128xf32, #tpu.memory_space<hbm>> -> memref<128x128xf32, #tpu.memory_space<hbm>>
        %dma_wait3A_28 = arith.constant 0 : i32
        %dma_wait3A_29 = tpu.memref_slice %arg7[%mul3A_11, %dma_wait3A_28] : memref<655360x128xf32, #tpu.memory_space<hbm>> -> memref<128x128xf32, #tpu.memory_space<hbm>>
        tpu.wait_dma2 semaphore(%run_scoped3A : memref<!tpu.dma_semaphore, #tpu.memory_space<semaphore_mem>>) src(%arg14 : memref<128x128xf32, #tpu.memory_space<vmem>>) dst(%dma_wait3A_29 : memref<128x128xf32, #tpu.memory_space<hbm>>)
        tpu.yield
      }) : () -> ()
    }
    %scan3A_7 = arith.constant 160 : i32
    return
  }
}

#map = affine_map<(d0, d1) -> (0, 0)>
#map1 = affine_map<(d0, d1) -> (0, 0, 0)>
module attributes {stable_mosaic.version = 14 : i64} {
  func.func @_scatter_body(%arg0: i32, %arg1: i32, %arg2: memref<655360x128xf32, #tpu.memory_space<hbm>>, %arg3: memref<5120x128xi32, #tpu.memory_space<hbm>>, %arg4: memref<10240x128xf32, #tpu.memory_space<hbm>>, %arg5: memref<2x10240x128xf32, #tpu.memory_space<hbm>>, %arg6: memref<128xi32, #tpu.memory_space<vmem>>, %arg7: memref<128x128xf32, #tpu.memory_space<vmem>>, %arg8: memref<10240x128xf32, #tpu.memory_space<vmem_shared>>, %arg9: memref<!tpu.dma_semaphore, #tpu.memory_space<semaphore_mem>>) attributes {dimension_semantics = [#tpu.dimension_semantics<core_parallel>, #tpu.dimension_semantics<subcore_parallel>], iteration_bounds = array<i64: 2, 16>, scalar_prefetch = 0 : i64, scratch_operands = 4 : i64, tpu.core_type = #tpu.core_type<sc_vector_subcore>, window_params = [{transform_indices = #map}, {transform_indices = #map}, {transform_indices = #map}, {transform_indices = #map1}]} {
    %mul3A = arith.constant 2 : i32
    %mul3A_0 = arith.muli %arg1, %mul3A : i32
    %add3A = arith.addi %mul3A_0, %arg0 : i32
    %mul3A_1 = arith.constant 160 : i32
    %mul3A_2 = arith.muli %add3A, %mul3A_1 : i32
    %mul3A_3 = arith.constant 640 : i32
    %mul3A_4 = arith.muli %arg1, %mul3A_3 : i32
    %mul3A_5 = arith.constant 640 : i32
    %mul3A_6 = arith.muli %arg1, %mul3A_5 : i32
    "tpu.region"() ({
      %run_scoped3A = tpu.sem_alloc : memref<!tpu.dma_semaphore, #tpu.memory_space<semaphore_mem>>
      %dma_start3A = arith.constant 0 : i32
      %dma_start3A_17 = tpu.memref_slice %arg8[%mul3A_6, %dma_start3A] : memref<10240x128xf32, #tpu.memory_space<vmem_shared>> -> memref<640x128xf32, #tpu.memory_space<vmem_shared>>
      %dma_start3A_18 = arith.constant 0 : i32
      %dma_start3A_19 = tpu.memref_slice %arg4[%mul3A_4, %dma_start3A_18] : memref<10240x128xf32, #tpu.memory_space<hbm>> -> memref<640x128xf32, #tpu.memory_space<hbm>>
      tpu.enqueue_dma source(%dma_start3A_19 : memref<640x128xf32, #tpu.memory_space<hbm>>) target(%dma_start3A_17 : memref<640x128xf32, #tpu.memory_space<vmem_shared>>) target_semaphore(%run_scoped3A : memref<!tpu.dma_semaphore, #tpu.memory_space<semaphore_mem>>)
      %dma_wait3A = arith.constant 0 : i32
      %dma_wait3A_20 = tpu.memref_slice %arg8[%mul3A_6, %dma_wait3A] : memref<10240x128xf32, #tpu.memory_space<vmem_shared>> -> memref<640x128xf32, #tpu.memory_space<vmem_shared>>
      %dma_wait3A_21 = arith.constant 0 : i32
      %dma_wait3A_22 = tpu.memref_slice %arg4[%mul3A_4, %dma_wait3A_21] : memref<10240x128xf32, #tpu.memory_space<hbm>> -> memref<640x128xf32, #tpu.memory_space<hbm>>
      tpu.wait_dma2 semaphore(%run_scoped3A : memref<!tpu.dma_semaphore, #tpu.memory_space<semaphore_mem>>) src(%dma_wait3A_22 : memref<640x128xf32, #tpu.memory_space<hbm>>) dst(%dma_wait3A_20 : memref<640x128xf32, #tpu.memory_space<vmem_shared>>)
      tpu.yield
    }) : () -> ()
    %barrier3A = arith.constant 0 : index
    tpu.barrier barrier_id(%barrier3A)
    %scan3A = arith.constant 0 : i32
    %scan3A_7 = arith.constant 0 : i32
    %scan3A_8 = arith.constant 160 : i32
    %scan3A_9 = arith.addi %scan3A_7, %scan3A_8 : i32
    %scan3A_10 = arith.constant 1 : i32
    scf.for %scan3A_17 = %scan3A_7 to %scan3A_9 step %scan3A_10  : i32 {
      %add3A_18 = arith.addi %mul3A_2, %scan3A_17 : i32
      %mul3A_19 = arith.constant 128 : i32
      %mul3A_20 = arith.muli %add3A_18, %mul3A_19 : i32
      %add3A_21 = arith.addi %mul3A_2, %scan3A_17 : i32
      "tpu.region"() ({
        %run_scoped3A = tpu.sem_alloc : memref<!tpu.dma_semaphore, #tpu.memory_space<semaphore_mem>>
        %dma_start3A = arith.constant 0 : i32
        %dma_start3A_22 = tpu.memref_slice %arg3[%add3A_21, %dma_start3A] : memref<5120x128xi32, #tpu.memory_space<hbm>> -> memref<1x128xi32, #tpu.memory_space<hbm>>
        %dma_start3A_23 = tpu.memref_squeeze %dma_start3A_22 : memref<1x128xi32, #tpu.memory_space<hbm>> -> memref<128xi32, #tpu.memory_space<hbm>>
        %dma_start3A_24 = arith.constant 0 : i32
        %dma_start3A_25 = tpu.memref_slice %arg3[%add3A_21, %dma_start3A_24] : memref<5120x128xi32, #tpu.memory_space<hbm>> -> memref<1x128xi32, #tpu.memory_space<hbm>>
        %dma_start3A_26 = tpu.memref_squeeze %dma_start3A_25 : memref<1x128xi32, #tpu.memory_space<hbm>> -> memref<128xi32, #tpu.memory_space<hbm>>
        tpu.enqueue_dma source(%dma_start3A_26 : memref<128xi32, #tpu.memory_space<hbm>>) target(%arg6 : memref<128xi32, #tpu.memory_space<vmem>>) target_semaphore(%run_scoped3A : memref<!tpu.dma_semaphore, #tpu.memory_space<semaphore_mem>>)
        %dma_wait3A = arith.constant 0 : i32
        %dma_wait3A_27 = tpu.memref_slice %arg3[%add3A_21, %dma_wait3A] : memref<5120x128xi32, #tpu.memory_space<hbm>> -> memref<1x128xi32, #tpu.memory_space<hbm>>
        %dma_wait3A_28 = tpu.memref_squeeze %dma_wait3A_27 : memref<1x128xi32, #tpu.memory_space<hbm>> -> memref<128xi32, #tpu.memory_space<hbm>>
        %dma_wait3A_29 = arith.constant 0 : i32
        %dma_wait3A_30 = tpu.memref_slice %arg3[%add3A_21, %dma_wait3A_29] : memref<5120x128xi32, #tpu.memory_space<hbm>> -> memref<1x128xi32, #tpu.memory_space<hbm>>
        %dma_wait3A_31 = tpu.memref_squeeze %dma_wait3A_30 : memref<1x128xi32, #tpu.memory_space<hbm>> -> memref<128xi32, #tpu.memory_space<hbm>>
        tpu.wait_dma2 semaphore(%run_scoped3A : memref<!tpu.dma_semaphore, #tpu.memory_space<semaphore_mem>>) src(%dma_wait3A_31 : memref<128xi32, #tpu.memory_space<hbm>>) dst(%arg6 : memref<128xi32, #tpu.memory_space<vmem>>)
        tpu.yield
      }) : () -> ()
      "tpu.region"() ({
        %run_scoped3A = tpu.sem_alloc : memref<!tpu.dma_semaphore, #tpu.memory_space<semaphore_mem>>
        %dma_start3A = arith.constant 0 : i32
        %dma_start3A_22 = tpu.memref_slice %arg2[%mul3A_20, %dma_start3A] : memref<655360x128xf32, #tpu.memory_space<hbm>> -> memref<128x128xf32, #tpu.memory_space<hbm>>
        %dma_start3A_23 = arith.constant 0 : i32
        %dma_start3A_24 = tpu.memref_slice %arg2[%mul3A_20, %dma_start3A_23] : memref<655360x128xf32, #tpu.memory_space<hbm>> -> memref<128x128xf32, #tpu.memory_space<hbm>>
        tpu.enqueue_dma source(%dma_start3A_24 : memref<128x128xf32, #tpu.memory_space<hbm>>) target(%arg7 : memref<128x128xf32, #tpu.memory_space<vmem>>) target_semaphore(%run_scoped3A : memref<!tpu.dma_semaphore, #tpu.memory_space<semaphore_mem>>)
        %dma_wait3A = arith.constant 0 : i32
        %dma_wait3A_25 = tpu.memref_slice %arg2[%mul3A_20, %dma_wait3A] : memref<655360x128xf32, #tpu.memory_space<hbm>> -> memref<128x128xf32, #tpu.memory_space<hbm>>
        %dma_wait3A_26 = arith.constant 0 : i32
        %dma_wait3A_27 = tpu.memref_slice %arg2[%mul3A_20, %dma_wait3A_26] : memref<655360x128xf32, #tpu.memory_space<hbm>> -> memref<128x128xf32, #tpu.memory_space<hbm>>
        tpu.wait_dma2 semaphore(%run_scoped3A : memref<!tpu.dma_semaphore, #tpu.memory_space<semaphore_mem>>) src(%dma_wait3A_27 : memref<128x128xf32, #tpu.memory_space<hbm>>) dst(%arg7 : memref<128x128xf32, #tpu.memory_space<vmem>>)
        tpu.yield
      }) : () -> ()
      "tpu.region"() ({
        %run_scoped3A = tpu.sem_alloc : memref<!tpu.dma_semaphore, #tpu.memory_space<semaphore_mem>>
        %dma_start3A = arith.constant 0 : i32
        %dma_start3A_22 = arith.constant 0 : i32
        %dma_start3A_23 = tpu.memref_slice %arg8[%dma_start3A, %dma_start3A_22] : memref<10240x128xf32, #tpu.memory_space<vmem_shared>> -> memref<10240x128xf32, #tpu.memory_space<vmem_shared>>
        tpu.enqueue_indirect_dma source(%arg7 : memref<128x128xf32, #tpu.memory_space<vmem>>) target(%dma_start3A_23 : memref<10240x128xf32, #tpu.memory_space<vmem_shared>>) offsets(%arg6 : memref<128xi32, #tpu.memory_space<vmem>>) semaphore(%run_scoped3A : memref<!tpu.dma_semaphore, #tpu.memory_space<semaphore_mem>>) {add = true}
        %dma_wait3A = arith.constant 0 : i32
        %dma_wait3A_24 = arith.constant 0 : i32
        %dma_wait3A_25 = tpu.memref_slice %arg8[%dma_wait3A, %dma_wait3A_24] : memref<10240x128xf32, #tpu.memory_space<vmem_shared>> -> memref<10240x128xf32, #tpu.memory_space<vmem_shared>>
        tpu.wait_indirect_dma semaphore(%run_scoped3A : memref<!tpu.dma_semaphore, #tpu.memory_space<semaphore_mem>>) src(%arg7 : memref<128x128xf32, #tpu.memory_space<vmem>>) dst(%dma_wait3A_25 : memref<10240x128xf32, #tpu.memory_space<vmem_shared>>)
        tpu.yield
      }) : () -> ()
    }
    %scan3A_11 = arith.constant 160 : i32
    %barrier3A_12 = arith.constant 0 : index
    tpu.barrier barrier_id(%barrier3A_12)
    %mul3A_13 = arith.constant 640 : i32
    %mul3A_14 = arith.muli %arg1, %mul3A_13 : i32
    %mul3A_15 = arith.constant 640 : i32
    %mul3A_16 = arith.muli %arg1, %mul3A_15 : i32
    "tpu.region"() ({
      %run_scoped3A = tpu.sem_alloc : memref<!tpu.dma_semaphore, #tpu.memory_space<semaphore_mem>>
      %dma_start3A = arith.constant 0 : i32
      %dma_start3A_17 = tpu.memref_slice %arg5[%arg0, %mul3A_16, %dma_start3A] : memref<2x10240x128xf32, #tpu.memory_space<hbm>> -> memref<1x640x128xf32, #tpu.memory_space<hbm>>
      %dma_start3A_18 = tpu.memref_squeeze %dma_start3A_17 : memref<1x640x128xf32, #tpu.memory_space<hbm>> -> memref<640x128xf32, #tpu.memory_space<hbm>>
      %dma_start3A_19 = arith.constant 0 : i32
      %dma_start3A_20 = tpu.memref_slice %arg8[%mul3A_14, %dma_start3A_19] : memref<10240x128xf32, #tpu.memory_space<vmem_shared>> -> memref<640x128xf32, #tpu.memory_space<vmem_shared>>
      tpu.enqueue_dma source(%dma_start3A_20 : memref<640x128xf32, #tpu.memory_space<vmem_shared>>) target(%dma_start3A_18 : memref<640x128xf32, #tpu.memory_space<hbm>>) target_semaphore(%run_scoped3A : memref<!tpu.dma_semaphore, #tpu.memory_space<semaphore_mem>>)
      %dma_wait3A = arith.constant 0 : i32
      %dma_wait3A_21 = tpu.memref_slice %arg5[%arg0, %mul3A_16, %dma_wait3A] : memref<2x10240x128xf32, #tpu.memory_space<hbm>> -> memref<1x640x128xf32, #tpu.memory_space<hbm>>
      %dma_wait3A_22 = tpu.memref_squeeze %dma_wait3A_21 : memref<1x640x128xf32, #tpu.memory_space<hbm>> -> memref<640x128xf32, #tpu.memory_space<hbm>>
      %dma_wait3A_23 = arith.constant 0 : i32
      %dma_wait3A_24 = tpu.memref_slice %arg8[%mul3A_14, %dma_wait3A_23] : memref<10240x128xf32, #tpu.memory_space<vmem_shared>> -> memref<640x128xf32, #tpu.memory_space<vmem_shared>>
      tpu.wait_dma2 semaphore(%run_scoped3A : memref<!tpu.dma_semaphore, #tpu.memory_space<semaphore_mem>>) src(%dma_wait3A_24 : memref<640x128xf32, #tpu.memory_space<vmem_shared>>) dst(%dma_wait3A_22 : memref<640x128xf32, #tpu.memory_space<hbm>>)
      tpu.yield
    }) : () -> ()
    return
  }
}

module attributes {stable_mosaic.version = 14 : i64} {
  func.func @_proj_body(%arg0: i32, %arg1: memref<1024x4xf32, #tpu.memory_space<vmem>>, %arg2: memref<4x64xf32, #tpu.memory_space<vmem>>, %arg3: memref<4x128xf32, #tpu.memory_space<vmem>>, %arg4: memref<4x64xf32, #tpu.memory_space<vmem>>, %arg5: memref<1x64xf32, #tpu.memory_space<vmem>>, %arg6: memref<1x128xf32, #tpu.memory_space<vmem>>, %arg7: memref<1x64xf32, #tpu.memory_space<vmem>>, %arg8: memref<1024x128xf32, #tpu.memory_space<vmem>>, %arg9: memref<1024x128xf32, #tpu.memory_space<vmem>>, %arg10: memref<1024x64xf32, #tpu.memory_space<vmem>>) attributes {dimension_semantics = [#tpu.dimension_semantics<arbitrary>], iteration_bounds = array<i64: 10>, scalar_prefetch = 0 : i64, scratch_operands = 0 : i64, tpu.core_type = #tpu.core_type<tc>, window_params = [{transform_indices = @transform_0, window_bounds = array<i64: 1024, 4>}, {pipeline_mode = #tpu.pipeline_mode<synchronous>, transform_indices = @transform_1, window_bounds = array<i64: 4, 64>}, {pipeline_mode = #tpu.pipeline_mode<synchronous>, transform_indices = @transform_2, window_bounds = array<i64: 4, 128>}, {pipeline_mode = #tpu.pipeline_mode<synchronous>, transform_indices = @transform_3, window_bounds = array<i64: 4, 64>}, {pipeline_mode = #tpu.pipeline_mode<synchronous>, transform_indices = @transform_4, window_bounds = array<i64: 1, 64>}, {pipeline_mode = #tpu.pipeline_mode<synchronous>, transform_indices = @transform_5, window_bounds = array<i64: 1, 128>}, {pipeline_mode = #tpu.pipeline_mode<synchronous>, transform_indices = @transform_6, window_bounds = array<i64: 1, 64>}, {transform_indices = @transform_7, window_bounds = array<i64: 1024, 128>}, {transform_indices = @transform_8, window_bounds = array<i64: 1024, 128>}, {transform_indices = @transform_9, window_bounds = array<i64: 1024, 64>}]} {
    %get3A = arith.constant 0 : index
    %get3A_0 = arith.constant 0 : index
    %get3A_1 = vector.load %arg1[%get3A, %get3A_0] : memref<1024x4xf32, #tpu.memory_space<vmem>>, vector<1024x4xf32>
    %get3A_2 = arith.constant 0 : index
    %get3A_3 = arith.constant 0 : index
    %get3A_4 = vector.load %arg2[%get3A_2, %get3A_3] : memref<4x64xf32, #tpu.memory_space<vmem>>, vector<4x64xf32>
    %dot_general3A = arith.constant dense<0.000000e+00> : vector<1024x64xf32>
    %dot_general3A_5 = tpu.matmul %get3A_1, %get3A_4, %dot_general3A {dimension_numbers = #tpu.dot_dimension_numbers<[1], [0], [0], [1], [0, 0, 1, 1], [], []>, transpose_lhs_hint = false} : vector<1024x4xf32>, vector<4x64xf32>, vector<1024x64xf32> -> vector<1024x64xf32>
    %get3A_6 = arith.constant 0 : index
    %get3A_7 = arith.constant 0 : index
    %get3A_8 = vector.load %arg5[%get3A_6, %get3A_7] : memref<1x64xf32, #tpu.memory_space<vmem>>, vector<1x64xf32>
    %add3A = vector.broadcast %get3A_8 : vector<1x64xf32> to vector<1024x64xf32>
    %add3A_9 = arith.addf %dot_general3A_5, %add3A : vector<1024x64xf32>
    %broadcast_in_dim3A = arith.constant 0.000000e+00 : f32
    %broadcast_in_dim3A_10 = vector.broadcast %broadcast_in_dim3A : f32 to vector<1024x64xf32>
    %concatenate3A = tpu.concatenate %add3A_9, %broadcast_in_dim3A_10 in 1 : vector<1024x64xf32>, vector<1024x64xf32> -> vector<1024x128xf32>
    %swap3A = arith.constant 0 : index
    %swap3A_11 = arith.constant 0 : index
    %swap3A_12 = vector.load %arg8[%swap3A, %swap3A_11] : memref<1024x128xf32, #tpu.memory_space<vmem>>, vector<1024x128xf32>
    tpu.vector_store %arg8[%swap3A, %swap3A_11], %concatenate3A {strides = array<i32>} : memref<1024x128xf32, #tpu.memory_space<vmem>>, vector<1024x128xf32>,
    %get3A_13 = arith.constant 0 : index
    %get3A_14 = arith.constant 0 : index
    %get3A_15 = vector.load %arg3[%get3A_13, %get3A_14] : memref<4x128xf32, #tpu.memory_space<vmem>>, vector<4x128xf32>
    %dot_general3A_16 = arith.constant dense<0.000000e+00> : vector<1024x128xf32>
    %dot_general3A_17 = tpu.matmul %get3A_1, %get3A_15, %dot_general3A_16 {dimension_numbers = #tpu.dot_dimension_numbers<[1], [0], [0], [1], [0, 0, 1, 1], [], []>, transpose_lhs_hint = false} : vector<1024x4xf32>, vector<4x128xf32>, vector<1024x128xf32> -> vector<1024x128xf32>
    %get3A_18 = arith.constant 0 : index
    %get3A_19 = arith.constant 0 : index
    %get3A_20 = vector.load %arg6[%get3A_18, %get3A_19] : memref<1x128xf32, #tpu.memory_space<vmem>>, vector<1x128xf32>
    %add3A_21 = vector.broadcast %get3A_20 : vector<1x128xf32> to vector<1024x128xf32>
    %add3A_22 = arith.addf %dot_general3A_17, %add3A_21 : vector<1024x128xf32>
    %swap3A_23 = arith.constant 0 : index
    %swap3A_24 = arith.constant 0 : index
    %swap3A_25 = vector.load %arg9[%swap3A_23, %swap3A_24] : memref<1024x128xf32, #tpu.memory_space<vmem>>, vector<1024x128xf32>
    tpu.vector_store %arg9[%swap3A_23, %swap3A_24], %add3A_22 {strides = array<i32>} : memref<1024x128xf32, #tpu.memory_space<vmem>>, vector<1024x128xf32>,
    %get3A_26 = arith.constant 0 : index
    %get3A_27 = arith.constant 0 : index
    %get3A_28 = vector.load %arg4[%get3A_26, %get3A_27] : memref<4x64xf32, #tpu.memory_space<vmem>>, vector<4x64xf32>
    %dot_general3A_29 = arith.constant dense<0.000000e+00> : vector<1024x64xf32>
    %dot_general3A_30 = tpu.matmul %get3A_1, %get3A_28, %dot_general3A_29 {dimension_numbers = #tpu.dot_dimension_numbers<[1], [0], [0], [1], [0, 0, 1, 1], [], []>, transpose_lhs_hint = false} : vector<1024x4xf32>, vector<4x64xf32>, vector<1024x64xf32> -> vector<1024x64xf32>
    %get3A_31 = arith.constant 0 : index
    %get3A_32 = arith.constant 0 : index
    %get3A_33 = vector.load %arg7[%get3A_31, %get3A_32] : memref<1x64xf32, #tpu.memory_space<vmem>>, vector<1x64xf32>
    %add3A_34 = vector.broadcast %get3A_33 : vector<1x64xf32> to vector<1024x64xf32>
    %add3A_35 = arith.addf %dot_general3A_30, %add3A_34 : vector<1024x64xf32>
    %swap3A_36 = arith.constant 0 : index
    %swap3A_37 = arith.constant 0 : index
    %swap3A_38 = vector.load %arg10[%swap3A_36, %swap3A_37] : memref<1024x64xf32, #tpu.memory_space<vmem>>, vector<1024x64xf32>
    tpu.vector_store %arg10[%swap3A_36, %swap3A_37], %add3A_35 {strides = array<i32>} : memref<1024x64xf32, #tpu.memory_space<vmem>>, vector<1024x64xf32>,
    return
  }
  func.func @transform_0(%arg0: i32) -> (i32, i32) {
    %c0_i32 = arith.constant 0 : i32
    %c0_i32_0 = arith.constant 0 : i32
    return %arg0, %c0_i32 : i32, i32
  }
  func.func @transform_1(%arg0: i32) -> (i32, i32) {
    %c0_i32 = arith.constant 0 : i32
    %c0_i32_0 = arith.constant 0 : i32
    %c0_i32_1 = arith.constant 0 : i32
    return %c0_i32, %c0_i32_0 : i32, i32
  }
  func.func @transform_2(%arg0: i32) -> (i32, i32) {
    %c0_i32 = arith.constant 0 : i32
    %c0_i32_0 = arith.constant 0 : i32
    %c0_i32_1 = arith.constant 0 : i32
    return %c0_i32, %c0_i32_0 : i32, i32
  }
  func.func @transform_3(%arg0: i32) -> (i32, i32) {
    %c0_i32 = arith.constant 0 : i32
    %c0_i32_0 = arith.constant 0 : i32
    %c0_i32_1 = arith.constant 0 : i32
    return %c0_i32, %c0_i32_0 : i32, i32
  }
  func.func @transform_4(%arg0: i32) -> (i32, i32) {
    %c0_i32 = arith.constant 0 : i32
    %c0_i32_0 = arith.constant 0 : i32
    %c0_i32_1 = arith.constant 0 : i32
    return %c0_i32, %c0_i32_0 : i32, i32
  }
  func.func @transform_5(%arg0: i32) -> (i32, i32) {
    %c0_i32 = arith.constant 0 : i32
    %c0_i32_0 = arith.constant 0 : i32
    %c0_i32_1 = arith.constant 0 : i32
    return %c0_i32, %c0_i32_0 : i32, i32
  }
  func.func @transform_6(%arg0: i32) -> (i32, i32) {
    %c0_i32 = arith.constant 0 : i32
    %c0_i32_0 = arith.constant 0 : i32
    %c0_i32_1 = arith.constant 0 : i32
    return %c0_i32, %c0_i32_0 : i32, i32
  }
  func.func @transform_7(%arg0: i32) -> (i32, i32) {
    %c0_i32 = arith.constant 0 : i32
    %c0_i32_0 = arith.constant 0 : i32
    return %arg0, %c0_i32 : i32, i32
  }
  func.func @transform_8(%arg0: i32) -> (i32, i32) {
    %c0_i32 = arith.constant 0 : i32
    %c0_i32_0 = arith.constant 0 : i32
    return %arg0, %c0_i32 : i32, i32
  }
  func.func @transform_9(%arg0: i32) -> (i32, i32) {
    %c0_i32 = arith.constant 0 : i32
    %c0_i32_0 = arith.constant 0 : i32
    return %arg0, %c0_i32 : i32, i32
  }
}

module attributes {stable_mosaic.version = 14 : i64} {
  func.func @_edge_body(%arg0: i32, %arg1: memref<4096x128xf32, #tpu.memory_space<vmem>>, %arg2: memref<4096x128xf32, #tpu.memory_space<vmem>>, %arg3: memref<4096x1xf32, #tpu.memory_space<vmem>>, %arg4: memref<64x4xf32, #tpu.memory_space<vmem>>, %arg5: memref<4x64xf32, #tpu.memory_space<vmem>>, %arg6: memref<2x64xf32, #tpu.memory_space<vmem>>, %arg7: memref<4096x128xf32, #tpu.memory_space<vmem>>) attributes {dimension_semantics = [#tpu.dimension_semantics<arbitrary>], iteration_bounds = array<i64: 160>, scalar_prefetch = 0 : i64, scratch_operands = 0 : i64, tpu.core_type = #tpu.core_type<tc>, window_params = [{transform_indices = @transform_0, window_bounds = array<i64: 4096, 128>}, {transform_indices = @transform_1, window_bounds = array<i64: 4096, 128>}, {transform_indices = @transform_2, window_bounds = array<i64: 4096, 1>}, {pipeline_mode = #tpu.pipeline_mode<synchronous>, transform_indices = @transform_3, window_bounds = array<i64: 64, 4>}, {pipeline_mode = #tpu.pipeline_mode<synchronous>, transform_indices = @transform_4, window_bounds = array<i64: 4, 64>}, {pipeline_mode = #tpu.pipeline_mode<synchronous>, transform_indices = @transform_5, window_bounds = array<i64: 2, 64>}, {transform_indices = @transform_6, window_bounds = array<i64: 4096, 128>}]} {
    %get3A = arith.constant 0 : index
    %get3A_0 = arith.constant 0 : index
    %get3A_1 = vector.load %arg1[%get3A, %get3A_0] : memref<4096x128xf32, #tpu.memory_space<vmem>>, vector<4096x64xf32>
    %get3A_2 = arith.constant 0 : index
    %get3A_3 = arith.constant 0 : index
    %get3A_4 = vector.load %arg2[%get3A_2, %get3A_3] : memref<4096x128xf32, #tpu.memory_space<vmem>>, vector<4096x128xf32>
    %slice3A = vector.extract_strided_slice %get3A_4 {offsets = [0, 0], sizes = [4096, 64], strides = [1, 1]} : vector<4096x128xf32> to vector<4096x64xf32>
    %slice3A_5 = vector.extract_strided_slice %get3A_4 {offsets = [0, 64], sizes = [4096, 64], strides = [1, 1]} : vector<4096x128xf32> to vector<4096x64xf32>
    %get3A_6 = arith.constant 0 : index
    %get3A_7 = arith.constant 0 : index
    %get3A_8 = vector.load %arg3[%get3A_6, %get3A_7] : memref<4096x1xf32, #tpu.memory_space<vmem>>, vector<4096x1xf32>
    %get3A_9 = arith.constant 0 : index
    %get3A_10 = arith.constant 0 : index
    %get3A_11 = vector.load %arg6[%get3A_9, %get3A_10] : memref<2x64xf32, #tpu.memory_space<vmem>>, vector<1x64xf32>
    %mul3A = vector.broadcast %get3A_8 : vector<4096x1xf32> to vector<4096x64xf32>
    %mul3A_12 = vector.broadcast %get3A_11 : vector<1x64xf32> to vector<4096x64xf32>
    %mul3A_13 = arith.mulf %mul3A, %mul3A_12 : vector<4096x64xf32>
    %get3A_14 = arith.constant 1 : index
    %get3A_15 = arith.constant 0 : index
    %get3A_16 = vector.load %arg6[%get3A_14, %get3A_15] : memref<2x64xf32, #tpu.memory_space<vmem>>, vector<1x64xf32>
    %add3A = vector.broadcast %get3A_16 : vector<1x64xf32> to vector<4096x64xf32>
    %add3A_17 = arith.addf %mul3A_13, %add3A : vector<4096x64xf32>
    %add3A_18 = arith.addf %slice3A, %add3A_17 : vector<4096x64xf32>
    %mul3A_19 = arith.mulf %get3A_1, %add3A_18 : vector<4096x64xf32>
    %get3A_20 = arith.constant 0 : index
    %get3A_21 = arith.constant 0 : index
    %get3A_22 = vector.load %arg4[%get3A_20, %get3A_21] : memref<64x4xf32, #tpu.memory_space<vmem>>, vector<64x4xf32>
    %dot_general3A = arith.constant dense<0.000000e+00> : vector<4096x4xf32>
    %dot_general3A_23 = tpu.matmul %mul3A_19, %get3A_22, %dot_general3A {dimension_numbers = #tpu.dot_dimension_numbers<[1], [0], [0], [1], [0, 0, 1, 1], [], []>, transpose_lhs_hint = false} : vector<4096x64xf32>, vector<64x4xf32>, vector<4096x4xf32> -> vector<4096x4xf32>
    %mul3A_24 = arith.constant 2.500000e-01 : f32
    %mul3A_25 = vector.broadcast %mul3A_24 : f32 to vector<4096x4xf32>
    %mul3A_26 = arith.mulf %dot_general3A_23, %mul3A_25 : vector<4096x4xf32>
    %exp3A = math.exp %mul3A_26 : vector<4096x4xf32>
    %get3A_27 = arith.constant 0 : index
    %get3A_28 = arith.constant 0 : index
    %get3A_29 = vector.load %arg5[%get3A_27, %get3A_28] : memref<4x64xf32, #tpu.memory_space<vmem>>, vector<4x64xf32>
    %dot_general3A_30 = arith.constant dense<0.000000e+00> : vector<4096x64xf32>
    %dot_general3A_31 = tpu.matmul %exp3A, %get3A_29, %dot_general3A_30 {dimension_numbers = #tpu.dot_dimension_numbers<[1], [0], [0], [1], [0, 0, 1, 1], [], []>, transpose_lhs_hint = false} : vector<4096x4xf32>, vector<4x64xf32>, vector<4096x64xf32> -> vector<4096x64xf32>
    %add3A_32 = arith.addf %slice3A_5, %add3A_17 : vector<4096x64xf32>
    %mul3A_33 = arith.mulf %dot_general3A_31, %add3A_32 : vector<4096x64xf32>
    %broadcast_in_dim3A = arith.constant 0.000000e+00 : f32
    %broadcast_in_dim3A_34 = vector.broadcast %broadcast_in_dim3A : f32 to vector<4096x60xf32>
    %concatenate3A = tpu.concatenate %mul3A_33, %exp3A, %broadcast_in_dim3A_34 in 1 : vector<4096x64xf32>, vector<4096x4xf32>, vector<4096x60xf32> -> vector<4096x128xf32>
    %swap3A = arith.constant 0 : index
    %swap3A_35 = arith.constant 0 : index
    %swap3A_36 = vector.load %arg7[%swap3A, %swap3A_35] : memref<4096x128xf32, #tpu.memory_space<vmem>>, vector<4096x128xf32>
    tpu.vector_store %arg7[%swap3A, %swap3A_35], %concatenate3A {strides = array<i32>} : memref<4096x128xf32, #tpu.memory_space<vmem>>, vector<4096x128xf32>,
    return
  }
  func.func @transform_0(%arg0: i32) -> (i32, i32) {
    %c0_i32 = arith.constant 0 : i32
    %c0_i32_0 = arith.constant 0 : i32
    return %arg0, %c0_i32 : i32, i32
  }
  func.func @transform_1(%arg0: i32) -> (i32, i32) {
    %c0_i32 = arith.constant 0 : i32
    %c0_i32_0 = arith.constant 0 : i32
    return %arg0, %c0_i32 : i32, i32
  }
  func.func @transform_2(%arg0: i32) -> (i32, i32) {
    %c0_i32 = arith.constant 0 : i32
    %c0_i32_0 = arith.constant 0 : i32
    return %arg0, %c0_i32 : i32, i32
  }
  func.func @transform_3(%arg0: i32) -> (i32, i32) {
    %c0_i32 = arith.constant 0 : i32
    %c0_i32_0 = arith.constant 0 : i32
    %c0_i32_1 = arith.constant 0 : i32
    return %c0_i32, %c0_i32_0 : i32, i32
  }
  func.func @transform_4(%arg0: i32) -> (i32, i32) {
    %c0_i32 = arith.constant 0 : i32
    %c0_i32_0 = arith.constant 0 : i32
    %c0_i32_1 = arith.constant 0 : i32
    return %c0_i32, %c0_i32_0 : i32, i32
  }
  func.func @transform_5(%arg0: i32) -> (i32, i32) {
    %c0_i32 = arith.constant 0 : i32
    %c0_i32_0 = arith.constant 0 : i32
    %c0_i32_1 = arith.constant 0 : i32
    return %c0_i32, %c0_i32_0 : i32, i32
  }
  func.func @transform_6(%arg0: i32) -> (i32, i32) {
    %c0_i32 = arith.constant 0 : i32
    %c0_i32_0 = arith.constant 0 : i32
    return %arg0, %c0_i32 : i32, i32
  }
}

module attributes {stable_mosaic.version = 14 : i64} {
  func.func @_combine_body(%arg0: i32, %arg1: memref<2x256x128xf32, #tpu.memory_space<vmem>>, %arg2: memref<256x64xf32, #tpu.memory_space<vmem>>, %arg3: memref<4x64xf32, #tpu.memory_space<vmem>>, %arg4: memref<192x1xf32, #tpu.memory_space<vmem>>, %arg5: memref<64x16xf32, #tpu.memory_space<vmem>>, %arg6: memref<1x16xf32, #tpu.memory_space<vmem>>, %arg7: memref<1x16xf32, #tpu.memory_space<vmem>>, %arg8: memref<1x16xf32, #tpu.memory_space<vmem>>, %arg9: memref<1x16xf32, #tpu.memory_space<vmem>>, %arg10: memref<256x16xf32, #tpu.memory_space<vmem>>) attributes {dimension_semantics = [#tpu.dimension_semantics<arbitrary>], iteration_bounds = array<i64: 40>, scalar_prefetch = 0 : i64, scratch_operands = 0 : i64, tpu.core_type = #tpu.core_type<tc>, window_params = [{transform_indices = @transform_0, window_bounds = array<i64: 2, 256, 128>}, {transform_indices = @transform_1, window_bounds = array<i64: 256, 64>}, {pipeline_mode = #tpu.pipeline_mode<synchronous>, transform_indices = @transform_2, window_bounds = array<i64: 4, 64>}, {pipeline_mode = #tpu.pipeline_mode<synchronous>, transform_indices = @transform_3, window_bounds = array<i64: 192, 1>}, {pipeline_mode = #tpu.pipeline_mode<synchronous>, transform_indices = @transform_4, window_bounds = array<i64: 64, 16>}, {pipeline_mode = #tpu.pipeline_mode<synchronous>, transform_indices = @transform_5, window_bounds = array<i64: 1, 16>}, {pipeline_mode = #tpu.pipeline_mode<synchronous>, transform_indices = @transform_6, window_bounds = array<i64: 1, 16>}, {pipeline_mode = #tpu.pipeline_mode<synchronous>, transform_indices = @transform_7, window_bounds = array<i64: 1, 16>}, {pipeline_mode = #tpu.pipeline_mode<synchronous>, transform_indices = @transform_8, window_bounds = array<i64: 1, 16>}, {transform_indices = @transform_9, window_bounds = array<i64: 256, 16>}]} {
    %get3A = arith.constant 0 : index
    %get3A_0 = arith.constant 0 : index
    %get3A_1 = arith.constant 0 : index
    %get3A_2 = vector.load %arg1[%get3A, %get3A_0, %get3A_1] : memref<2x256x128xf32, #tpu.memory_space<vmem>>, vector<1x256x128xf32>
    %get3A_3 = vector.shape_cast %get3A_2 : vector<1x256x128xf32> to vector<256x128xf32>
    %get3A_4 = arith.constant 1 : index
    %get3A_5 = arith.constant 0 : index
    %get3A_6 = arith.constant 0 : index
    %get3A_7 = vector.load %arg1[%get3A_4, %get3A_5, %get3A_6] : memref<2x256x128xf32, #tpu.memory_space<vmem>>, vector<1x256x128xf32>
    %get3A_8 = vector.shape_cast %get3A_7 : vector<1x256x128xf32> to vector<256x128xf32>
    %add3A = arith.addf %get3A_3, %get3A_8 : vector<256x128xf32>
    %slice3A = vector.extract_strided_slice %add3A {offsets = [0, 0], sizes = [256, 64], strides = [1, 1]} : vector<256x128xf32> to vector<256x64xf32>
    %slice3A_9 = vector.extract_strided_slice %add3A {offsets = [0, 64], sizes = [256, 4], strides = [1, 1]} : vector<256x128xf32> to vector<256x4xf32>
    %get3A_10 = arith.constant 0 : index
    %get3A_11 = arith.constant 0 : index
    %get3A_12 = vector.load %arg3[%get3A_10, %get3A_11] : memref<4x64xf32, #tpu.memory_space<vmem>>, vector<4x64xf32>
    %dot_general3A = arith.constant dense<0.000000e+00> : vector<256x64xf32>
    %dot_general3A_13 = tpu.matmul %slice3A_9, %get3A_12, %dot_general3A {dimension_numbers = #tpu.dot_dimension_numbers<[1], [0], [0], [1], [0, 0, 1, 1], [], []>, transpose_lhs_hint = false} : vector<256x4xf32>, vector<4x64xf32>, vector<256x64xf32> -> vector<256x64xf32>
    %add3A_14 = arith.constant 1.000000e-16 : f32
    %add3A_15 = vector.broadcast %add3A_14 : f32 to vector<256x64xf32>
    %add3A_16 = arith.addf %dot_general3A_13, %add3A_15 : vector<256x64xf32>
    %div3A = arith.divf %slice3A, %add3A_16 : vector<256x64xf32>
    %get3A_17 = arith.constant 0 : index
    %get3A_18 = arith.constant 0 : index
    %get3A_19 = vector.load %arg2[%get3A_17, %get3A_18] : memref<256x64xf32, #tpu.memory_space<vmem>>, vector<256x64xf32>
    %sub3A = arith.subf %div3A, %get3A_19 : vector<256x64xf32>
    %concatenate3A = tpu.concatenate %div3A, %get3A_19, %sub3A in 1 : vector<256x64xf32>, vector<256x64xf32>, vector<256x64xf32> -> vector<256x192xf32>
    %get3A_20 = arith.constant 0 : index
    %get3A_21 = arith.constant 0 : index
    %get3A_22 = vector.load %arg4[%get3A_20, %get3A_21] : memref<192x1xf32, #tpu.memory_space<vmem>>, vector<192x1xf32>
    %dot_general3A_23 = arith.constant dense<0.000000e+00> : vector<256x1xf32>
    %dot_general3A_24 = tpu.matmul %concatenate3A, %get3A_22, %dot_general3A_23 {dimension_numbers = #tpu.dot_dimension_numbers<[1], [0], [0], [1], [0, 0, 1, 1], [], []>, transpose_lhs_hint = false} : vector<256x192xf32>, vector<192x1xf32>, vector<256x1xf32> -> vector<256x1xf32>
    %logistic3A = arith.negf %dot_general3A_24 : vector<256x1xf32>
    %logistic3A_25 = math.exp %logistic3A : vector<256x1xf32>
    %logistic3A_26 = arith.constant 1.000000e+00 : f32
    %logistic3A_27 = vector.broadcast %logistic3A_26 : f32 to vector<256x1xf32>
    %logistic3A_28 = arith.addf %logistic3A_27, %logistic3A_25 : vector<256x1xf32>
    %logistic3A_29 = arith.divf %logistic3A_27, %logistic3A_28 : vector<256x1xf32>
    %mul3A = vector.broadcast %logistic3A_29 : vector<256x1xf32> to vector<256x64xf32>
    %mul3A_30 = arith.mulf %mul3A, %get3A_19 : vector<256x64xf32>
    %sub3A_31 = arith.constant 1.000000e+00 : f32
    %sub3A_32 = vector.broadcast %sub3A_31 : f32 to vector<256x1xf32>
    %sub3A_33 = arith.subf %sub3A_32, %logistic3A_29 : vector<256x1xf32>
    %mul3A_34 = vector.broadcast %sub3A_33 : vector<256x1xf32> to vector<256x64xf32>
    %mul3A_35 = arith.mulf %mul3A_34, %div3A : vector<256x64xf32>
    %add3A_36 = arith.addf %mul3A_30, %mul3A_35 : vector<256x64xf32>
    %get3A_37 = arith.constant 0 : index
    %get3A_38 = arith.constant 0 : index
    %get3A_39 = vector.load %arg5[%get3A_37, %get3A_38] : memref<64x16xf32, #tpu.memory_space<vmem>>, vector<64x16xf32>
    %dot_general3A_40 = arith.constant dense<0.000000e+00> : vector<256x16xf32>
    %dot_general3A_41 = tpu.matmul %add3A_36, %get3A_39, %dot_general3A_40 {dimension_numbers = #tpu.dot_dimension_numbers<[1], [0], [0], [1], [0, 0, 1, 1], [], []>, transpose_lhs_hint = false} : vector<256x64xf32>, vector<64x16xf32>, vector<256x16xf32> -> vector<256x16xf32>
    %get3A_42 = arith.constant 0 : index
    %get3A_43 = arith.constant 0 : index
    %get3A_44 = vector.load %arg6[%get3A_42, %get3A_43] : memref<1x16xf32, #tpu.memory_space<vmem>>, vector<1x16xf32>
    %add3A_45 = vector.broadcast %get3A_44 : vector<1x16xf32> to vector<256x16xf32>
    %add3A_46 = arith.addf %dot_general3A_41, %add3A_45 : vector<256x16xf32>
    %max3A = arith.constant 0.000000e+00 : f32
    %max3A_47 = vector.broadcast %max3A : f32 to vector<256x16xf32>
    %max3A_48 = arith.maximumf %add3A_46, %max3A_47 : vector<256x16xf32>
    %reduce_sum3A = arith.constant dense<0.000000e+00> : vector<16xf32>
    %reduce_sum3A_49 = vector.multi_reduction <add>, %max3A_48, %reduce_sum3A [0] : vector<256x16xf32> to vector<16xf32>
    %broadcast_in_dim3A = vector.shape_cast %reduce_sum3A_49 : vector<16xf32> to vector<1x16xf32>
    %div3A_50 = arith.constant 2.560000e+02 : f32
    %div3A_51 = vector.broadcast %div3A_50 : f32 to vector<1x16xf32>
    %div3A_52 = arith.divf %broadcast_in_dim3A, %div3A_51 : vector<1x16xf32>
    %get3A_53 = arith.constant 0 : index
    %get3A_54 = arith.constant 0 : index
    %get3A_55 = vector.load %arg9[%get3A_53, %get3A_54] : memref<1x16xf32, #tpu.memory_space<vmem>>, vector<1x16xf32>
    %mul3A_56 = arith.mulf %get3A_55, %div3A_52 : vector<1x16xf32>
    %sub3A_57 = vector.broadcast %mul3A_56 : vector<1x16xf32> to vector<256x16xf32>
    %sub3A_58 = arith.subf %max3A_48, %sub3A_57 : vector<256x16xf32>
    %mul3A_59 = arith.mulf %sub3A_58, %sub3A_58 : vector<256x16xf32>
    %reduce_sum3A_60 = arith.constant dense<0.000000e+00> : vector<16xf32>
    %reduce_sum3A_61 = vector.multi_reduction <add>, %mul3A_59, %reduce_sum3A_60 [0] : vector<256x16xf32> to vector<16xf32>
    %broadcast_in_dim3A_62 = vector.shape_cast %reduce_sum3A_61 : vector<16xf32> to vector<1x16xf32>
    %div3A_63 = arith.constant 2.560000e+02 : f32
    %div3A_64 = vector.broadcast %div3A_63 : f32 to vector<1x16xf32>
    %div3A_65 = arith.divf %broadcast_in_dim3A_62, %div3A_64 : vector<1x16xf32>
    %get3A_66 = arith.constant 0 : index
    %get3A_67 = arith.constant 0 : index
    %get3A_68 = vector.load %arg7[%get3A_66, %get3A_67] : memref<1x16xf32, #tpu.memory_space<vmem>>, vector<1x16xf32>
    %mul3A_69 = vector.broadcast %get3A_68 : vector<1x16xf32> to vector<256x16xf32>
    %mul3A_70 = arith.mulf %mul3A_69, %sub3A_58 : vector<256x16xf32>
    %add3A_71 = arith.constant 9.99999974E-6 : f32
    %add3A_72 = vector.broadcast %add3A_71 : f32 to vector<1x16xf32>
    %add3A_73 = arith.addf %div3A_65, %add3A_72 : vector<1x16xf32>
    %sqrt3A = math.sqrt %add3A_73 : vector<1x16xf32>
    %div3A_74 = vector.broadcast %sqrt3A : vector<1x16xf32> to vector<256x16xf32>
    %div3A_75 = arith.divf %mul3A_70, %div3A_74 : vector<256x16xf32>
    %get3A_76 = arith.constant 0 : index
    %get3A_77 = arith.constant 0 : index
    %get3A_78 = vector.load %arg8[%get3A_76, %get3A_77] : memref<1x16xf32, #tpu.memory_space<vmem>>, vector<1x16xf32>
    %add3A_79 = vector.broadcast %get3A_78 : vector<1x16xf32> to vector<256x16xf32>
    %add3A_80 = arith.addf %div3A_75, %add3A_79 : vector<256x16xf32>
    %swap3A = arith.constant 0 : index
    %swap3A_81 = arith.constant 0 : index
    %swap3A_82 = vector.load %arg10[%swap3A, %swap3A_81] : memref<256x16xf32, #tpu.memory_space<vmem>>, vector<256x16xf32>
    tpu.vector_store %arg10[%swap3A, %swap3A_81], %add3A_80 {strides = array<i32>} : memref<256x16xf32, #tpu.memory_space<vmem>>, vector<256x16xf32>,
    return
  }
  func.func @transform_0(%arg0: i32) -> (i32, i32, i32) {
    %c0_i32 = arith.constant 0 : i32
    %c0_i32_0 = arith.constant 0 : i32
    %c0_i32_1 = arith.constant 0 : i32
    return %c0_i32, %arg0, %c0_i32_0 : i32, i32, i32
  }
  func.func @transform_1(%arg0: i32) -> (i32, i32) {
    %c0_i32 = arith.constant 0 : i32
    %c0_i32_0 = arith.constant 0 : i32
    return %arg0, %c0_i32 : i32, i32
  }
  func.func @transform_2(%arg0: i32) -> (i32, i32) {
    %c0_i32 = arith.constant 0 : i32
    %c0_i32_0 = arith.constant 0 : i32
    %c0_i32_1 = arith.constant 0 : i32
    return %c0_i32, %c0_i32_0 : i32, i32
  }
  func.func @transform_3(%arg0: i32) -> (i32, i32) {
    %c0_i32 = arith.constant 0 : i32
    %c0_i32_0 = arith.constant 0 : i32
    %c0_i32_1 = arith.constant 0 : i32
    return %c0_i32, %c0_i32_0 : i32, i32
  }
  func.func @transform_4(%arg0: i32) -> (i32, i32) {
    %c0_i32 = arith.constant 0 : i32
    %c0_i32_0 = arith.constant 0 : i32
    %c0_i32_1 = arith.constant 0 : i32
    return %c0_i32, %c0_i32_0 : i32, i32
  }
  func.func @transform_5(%arg0: i32) -> (i32, i32) {
    %c0_i32 = arith.constant 0 : i32
    %c0_i32_0 = arith.constant 0 : i32
    %c0_i32_1 = arith.constant 0 : i32
    return %c0_i32, %c0_i32_0 : i32, i32
  }
  func.func @transform_6(%arg0: i32) -> (i32, i32) {
    %c0_i32 = arith.constant 0 : i32
    %c0_i32_0 = arith.constant 0 : i32
    %c0_i32_1 = arith.constant 0 : i32
    return %c0_i32, %c0_i32_0 : i32, i32
  }
  func.func @transform_7(%arg0: i32) -> (i32, i32) {
    %c0_i32 = arith.constant 0 : i32
    %c0_i32_0 = arith.constant 0 : i32
    %c0_i32_1 = arith.constant 0 : i32
    return %c0_i32, %c0_i32_0 : i32, i32
  }
  func.func @transform_8(%arg0: i32) -> (i32, i32) {
    %c0_i32 = arith.constant 0 : i32
    %c0_i32_0 = arith.constant 0 : i32
    %c0_i32_1 = arith.constant 0 : i32
    return %c0_i32, %c0_i32_0 : i32, i32
  }
  func.func @transform_9(%arg0: i32) -> (i32, i32) {
    %c0_i32 = arith.constant 0 : i32
    %c0_i32_0 = arith.constant 0 : i32
    return %arg0, %c0_i32 : i32, i32
  }
}

module attributes {stable_mosaic.version = 14 : i64} {
  func.func @_proj_body(%arg0: i32, %arg1: memref<1024x16xf32, #tpu.memory_space<vmem>>, %arg2: memref<16x64xf32, #tpu.memory_space<vmem>>, %arg3: memref<16x128xf32, #tpu.memory_space<vmem>>, %arg4: memref<16x64xf32, #tpu.memory_space<vmem>>, %arg5: memref<1x64xf32, #tpu.memory_space<vmem>>, %arg6: memref<1x128xf32, #tpu.memory_space<vmem>>, %arg7: memref<1x64xf32, #tpu.memory_space<vmem>>, %arg8: memref<1024x128xf32, #tpu.memory_space<vmem>>, %arg9: memref<1024x128xf32, #tpu.memory_space<vmem>>, %arg10: memref<1024x64xf32, #tpu.memory_space<vmem>>) attributes {dimension_semantics = [#tpu.dimension_semantics<arbitrary>], iteration_bounds = array<i64: 10>, scalar_prefetch = 0 : i64, scratch_operands = 0 : i64, tpu.core_type = #tpu.core_type<tc>, window_params = [{transform_indices = @transform_0, window_bounds = array<i64: 1024, 16>}, {pipeline_mode = #tpu.pipeline_mode<synchronous>, transform_indices = @transform_1, window_bounds = array<i64: 16, 64>}, {pipeline_mode = #tpu.pipeline_mode<synchronous>, transform_indices = @transform_2, window_bounds = array<i64: 16, 128>}, {pipeline_mode = #tpu.pipeline_mode<synchronous>, transform_indices = @transform_3, window_bounds = array<i64: 16, 64>}, {pipeline_mode = #tpu.pipeline_mode<synchronous>, transform_indices = @transform_4, window_bounds = array<i64: 1, 64>}, {pipeline_mode = #tpu.pipeline_mode<synchronous>, transform_indices = @transform_5, window_bounds = array<i64: 1, 128>}, {pipeline_mode = #tpu.pipeline_mode<synchronous>, transform_indices = @transform_6, window_bounds = array<i64: 1, 64>}, {transform_indices = @transform_7, window_bounds = array<i64: 1024, 128>}, {transform_indices = @transform_8, window_bounds = array<i64: 1024, 128>}, {transform_indices = @transform_9, window_bounds = array<i64: 1024, 64>}]} {
    %get3A = arith.constant 0 : index
    %get3A_0 = arith.constant 0 : index
    %get3A_1 = vector.load %arg1[%get3A, %get3A_0] : memref<1024x16xf32, #tpu.memory_space<vmem>>, vector<1024x16xf32>
    %get3A_2 = arith.constant 0 : index
    %get3A_3 = arith.constant 0 : index
    %get3A_4 = vector.load %arg2[%get3A_2, %get3A_3] : memref<16x64xf32, #tpu.memory_space<vmem>>, vector<16x64xf32>
    %dot_general3A = arith.constant dense<0.000000e+00> : vector<1024x64xf32>
    %dot_general3A_5 = tpu.matmul %get3A_1, %get3A_4, %dot_general3A {dimension_numbers = #tpu.dot_dimension_numbers<[1], [0], [0], [1], [0, 0, 1, 1], [], []>, transpose_lhs_hint = false} : vector<1024x16xf32>, vector<16x64xf32>, vector<1024x64xf32> -> vector<1024x64xf32>
    %get3A_6 = arith.constant 0 : index
    %get3A_7 = arith.constant 0 : index
    %get3A_8 = vector.load %arg5[%get3A_6, %get3A_7] : memref<1x64xf32, #tpu.memory_space<vmem>>, vector<1x64xf32>
    %add3A = vector.broadcast %get3A_8 : vector<1x64xf32> to vector<1024x64xf32>
    %add3A_9 = arith.addf %dot_general3A_5, %add3A : vector<1024x64xf32>
    %broadcast_in_dim3A = arith.constant 0.000000e+00 : f32
    %broadcast_in_dim3A_10 = vector.broadcast %broadcast_in_dim3A : f32 to vector<1024x64xf32>
    %concatenate3A = tpu.concatenate %add3A_9, %broadcast_in_dim3A_10 in 1 : vector<1024x64xf32>, vector<1024x64xf32> -> vector<1024x128xf32>
    %swap3A = arith.constant 0 : index
    %swap3A_11 = arith.constant 0 : index
    %swap3A_12 = vector.load %arg8[%swap3A, %swap3A_11] : memref<1024x128xf32, #tpu.memory_space<vmem>>, vector<1024x128xf32>
    tpu.vector_store %arg8[%swap3A, %swap3A_11], %concatenate3A {strides = array<i32>} : memref<1024x128xf32, #tpu.memory_space<vmem>>, vector<1024x128xf32>,
    %get3A_13 = arith.constant 0 : index
    %get3A_14 = arith.constant 0 : index
    %get3A_15 = vector.load %arg3[%get3A_13, %get3A_14] : memref<16x128xf32, #tpu.memory_space<vmem>>, vector<16x128xf32>
    %dot_general3A_16 = arith.constant dense<0.000000e+00> : vector<1024x128xf32>
    %dot_general3A_17 = tpu.matmul %get3A_1, %get3A_15, %dot_general3A_16 {dimension_numbers = #tpu.dot_dimension_numbers<[1], [0], [0], [1], [0, 0, 1, 1], [], []>, transpose_lhs_hint = false} : vector<1024x16xf32>, vector<16x128xf32>, vector<1024x128xf32> -> vector<1024x128xf32>
    %get3A_18 = arith.constant 0 : index
    %get3A_19 = arith.constant 0 : index
    %get3A_20 = vector.load %arg6[%get3A_18, %get3A_19] : memref<1x128xf32, #tpu.memory_space<vmem>>, vector<1x128xf32>
    %add3A_21 = vector.broadcast %get3A_20 : vector<1x128xf32> to vector<1024x128xf32>
    %add3A_22 = arith.addf %dot_general3A_17, %add3A_21 : vector<1024x128xf32>
    %swap3A_23 = arith.constant 0 : index
    %swap3A_24 = arith.constant 0 : index
    %swap3A_25 = vector.load %arg9[%swap3A_23, %swap3A_24] : memref<1024x128xf32, #tpu.memory_space<vmem>>, vector<1024x128xf32>
    tpu.vector_store %arg9[%swap3A_23, %swap3A_24], %add3A_22 {strides = array<i32>} : memref<1024x128xf32, #tpu.memory_space<vmem>>, vector<1024x128xf32>,
    %get3A_26 = arith.constant 0 : index
    %get3A_27 = arith.constant 0 : index
    %get3A_28 = vector.load %arg4[%get3A_26, %get3A_27] : memref<16x64xf32, #tpu.memory_space<vmem>>, vector<16x64xf32>
    %dot_general3A_29 = arith.constant dense<0.000000e+00> : vector<1024x64xf32>
    %dot_general3A_30 = tpu.matmul %get3A_1, %get3A_28, %dot_general3A_29 {dimension_numbers = #tpu.dot_dimension_numbers<[1], [0], [0], [1], [0, 0, 1, 1], [], []>, transpose_lhs_hint = false} : vector<1024x16xf32>, vector<16x64xf32>, vector<1024x64xf32> -> vector<1024x64xf32>
    %get3A_31 = arith.constant 0 : index
    %get3A_32 = arith.constant 0 : index
    %get3A_33 = vector.load %arg7[%get3A_31, %get3A_32] : memref<1x64xf32, #tpu.memory_space<vmem>>, vector<1x64xf32>
    %add3A_34 = vector.broadcast %get3A_33 : vector<1x64xf32> to vector<1024x64xf32>
    %add3A_35 = arith.addf %dot_general3A_30, %add3A_34 : vector<1024x64xf32>
    %swap3A_36 = arith.constant 0 : index
    %swap3A_37 = arith.constant 0 : index
    %swap3A_38 = vector.load %arg10[%swap3A_36, %swap3A_37] : memref<1024x64xf32, #tpu.memory_space<vmem>>, vector<1024x64xf32>
    tpu.vector_store %arg10[%swap3A_36, %swap3A_37], %add3A_35 {strides = array<i32>} : memref<1024x64xf32, #tpu.memory_space<vmem>>, vector<1024x64xf32>,
    return
  }
  func.func @transform_0(%arg0: i32) -> (i32, i32) {
    %c0_i32 = arith.constant 0 : i32
    %c0_i32_0 = arith.constant 0 : i32
    return %arg0, %c0_i32 : i32, i32
  }
  func.func @transform_1(%arg0: i32) -> (i32, i32) {
    %c0_i32 = arith.constant 0 : i32
    %c0_i32_0 = arith.constant 0 : i32
    %c0_i32_1 = arith.constant 0 : i32
    return %c0_i32, %c0_i32_0 : i32, i32
  }
  func.func @transform_2(%arg0: i32) -> (i32, i32) {
    %c0_i32 = arith.constant 0 : i32
    %c0_i32_0 = arith.constant 0 : i32
    %c0_i32_1 = arith.constant 0 : i32
    return %c0_i32, %c0_i32_0 : i32, i32
  }
  func.func @transform_3(%arg0: i32) -> (i32, i32) {
    %c0_i32 = arith.constant 0 : i32
    %c0_i32_0 = arith.constant 0 : i32
    %c0_i32_1 = arith.constant 0 : i32
    return %c0_i32, %c0_i32_0 : i32, i32
  }
  func.func @transform_4(%arg0: i32) -> (i32, i32) {
    %c0_i32 = arith.constant 0 : i32
    %c0_i32_0 = arith.constant 0 : i32
    %c0_i32_1 = arith.constant 0 : i32
    return %c0_i32, %c0_i32_0 : i32, i32
  }
  func.func @transform_5(%arg0: i32) -> (i32, i32) {
    %c0_i32 = arith.constant 0 : i32
    %c0_i32_0 = arith.constant 0 : i32
    %c0_i32_1 = arith.constant 0 : i32
    return %c0_i32, %c0_i32_0 : i32, i32
  }
  func.func @transform_6(%arg0: i32) -> (i32, i32) {
    %c0_i32 = arith.constant 0 : i32
    %c0_i32_0 = arith.constant 0 : i32
    %c0_i32_1 = arith.constant 0 : i32
    return %c0_i32, %c0_i32_0 : i32, i32
  }
  func.func @transform_7(%arg0: i32) -> (i32, i32) {
    %c0_i32 = arith.constant 0 : i32
    %c0_i32_0 = arith.constant 0 : i32
    return %arg0, %c0_i32 : i32, i32
  }
  func.func @transform_8(%arg0: i32) -> (i32, i32) {
    %c0_i32 = arith.constant 0 : i32
    %c0_i32_0 = arith.constant 0 : i32
    return %arg0, %c0_i32 : i32, i32
  }
  func.func @transform_9(%arg0: i32) -> (i32, i32) {
    %c0_i32 = arith.constant 0 : i32
    %c0_i32_0 = arith.constant 0 : i32
    return %arg0, %c0_i32 : i32, i32
  }
}

module attributes {stable_mosaic.version = 14 : i64} {
  func.func @_cnn_body(%arg0: i32, %arg1: memref<1x16x256xf32, #tpu.memory_space<vmem>>, %arg2: memref<16x16xf32, #tpu.memory_space<vmem>>, %arg3: memref<16x16xf32, #tpu.memory_space<vmem>>, %arg4: memref<16x1xf32, #tpu.memory_space<vmem>>, %arg5: memref<3x3x16x16xf32, #tpu.memory_space<vmem>>, %arg6: memref<16x1xf32, #tpu.memory_space<vmem>>, %arg7: memref<1x16xf32, #tpu.memory_space<vmem>>, %arg8: memref<1x1xf32, #tpu.memory_space<vmem>>, %arg9: memref<1x256x256xf32, #tpu.memory_space<vmem>>, %arg10: memref<16x258x258xf32, #tpu.memory_space<vmem>>, %arg11: memref<16x65536xf32, #tpu.memory_space<vmem>>, %arg12: memref<256x256xf32, #tpu.memory_space<vmem>>) attributes {dimension_semantics = [#tpu.dimension_semantics<arbitrary>], iteration_bounds = array<i64: 40>, scalar_prefetch = 0 : i64, scratch_operands = 3 : i64, tpu.core_type = #tpu.core_type<tc>, window_params = [{transform_indices = @transform_0, window_bounds = array<i64: 1, 16, 256>}, {pipeline_mode = #tpu.pipeline_mode<synchronous>, transform_indices = @transform_1, window_bounds = array<i64: 16, 16>}, {pipeline_mode = #tpu.pipeline_mode<synchronous>, transform_indices = @transform_2, window_bounds = array<i64: 16, 16>}, {pipeline_mode = #tpu.pipeline_mode<synchronous>, transform_indices = @transform_3, window_bounds = array<i64: 16, 1>}, {pipeline_mode = #tpu.pipeline_mode<synchronous>, transform_indices = @transform_4, window_bounds = array<i64: 3, 3, 16, 16>}, {pipeline_mode = #tpu.pipeline_mode<synchronous>, transform_indices = @transform_5, window_bounds = array<i64: 16, 1>}, {pipeline_mode = #tpu.pipeline_mode<synchronous>, transform_indices = @transform_6, window_bounds = array<i64: 1, 16>}, {pipeline_mode = #tpu.pipeline_mode<synchronous>, transform_indices = @transform_7, window_bounds = array<i64: 1, 1>}, {transform_indices = @transform_8, window_bounds = array<i64: 1, 256, 256>}]} {
    %get3A = arith.constant 0 : index
    %get3A_0 = arith.constant 0 : index
    %get3A_1 = arith.constant 0 : index
    %get3A_2 = vector.load %arg1[%get3A, %get3A_0, %get3A_1] : memref<1x16x256xf32, #tpu.memory_space<vmem>>, vector<1x16x256xf32>
    %get3A_3 = vector.shape_cast %get3A_2 : vector<1x16x256xf32> to vector<16x256xf32>
    %broadcast_in_dim3A = arith.constant 0.000000e+00 : f32
    %broadcast_in_dim3A_4 = vector.broadcast %broadcast_in_dim3A : f32 to vector<16x1x258xf32>
    %swap3A = arith.constant 0 : index
    %swap3A_5 = arith.constant 0 : index
    %swap3A_6 = arith.constant 0 : index
    %swap3A_7 = vector.load %arg10[%swap3A, %swap3A_5, %swap3A_6] : memref<16x258x258xf32, #tpu.memory_space<vmem>>, vector<16x1x258xf32>
    tpu.vector_store %arg10[%swap3A, %swap3A_5, %swap3A_6], %broadcast_in_dim3A_4 {strides = array<i32>} : memref<16x258x258xf32, #tpu.memory_space<vmem>>, vector<16x1x258xf32>,
    %broadcast_in_dim3A_8 = arith.constant 0.000000e+00 : f32
    %broadcast_in_dim3A_9 = vector.broadcast %broadcast_in_dim3A_8 : f32 to vector<16x1x258xf32>
    %swap3A_10 = arith.constant 0 : index
    %swap3A_11 = arith.constant 257 : index
    %swap3A_12 = arith.constant 0 : index
    %swap3A_13 = vector.load %arg10[%swap3A_10, %swap3A_11, %swap3A_12] : memref<16x258x258xf32, #tpu.memory_space<vmem>>, vector<16x1x258xf32>
    tpu.vector_store %arg10[%swap3A_10, %swap3A_11, %swap3A_12], %broadcast_in_dim3A_9 {strides = array<i32>} : memref<16x258x258xf32, #tpu.memory_space<vmem>>, vector<16x1x258xf32>,
    %broadcast_in_dim3A_14 = arith.constant 0.000000e+00 : f32
    %broadcast_in_dim3A_15 = vector.broadcast %broadcast_in_dim3A_14 : f32 to vector<16x258x1xf32>
    %swap3A_16 = arith.constant 0 : index
    %swap3A_17 = arith.constant 0 : index
    %swap3A_18 = arith.constant 0 : index
    %swap3A_19 = vector.load %arg10[%swap3A_16, %swap3A_17, %swap3A_18] : memref<16x258x258xf32, #tpu.memory_space<vmem>>, vector<16x258x1xf32>
    tpu.vector_store %arg10[%swap3A_16, %swap3A_17, %swap3A_18], %broadcast_in_dim3A_15 {strides = array<i32>} : memref<16x258x258xf32, #tpu.memory_space<vmem>>, vector<16x258x1xf32>,
    %broadcast_in_dim3A_20 = arith.constant 0.000000e+00 : f32
    %broadcast_in_dim3A_21 = vector.broadcast %broadcast_in_dim3A_20 : f32 to vector<16x258x1xf32>
    %swap3A_22 = arith.constant 0 : index
    %swap3A_23 = arith.constant 0 : index
    %swap3A_24 = arith.constant 257 : index
    %swap3A_25 = vector.load %arg10[%swap3A_22, %swap3A_23, %swap3A_24] : memref<16x258x258xf32, #tpu.memory_space<vmem>>, vector<16x258x1xf32>
    tpu.vector_store %arg10[%swap3A_22, %swap3A_23, %swap3A_24], %broadcast_in_dim3A_21 {strides = array<i32>} : memref<16x258x258xf32, #tpu.memory_space<vmem>>, vector<16x258x1xf32>,
    %get3A_26 = arith.constant 0 : index
    %get3A_27 = arith.constant 0 : index
    %get3A_28 = vector.load %arg2[%get3A_26, %get3A_27] : memref<16x16xf32, #tpu.memory_space<vmem>>, vector<16x16xf32>
    %get3A_29 = arith.constant 0 : index
    %get3A_30 = arith.constant 0 : index
    %get3A_31 = vector.load %arg3[%get3A_29, %get3A_30] : memref<16x16xf32, #tpu.memory_space<vmem>>, vector<16x16xf32>
    %get3A_32 = arith.constant 0 : index
    %get3A_33 = arith.constant 0 : index
    %get3A_34 = vector.load %arg4[%get3A_32, %get3A_33] : memref<16x1xf32, #tpu.memory_space<vmem>>, vector<16x1xf32>
    %slice3A = vector.extract_strided_slice %get3A_3 {offsets = [0, 0], sizes = [16, 32], strides = [1, 1]} : vector<16x256xf32> to vector<16x32xf32>
    %broadcast_in_dim3A_35 = vector.shape_cast %slice3A : vector<16x32xf32> to vector<16x32x1xf32>
    %broadcast_in_dim3A_36 = vector.shape_cast %get3A_3 : vector<16x256xf32> to vector<16x1x256xf32>
    %sub3A = vector.broadcast %broadcast_in_dim3A_35 : vector<16x32x1xf32> to vector<16x32x256xf32>
    %sub3A_37 = vector.broadcast %broadcast_in_dim3A_36 : vector<16x1x256xf32> to vector<16x32x256xf32>
    %sub3A_38 = arith.subf %sub3A, %sub3A_37 : vector<16x32x256xf32>
    %abs3A = math.absf %sub3A_38 : vector<16x32x256xf32>
    %reshape3A = vector.shape_cast %abs3A : vector<16x32x256xf32> to vector<16x8192xf32>
    %mul3A = vector.broadcast %broadcast_in_dim3A_35 : vector<16x32x1xf32> to vector<16x32x256xf32>
    %mul3A_39 = vector.broadcast %broadcast_in_dim3A_36 : vector<16x1x256xf32> to vector<16x32x256xf32>
    %mul3A_40 = arith.mulf %mul3A, %mul3A_39 : vector<16x32x256xf32>
    %reshape3A_41 = vector.shape_cast %mul3A_40 : vector<16x32x256xf32> to vector<16x8192xf32>
    %dot_general3A = arith.constant dense<0.000000e+00> : vector<16x8192xf32>
    %dot_general3A_42 = tpu.matmul %get3A_28, %reshape3A, %dot_general3A {dimension_numbers = #tpu.dot_dimension_numbers<[1], [0], [0], [1], [0, 0, 1, 1], [], []>, transpose_lhs_hint = false} : vector<16x16xf32>, vector<16x8192xf32>, vector<16x8192xf32> -> vector<16x8192xf32>
    %dot_general3A_43 = arith.constant dense<0.000000e+00> : vector<16x8192xf32>
    %dot_general3A_44 = tpu.matmul %get3A_31, %reshape3A_41, %dot_general3A_43 {dimension_numbers = #tpu.dot_dimension_numbers<[1], [0], [0], [1], [0, 0, 1, 1], [], []>, transpose_lhs_hint = false} : vector<16x16xf32>, vector<16x8192xf32>, vector<16x8192xf32> -> vector<16x8192xf32>
    %add3A = arith.addf %dot_general3A_42, %dot_general3A_44 : vector<16x8192xf32>
    %add3A_45 = vector.broadcast %get3A_34 : vector<16x1xf32> to vector<16x8192xf32>
    %add3A_46 = arith.addf %add3A, %add3A_45 : vector<16x8192xf32>
    %max3A = arith.constant 0.000000e+00 : f32
    %max3A_47 = vector.broadcast %max3A : f32 to vector<16x8192xf32>
    %max3A_48 = arith.maximumf %add3A_46, %max3A_47 : vector<16x8192xf32>
    %reshape3A_49 = vector.shape_cast %max3A_48 : vector<16x8192xf32> to vector<16x32x256xf32>
    %swap3A_50 = arith.constant 0 : index
    %swap3A_51 = arith.constant 1 : index
    %swap3A_52 = arith.constant 1 : index
    %swap3A_53 = vector.load %arg10[%swap3A_50, %swap3A_51, %swap3A_52] : memref<16x258x258xf32, #tpu.memory_space<vmem>>, vector<16x32x256xf32>
    tpu.vector_store %arg10[%swap3A_50, %swap3A_51, %swap3A_52], %reshape3A_49 {strides = array<i32>} : memref<16x258x258xf32, #tpu.memory_space<vmem>>, vector<16x32x256xf32>,
    %slice3A_54 = vector.extract_strided_slice %get3A_3 {offsets = [0, 32], sizes = [16, 32], strides = [1, 1]} : vector<16x256xf32> to vector<16x32xf32>
    %broadcast_in_dim3A_55 = vector.shape_cast %slice3A_54 : vector<16x32xf32> to vector<16x32x1xf32>
    %broadcast_in_dim3A_56 = vector.shape_cast %get3A_3 : vector<16x256xf32> to vector<16x1x256xf32>
    %sub3A_57 = vector.broadcast %broadcast_in_dim3A_55 : vector<16x32x1xf32> to vector<16x32x256xf32>
    %sub3A_58 = vector.broadcast %broadcast_in_dim3A_56 : vector<16x1x256xf32> to vector<16x32x256xf32>
    %sub3A_59 = arith.subf %sub3A_57, %sub3A_58 : vector<16x32x256xf32>
    %abs3A_60 = math.absf %sub3A_59 : vector<16x32x256xf32>
    %reshape3A_61 = vector.shape_cast %abs3A_60 : vector<16x32x256xf32> to vector<16x8192xf32>
    %mul3A_62 = vector.broadcast %broadcast_in_dim3A_55 : vector<16x32x1xf32> to vector<16x32x256xf32>
    %mul3A_63 = vector.broadcast %broadcast_in_dim3A_56 : vector<16x1x256xf32> to vector<16x32x256xf32>
    %mul3A_64 = arith.mulf %mul3A_62, %mul3A_63 : vector<16x32x256xf32>
    %reshape3A_65 = vector.shape_cast %mul3A_64 : vector<16x32x256xf32> to vector<16x8192xf32>
    %dot_general3A_66 = arith.constant dense<0.000000e+00> : vector<16x8192xf32>
    %dot_general3A_67 = tpu.matmul %get3A_28, %reshape3A_61, %dot_general3A_66 {dimension_numbers = #tpu.dot_dimension_numbers<[1], [0], [0], [1], [0, 0, 1, 1], [], []>, transpose_lhs_hint = false} : vector<16x16xf32>, vector<16x8192xf32>, vector<16x8192xf32> -> vector<16x8192xf32>
    %dot_general3A_68 = arith.constant dense<0.000000e+00> : vector<16x8192xf32>
    %dot_general3A_69 = tpu.matmul %get3A_31, %reshape3A_65, %dot_general3A_68 {dimension_numbers = #tpu.dot_dimension_numbers<[1], [0], [0], [1], [0, 0, 1, 1], [], []>, transpose_lhs_hint = false} : vector<16x16xf32>, vector<16x8192xf32>, vector<16x8192xf32> -> vector<16x8192xf32>
    %add3A_70 = arith.addf %dot_general3A_67, %dot_general3A_69 : vector<16x8192xf32>
    %add3A_71 = vector.broadcast %get3A_34 : vector<16x1xf32> to vector<16x8192xf32>
    %add3A_72 = arith.addf %add3A_70, %add3A_71 : vector<16x8192xf32>
    %max3A_73 = arith.constant 0.000000e+00 : f32
    %max3A_74 = vector.broadcast %max3A_73 : f32 to vector<16x8192xf32>
    %max3A_75 = arith.maximumf %add3A_72, %max3A_74 : vector<16x8192xf32>
    %reshape3A_76 = vector.shape_cast %max3A_75 : vector<16x8192xf32> to vector<16x32x256xf32>
    %swap3A_77 = arith.constant 0 : index
    %swap3A_78 = arith.constant 33 : index
    %swap3A_79 = arith.constant 1 : index
    %swap3A_80 = vector.load %arg10[%swap3A_77, %swap3A_78, %swap3A_79] : memref<16x258x258xf32, #tpu.memory_space<vmem>>, vector<16x32x256xf32>
    tpu.vector_store %arg10[%swap3A_77, %swap3A_78, %swap3A_79], %reshape3A_76 {strides = array<i32>} : memref<16x258x258xf32, #tpu.memory_space<vmem>>, vector<16x32x256xf32>,
    %slice3A_81 = vector.extract_strided_slice %get3A_3 {offsets = [0, 64], sizes = [16, 32], strides = [1, 1]} : vector<16x256xf32> to vector<16x32xf32>
    %broadcast_in_dim3A_82 = vector.shape_cast %slice3A_81 : vector<16x32xf32> to vector<16x32x1xf32>
    %broadcast_in_dim3A_83 = vector.shape_cast %get3A_3 : vector<16x256xf32> to vector<16x1x256xf32>
    %sub3A_84 = vector.broadcast %broadcast_in_dim3A_82 : vector<16x32x1xf32> to vector<16x32x256xf32>
    %sub3A_85 = vector.broadcast %broadcast_in_dim3A_83 : vector<16x1x256xf32> to vector<16x32x256xf32>
    %sub3A_86 = arith.subf %sub3A_84, %sub3A_85 : vector<16x32x256xf32>
    %abs3A_87 = math.absf %sub3A_86 : vector<16x32x256xf32>
    %reshape3A_88 = vector.shape_cast %abs3A_87 : vector<16x32x256xf32> to vector<16x8192xf32>
    %mul3A_89 = vector.broadcast %broadcast_in_dim3A_82 : vector<16x32x1xf32> to vector<16x32x256xf32>
    %mul3A_90 = vector.broadcast %broadcast_in_dim3A_83 : vector<16x1x256xf32> to vector<16x32x256xf32>
    %mul3A_91 = arith.mulf %mul3A_89, %mul3A_90 : vector<16x32x256xf32>
    %reshape3A_92 = vector.shape_cast %mul3A_91 : vector<16x32x256xf32> to vector<16x8192xf32>
    %dot_general3A_93 = arith.constant dense<0.000000e+00> : vector<16x8192xf32>
    %dot_general3A_94 = tpu.matmul %get3A_28, %reshape3A_88, %dot_general3A_93 {dimension_numbers = #tpu.dot_dimension_numbers<[1], [0], [0], [1], [0, 0, 1, 1], [], []>, transpose_lhs_hint = false} : vector<16x16xf32>, vector<16x8192xf32>, vector<16x8192xf32> -> vector<16x8192xf32>
    %dot_general3A_95 = arith.constant dense<0.000000e+00> : vector<16x8192xf32>
    %dot_general3A_96 = tpu.matmul %get3A_31, %reshape3A_92, %dot_general3A_95 {dimension_numbers = #tpu.dot_dimension_numbers<[1], [0], [0], [1], [0, 0, 1, 1], [], []>, transpose_lhs_hint = false} : vector<16x16xf32>, vector<16x8192xf32>, vector<16x8192xf32> -> vector<16x8192xf32>
    %add3A_97 = arith.addf %dot_general3A_94, %dot_general3A_96 : vector<16x8192xf32>
    %add3A_98 = vector.broadcast %get3A_34 : vector<16x1xf32> to vector<16x8192xf32>
    %add3A_99 = arith.addf %add3A_97, %add3A_98 : vector<16x8192xf32>
    %max3A_100 = arith.constant 0.000000e+00 : f32
    %max3A_101 = vector.broadcast %max3A_100 : f32 to vector<16x8192xf32>
    %max3A_102 = arith.maximumf %add3A_99, %max3A_101 : vector<16x8192xf32>
    %reshape3A_103 = vector.shape_cast %max3A_102 : vector<16x8192xf32> to vector<16x32x256xf32>
    %swap3A_104 = arith.constant 0 : index
    %swap3A_105 = arith.constant 65 : index
    %swap3A_106 = arith.constant 1 : index
    %swap3A_107 = vector.load %arg10[%swap3A_104, %swap3A_105, %swap3A_106] : memref<16x258x258xf32, #tpu.memory_space<vmem>>, vector<16x32x256xf32>
    tpu.vector_store %arg10[%swap3A_104, %swap3A_105, %swap3A_106], %reshape3A_103 {strides = array<i32>} : memref<16x258x258xf32, #tpu.memory_space<vmem>>, vector<16x32x256xf32>,
    %slice3A_108 = vector.extract_strided_slice %get3A_3 {offsets = [0, 96], sizes = [16, 32], strides = [1, 1]} : vector<16x256xf32> to vector<16x32xf32>
    %broadcast_in_dim3A_109 = vector.shape_cast %slice3A_108 : vector<16x32xf32> to vector<16x32x1xf32>
    %broadcast_in_dim3A_110 = vector.shape_cast %get3A_3 : vector<16x256xf32> to vector<16x1x256xf32>
    %sub3A_111 = vector.broadcast %broadcast_in_dim3A_109 : vector<16x32x1xf32> to vector<16x32x256xf32>
    %sub3A_112 = vector.broadcast %broadcast_in_dim3A_110 : vector<16x1x256xf32> to vector<16x32x256xf32>
    %sub3A_113 = arith.subf %sub3A_111, %sub3A_112 : vector<16x32x256xf32>
    %abs3A_114 = math.absf %sub3A_113 : vector<16x32x256xf32>
    %reshape3A_115 = vector.shape_cast %abs3A_114 : vector<16x32x256xf32> to vector<16x8192xf32>
    %mul3A_116 = vector.broadcast %broadcast_in_dim3A_109 : vector<16x32x1xf32> to vector<16x32x256xf32>
    %mul3A_117 = vector.broadcast %broadcast_in_dim3A_110 : vector<16x1x256xf32> to vector<16x32x256xf32>
    %mul3A_118 = arith.mulf %mul3A_116, %mul3A_117 : vector<16x32x256xf32>
    %reshape3A_119 = vector.shape_cast %mul3A_118 : vector<16x32x256xf32> to vector<16x8192xf32>
    %dot_general3A_120 = arith.constant dense<0.000000e+00> : vector<16x8192xf32>
    %dot_general3A_121 = tpu.matmul %get3A_28, %reshape3A_115, %dot_general3A_120 {dimension_numbers = #tpu.dot_dimension_numbers<[1], [0], [0], [1], [0, 0, 1, 1], [], []>, transpose_lhs_hint = false} : vector<16x16xf32>, vector<16x8192xf32>, vector<16x8192xf32> -> vector<16x8192xf32>
    %dot_general3A_122 = arith.constant dense<0.000000e+00> : vector<16x8192xf32>
    %dot_general3A_123 = tpu.matmul %get3A_31, %reshape3A_119, %dot_general3A_122 {dimension_numbers = #tpu.dot_dimension_numbers<[1], [0], [0], [1], [0, 0, 1, 1], [], []>, transpose_lhs_hint = false} : vector<16x16xf32>, vector<16x8192xf32>, vector<16x8192xf32> -> vector<16x8192xf32>
    %add3A_124 = arith.addf %dot_general3A_121, %dot_general3A_123 : vector<16x8192xf32>
    %add3A_125 = vector.broadcast %get3A_34 : vector<16x1xf32> to vector<16x8192xf32>
    %add3A_126 = arith.addf %add3A_124, %add3A_125 : vector<16x8192xf32>
    %max3A_127 = arith.constant 0.000000e+00 : f32
    %max3A_128 = vector.broadcast %max3A_127 : f32 to vector<16x8192xf32>
    %max3A_129 = arith.maximumf %add3A_126, %max3A_128 : vector<16x8192xf32>
    %reshape3A_130 = vector.shape_cast %max3A_129 : vector<16x8192xf32> to vector<16x32x256xf32>
    %swap3A_131 = arith.constant 0 : index
    %swap3A_132 = arith.constant 97 : index
    %swap3A_133 = arith.constant 1 : index
    %swap3A_134 = vector.load %arg10[%swap3A_131, %swap3A_132, %swap3A_133] : memref<16x258x258xf32, #tpu.memory_space<vmem>>, vector<16x32x256xf32>
    tpu.vector_store %arg10[%swap3A_131, %swap3A_132, %swap3A_133], %reshape3A_130 {strides = array<i32>} : memref<16x258x258xf32, #tpu.memory_space<vmem>>, vector<16x32x256xf32>,
    %slice3A_135 = vector.extract_strided_slice %get3A_3 {offsets = [0, 128], sizes = [16, 32], strides = [1, 1]} : vector<16x256xf32> to vector<16x32xf32>
    %broadcast_in_dim3A_136 = vector.shape_cast %slice3A_135 : vector<16x32xf32> to vector<16x32x1xf32>
    %broadcast_in_dim3A_137 = vector.shape_cast %get3A_3 : vector<16x256xf32> to vector<16x1x256xf32>
    %sub3A_138 = vector.broadcast %broadcast_in_dim3A_136 : vector<16x32x1xf32> to vector<16x32x256xf32>
    %sub3A_139 = vector.broadcast %broadcast_in_dim3A_137 : vector<16x1x256xf32> to vector<16x32x256xf32>
    %sub3A_140 = arith.subf %sub3A_138, %sub3A_139 : vector<16x32x256xf32>
    %abs3A_141 = math.absf %sub3A_140 : vector<16x32x256xf32>
    %reshape3A_142 = vector.shape_cast %abs3A_141 : vector<16x32x256xf32> to vector<16x8192xf32>
    %mul3A_143 = vector.broadcast %broadcast_in_dim3A_136 : vector<16x32x1xf32> to vector<16x32x256xf32>
    %mul3A_144 = vector.broadcast %broadcast_in_dim3A_137 : vector<16x1x256xf32> to vector<16x32x256xf32>
    %mul3A_145 = arith.mulf %mul3A_143, %mul3A_144 : vector<16x32x256xf32>
    %reshape3A_146 = vector.shape_cast %mul3A_145 : vector<16x32x256xf32> to vector<16x8192xf32>
    %dot_general3A_147 = arith.constant dense<0.000000e+00> : vector<16x8192xf32>
    %dot_general3A_148 = tpu.matmul %get3A_28, %reshape3A_142, %dot_general3A_147 {dimension_numbers = #tpu.dot_dimension_numbers<[1], [0], [0], [1], [0, 0, 1, 1], [], []>, transpose_lhs_hint = false} : vector<16x16xf32>, vector<16x8192xf32>, vector<16x8192xf32> -> vector<16x8192xf32>
    %dot_general3A_149 = arith.constant dense<0.000000e+00> : vector<16x8192xf32>
    %dot_general3A_150 = tpu.matmul %get3A_31, %reshape3A_146, %dot_general3A_149 {dimension_numbers = #tpu.dot_dimension_numbers<[1], [0], [0], [1], [0, 0, 1, 1], [], []>, transpose_lhs_hint = false} : vector<16x16xf32>, vector<16x8192xf32>, vector<16x8192xf32> -> vector<16x8192xf32>
    %add3A_151 = arith.addf %dot_general3A_148, %dot_general3A_150 : vector<16x8192xf32>
    %add3A_152 = vector.broadcast %get3A_34 : vector<16x1xf32> to vector<16x8192xf32>
    %add3A_153 = arith.addf %add3A_151, %add3A_152 : vector<16x8192xf32>
    %max3A_154 = arith.constant 0.000000e+00 : f32
    %max3A_155 = vector.broadcast %max3A_154 : f32 to vector<16x8192xf32>
    %max3A_156 = arith.maximumf %add3A_153, %max3A_155 : vector<16x8192xf32>
    %reshape3A_157 = vector.shape_cast %max3A_156 : vector<16x8192xf32> to vector<16x32x256xf32>
    %swap3A_158 = arith.constant 0 : index
    %swap3A_159 = arith.constant 129 : index
    %swap3A_160 = arith.constant 1 : index
    %swap3A_161 = vector.load %arg10[%swap3A_158, %swap3A_159, %swap3A_160] : memref<16x258x258xf32, #tpu.memory_space<vmem>>, vector<16x32x256xf32>
    tpu.vector_store %arg10[%swap3A_158, %swap3A_159, %swap3A_160], %reshape3A_157 {strides = array<i32>} : memref<16x258x258xf32, #tpu.memory_space<vmem>>, vector<16x32x256xf32>,
    %slice3A_162 = vector.extract_strided_slice %get3A_3 {offsets = [0, 160], sizes = [16, 32], strides = [1, 1]} : vector<16x256xf32> to vector<16x32xf32>
    %broadcast_in_dim3A_163 = vector.shape_cast %slice3A_162 : vector<16x32xf32> to vector<16x32x1xf32>
    %broadcast_in_dim3A_164 = vector.shape_cast %get3A_3 : vector<16x256xf32> to vector<16x1x256xf32>
    %sub3A_165 = vector.broadcast %broadcast_in_dim3A_163 : vector<16x32x1xf32> to vector<16x32x256xf32>
    %sub3A_166 = vector.broadcast %broadcast_in_dim3A_164 : vector<16x1x256xf32> to vector<16x32x256xf32>
    %sub3A_167 = arith.subf %sub3A_165, %sub3A_166 : vector<16x32x256xf32>
    %abs3A_168 = math.absf %sub3A_167 : vector<16x32x256xf32>
    %reshape3A_169 = vector.shape_cast %abs3A_168 : vector<16x32x256xf32> to vector<16x8192xf32>
    %mul3A_170 = vector.broadcast %broadcast_in_dim3A_163 : vector<16x32x1xf32> to vector<16x32x256xf32>
    %mul3A_171 = vector.broadcast %broadcast_in_dim3A_164 : vector<16x1x256xf32> to vector<16x32x256xf32>
    %mul3A_172 = arith.mulf %mul3A_170, %mul3A_171 : vector<16x32x256xf32>
    %reshape3A_173 = vector.shape_cast %mul3A_172 : vector<16x32x256xf32> to vector<16x8192xf32>
    %dot_general3A_174 = arith.constant dense<0.000000e+00> : vector<16x8192xf32>
    %dot_general3A_175 = tpu.matmul %get3A_28, %reshape3A_169, %dot_general3A_174 {dimension_numbers = #tpu.dot_dimension_numbers<[1], [0], [0], [1], [0, 0, 1, 1], [], []>, transpose_lhs_hint = false} : vector<16x16xf32>, vector<16x8192xf32>, vector<16x8192xf32> -> vector<16x8192xf32>
    %dot_general3A_176 = arith.constant dense<0.000000e+00> : vector<16x8192xf32>
    %dot_general3A_177 = tpu.matmul %get3A_31, %reshape3A_173, %dot_general3A_176 {dimension_numbers = #tpu.dot_dimension_numbers<[1], [0], [0], [1], [0, 0, 1, 1], [], []>, transpose_lhs_hint = false} : vector<16x16xf32>, vector<16x8192xf32>, vector<16x8192xf32> -> vector<16x8192xf32>
    %add3A_178 = arith.addf %dot_general3A_175, %dot_general3A_177 : vector<16x8192xf32>
    %add3A_179 = vector.broadcast %get3A_34 : vector<16x1xf32> to vector<16x8192xf32>
    %add3A_180 = arith.addf %add3A_178, %add3A_179 : vector<16x8192xf32>
    %max3A_181 = arith.constant 0.000000e+00 : f32
    %max3A_182 = vector.broadcast %max3A_181 : f32 to vector<16x8192xf32>
    %max3A_183 = arith.maximumf %add3A_180, %max3A_182 : vector<16x8192xf32>
    %reshape3A_184 = vector.shape_cast %max3A_183 : vector<16x8192xf32> to vector<16x32x256xf32>
    %swap3A_185 = arith.constant 0 : index
    %swap3A_186 = arith.constant 161 : index
    %swap3A_187 = arith.constant 1 : index
    %swap3A_188 = vector.load %arg10[%swap3A_185, %swap3A_186, %swap3A_187] : memref<16x258x258xf32, #tpu.memory_space<vmem>>, vector<16x32x256xf32>
    tpu.vector_store %arg10[%swap3A_185, %swap3A_186, %swap3A_187], %reshape3A_184 {strides = array<i32>} : memref<16x258x258xf32, #tpu.memory_space<vmem>>, vector<16x32x256xf32>,
    %slice3A_189 = vector.extract_strided_slice %get3A_3 {offsets = [0, 192], sizes = [16, 32], strides = [1, 1]} : vector<16x256xf32> to vector<16x32xf32>
    %broadcast_in_dim3A_190 = vector.shape_cast %slice3A_189 : vector<16x32xf32> to vector<16x32x1xf32>
    %broadcast_in_dim3A_191 = vector.shape_cast %get3A_3 : vector<16x256xf32> to vector<16x1x256xf32>
    %sub3A_192 = vector.broadcast %broadcast_in_dim3A_190 : vector<16x32x1xf32> to vector<16x32x256xf32>
    %sub3A_193 = vector.broadcast %broadcast_in_dim3A_191 : vector<16x1x256xf32> to vector<16x32x256xf32>
    %sub3A_194 = arith.subf %sub3A_192, %sub3A_193 : vector<16x32x256xf32>
    %abs3A_195 = math.absf %sub3A_194 : vector<16x32x256xf32>
    %reshape3A_196 = vector.shape_cast %abs3A_195 : vector<16x32x256xf32> to vector<16x8192xf32>
    %mul3A_197 = vector.broadcast %broadcast_in_dim3A_190 : vector<16x32x1xf32> to vector<16x32x256xf32>
    %mul3A_198 = vector.broadcast %broadcast_in_dim3A_191 : vector<16x1x256xf32> to vector<16x32x256xf32>
    %mul3A_199 = arith.mulf %mul3A_197, %mul3A_198 : vector<16x32x256xf32>
    %reshape3A_200 = vector.shape_cast %mul3A_199 : vector<16x32x256xf32> to vector<16x8192xf32>
    %dot_general3A_201 = arith.constant dense<0.000000e+00> : vector<16x8192xf32>
    %dot_general3A_202 = tpu.matmul %get3A_28, %reshape3A_196, %dot_general3A_201 {dimension_numbers = #tpu.dot_dimension_numbers<[1], [0], [0], [1], [0, 0, 1, 1], [], []>, transpose_lhs_hint = false} : vector<16x16xf32>, vector<16x8192xf32>, vector<16x8192xf32> -> vector<16x8192xf32>
    %dot_general3A_203 = arith.constant dense<0.000000e+00> : vector<16x8192xf32>
    %dot_general3A_204 = tpu.matmul %get3A_31, %reshape3A_200, %dot_general3A_203 {dimension_numbers = #tpu.dot_dimension_numbers<[1], [0], [0], [1], [0, 0, 1, 1], [], []>, transpose_lhs_hint = false} : vector<16x16xf32>, vector<16x8192xf32>, vector<16x8192xf32> -> vector<16x8192xf32>
    %add3A_205 = arith.addf %dot_general3A_202, %dot_general3A_204 : vector<16x8192xf32>
    %add3A_206 = vector.broadcast %get3A_34 : vector<16x1xf32> to vector<16x8192xf32>
    %add3A_207 = arith.addf %add3A_205, %add3A_206 : vector<16x8192xf32>
    %max3A_208 = arith.constant 0.000000e+00 : f32
    %max3A_209 = vector.broadcast %max3A_208 : f32 to vector<16x8192xf32>
    %max3A_210 = arith.maximumf %add3A_207, %max3A_209 : vector<16x8192xf32>
    %reshape3A_211 = vector.shape_cast %max3A_210 : vector<16x8192xf32> to vector<16x32x256xf32>
    %swap3A_212 = arith.constant 0 : index
    %swap3A_213 = arith.constant 193 : index
    %swap3A_214 = arith.constant 1 : index
    %swap3A_215 = vector.load %arg10[%swap3A_212, %swap3A_213, %swap3A_214] : memref<16x258x258xf32, #tpu.memory_space<vmem>>, vector<16x32x256xf32>
    tpu.vector_store %arg10[%swap3A_212, %swap3A_213, %swap3A_214], %reshape3A_211 {strides = array<i32>} : memref<16x258x258xf32, #tpu.memory_space<vmem>>, vector<16x32x256xf32>,
    %slice3A_216 = vector.extract_strided_slice %get3A_3 {offsets = [0, 224], sizes = [16, 32], strides = [1, 1]} : vector<16x256xf32> to vector<16x32xf32>
    %broadcast_in_dim3A_217 = vector.shape_cast %slice3A_216 : vector<16x32xf32> to vector<16x32x1xf32>
    %broadcast_in_dim3A_218 = vector.shape_cast %get3A_3 : vector<16x256xf32> to vector<16x1x256xf32>
    %sub3A_219 = vector.broadcast %broadcast_in_dim3A_217 : vector<16x32x1xf32> to vector<16x32x256xf32>
    %sub3A_220 = vector.broadcast %broadcast_in_dim3A_218 : vector<16x1x256xf32> to vector<16x32x256xf32>
    %sub3A_221 = arith.subf %sub3A_219, %sub3A_220 : vector<16x32x256xf32>
    %abs3A_222 = math.absf %sub3A_221 : vector<16x32x256xf32>
    %reshape3A_223 = vector.shape_cast %abs3A_222 : vector<16x32x256xf32> to vector<16x8192xf32>
    %mul3A_224 = vector.broadcast %broadcast_in_dim3A_217 : vector<16x32x1xf32> to vector<16x32x256xf32>
    %mul3A_225 = vector.broadcast %broadcast_in_dim3A_218 : vector<16x1x256xf32> to vector<16x32x256xf32>
    %mul3A_226 = arith.mulf %mul3A_224, %mul3A_225 : vector<16x32x256xf32>
    %reshape3A_227 = vector.shape_cast %mul3A_226 : vector<16x32x256xf32> to vector<16x8192xf32>
    %dot_general3A_228 = arith.constant dense<0.000000e+00> : vector<16x8192xf32>
    %dot_general3A_229 = tpu.matmul %get3A_28, %reshape3A_223, %dot_general3A_228 {dimension_numbers = #tpu.dot_dimension_numbers<[1], [0], [0], [1], [0, 0, 1, 1], [], []>, transpose_lhs_hint = false} : vector<16x16xf32>, vector<16x8192xf32>, vector<16x8192xf32> -> vector<16x8192xf32>
    %dot_general3A_230 = arith.constant dense<0.000000e+00> : vector<16x8192xf32>
    %dot_general3A_231 = tpu.matmul %get3A_31, %reshape3A_227, %dot_general3A_230 {dimension_numbers = #tpu.dot_dimension_numbers<[1], [0], [0], [1], [0, 0, 1, 1], [], []>, transpose_lhs_hint = false} : vector<16x16xf32>, vector<16x8192xf32>, vector<16x8192xf32> -> vector<16x8192xf32>
    %add3A_232 = arith.addf %dot_general3A_229, %dot_general3A_231 : vector<16x8192xf32>
    %add3A_233 = vector.broadcast %get3A_34 : vector<16x1xf32> to vector<16x8192xf32>
    %add3A_234 = arith.addf %add3A_232, %add3A_233 : vector<16x8192xf32>
    %max3A_235 = arith.constant 0.000000e+00 : f32
    %max3A_236 = vector.broadcast %max3A_235 : f32 to vector<16x8192xf32>
    %max3A_237 = arith.maximumf %add3A_234, %max3A_236 : vector<16x8192xf32>
    %reshape3A_238 = vector.shape_cast %max3A_237 : vector<16x8192xf32> to vector<16x32x256xf32>
    %swap3A_239 = arith.constant 0 : index
    %swap3A_240 = arith.constant 225 : index
    %swap3A_241 = arith.constant 1 : index
    %swap3A_242 = vector.load %arg10[%swap3A_239, %swap3A_240, %swap3A_241] : memref<16x258x258xf32, #tpu.memory_space<vmem>>, vector<16x32x256xf32>
    tpu.vector_store %arg10[%swap3A_239, %swap3A_240, %swap3A_241], %reshape3A_238 {strides = array<i32>} : memref<16x258x258xf32, #tpu.memory_space<vmem>>, vector<16x32x256xf32>,
    %get3A_243 = arith.constant 0 : index
    %get3A_244 = arith.constant 0 : index
    %get3A_245 = arith.constant 0 : index
    %get3A_246 = vector.load %arg10[%get3A_243, %get3A_244, %get3A_245] : memref<16x258x258xf32, #tpu.memory_space<vmem>>, vector<16x256x256xf32>
    %reshape3A_247 = vector.shape_cast %get3A_246 : vector<16x256x256xf32> to vector<16x65536xf32>
    %get3A_248 = arith.constant 0 : index
    %get3A_249 = arith.constant 0 : index
    %get3A_250 = arith.constant 0 : index
    %get3A_251 = arith.constant 0 : index
    %get3A_252 = vector.load %arg5[%get3A_248, %get3A_249, %get3A_250, %get3A_251] : memref<3x3x16x16xf32, #tpu.memory_space<vmem>>, vector<1x1x16x16xf32>
    %get3A_253 = vector.shape_cast %get3A_252 : vector<1x1x16x16xf32> to vector<16x16xf32>
    %dot_general3A_254 = arith.constant dense<0.000000e+00> : vector<16x65536xf32>
    %dot_general3A_255 = tpu.matmul %get3A_253, %reshape3A_247, %dot_general3A_254 {dimension_numbers = #tpu.dot_dimension_numbers<[1], [0], [0], [1], [0, 0, 1, 1], [], []>, transpose_lhs_hint = false} : vector<16x16xf32>, vector<16x65536xf32>, vector<16x65536xf32> -> vector<16x65536xf32>
    %swap3A_256 = arith.constant 0 : index
    %swap3A_257 = arith.constant 0 : index
    %swap3A_258 = vector.load %arg11[%swap3A_256, %swap3A_257] : memref<16x65536xf32, #tpu.memory_space<vmem>>, vector<16x65536xf32>
    tpu.vector_store %arg11[%swap3A_256, %swap3A_257], %dot_general3A_255 {strides = array<i32>} : memref<16x65536xf32, #tpu.memory_space<vmem>>, vector<16x65536xf32>,
    %get3A_259 = arith.constant 0 : index
    %get3A_260 = arith.constant 0 : index
    %get3A_261 = arith.constant 1 : index
    %get3A_262 = vector.load %arg10[%get3A_259, %get3A_260, %get3A_261] : memref<16x258x258xf32, #tpu.memory_space<vmem>>, vector<16x256x256xf32>
    %reshape3A_263 = vector.shape_cast %get3A_262 : vector<16x256x256xf32> to vector<16x65536xf32>
    %get3A_264 = arith.constant 0 : index
    %get3A_265 = arith.constant 1 : index
    %get3A_266 = arith.constant 0 : index
    %get3A_267 = arith.constant 0 : index
    %get3A_268 = vector.load %arg5[%get3A_264, %get3A_265, %get3A_266, %get3A_267] : memref<3x3x16x16xf32, #tpu.memory_space<vmem>>, vector<1x1x16x16xf32>
    %get3A_269 = vector.shape_cast %get3A_268 : vector<1x1x16x16xf32> to vector<16x16xf32>
    %dot_general3A_270 = arith.constant dense<0.000000e+00> : vector<16x65536xf32>
    %dot_general3A_271 = tpu.matmul %get3A_269, %reshape3A_263, %dot_general3A_270 {dimension_numbers = #tpu.dot_dimension_numbers<[1], [0], [0], [1], [0, 0, 1, 1], [], []>, transpose_lhs_hint = false} : vector<16x16xf32>, vector<16x65536xf32>, vector<16x65536xf32> -> vector<16x65536xf32>
    %get3A_272 = arith.constant 0 : index
    %get3A_273 = arith.constant 0 : index
    %get3A_274 = vector.load %arg11[%get3A_272, %get3A_273] : memref<16x65536xf32, #tpu.memory_space<vmem>>, vector<16x65536xf32>
    %add3A_275 = arith.addf %get3A_274, %dot_general3A_271 : vector<16x65536xf32>
    %swap3A_276 = arith.constant 0 : index
    %swap3A_277 = arith.constant 0 : index
    %swap3A_278 = vector.load %arg11[%swap3A_276, %swap3A_277] : memref<16x65536xf32, #tpu.memory_space<vmem>>, vector<16x65536xf32>
    tpu.vector_store %arg11[%swap3A_276, %swap3A_277], %add3A_275 {strides = array<i32>} : memref<16x65536xf32, #tpu.memory_space<vmem>>, vector<16x65536xf32>,
    %get3A_279 = arith.constant 0 : index
    %get3A_280 = arith.constant 0 : index
    %get3A_281 = arith.constant 2 : index
    %get3A_282 = vector.load %arg10[%get3A_279, %get3A_280, %get3A_281] : memref<16x258x258xf32, #tpu.memory_space<vmem>>, vector<16x256x256xf32>
    %reshape3A_283 = vector.shape_cast %get3A_282 : vector<16x256x256xf32> to vector<16x65536xf32>
    %get3A_284 = arith.constant 0 : index
    %get3A_285 = arith.constant 2 : index
    %get3A_286 = arith.constant 0 : index
    %get3A_287 = arith.constant 0 : index
    %get3A_288 = vector.load %arg5[%get3A_284, %get3A_285, %get3A_286, %get3A_287] : memref<3x3x16x16xf32, #tpu.memory_space<vmem>>, vector<1x1x16x16xf32>
    %get3A_289 = vector.shape_cast %get3A_288 : vector<1x1x16x16xf32> to vector<16x16xf32>
    %dot_general3A_290 = arith.constant dense<0.000000e+00> : vector<16x65536xf32>
    %dot_general3A_291 = tpu.matmul %get3A_289, %reshape3A_283, %dot_general3A_290 {dimension_numbers = #tpu.dot_dimension_numbers<[1], [0], [0], [1], [0, 0, 1, 1], [], []>, transpose_lhs_hint = false} : vector<16x16xf32>, vector<16x65536xf32>, vector<16x65536xf32> -> vector<16x65536xf32>
    %get3A_292 = arith.constant 0 : index
    %get3A_293 = arith.constant 0 : index
    %get3A_294 = vector.load %arg11[%get3A_292, %get3A_293] : memref<16x65536xf32, #tpu.memory_space<vmem>>, vector<16x65536xf32>
    %add3A_295 = arith.addf %get3A_294, %dot_general3A_291 : vector<16x65536xf32>
    %swap3A_296 = arith.constant 0 : index
    %swap3A_297 = arith.constant 0 : index
    %swap3A_298 = vector.load %arg11[%swap3A_296, %swap3A_297] : memref<16x65536xf32, #tpu.memory_space<vmem>>, vector<16x65536xf32>
    tpu.vector_store %arg11[%swap3A_296, %swap3A_297], %add3A_295 {strides = array<i32>} : memref<16x65536xf32, #tpu.memory_space<vmem>>, vector<16x65536xf32>,
    %get3A_299 = arith.constant 0 : index
    %get3A_300 = arith.constant 1 : index
    %get3A_301 = arith.constant 0 : index
    %get3A_302 = vector.load %arg10[%get3A_299, %get3A_300, %get3A_301] : memref<16x258x258xf32, #tpu.memory_space<vmem>>, vector<16x256x256xf32>
    %reshape3A_303 = vector.shape_cast %get3A_302 : vector<16x256x256xf32> to vector<16x65536xf32>
    %get3A_304 = arith.constant 1 : index
    %get3A_305 = arith.constant 0 : index
    %get3A_306 = arith.constant 0 : index
    %get3A_307 = arith.constant 0 : index
    %get3A_308 = vector.load %arg5[%get3A_304, %get3A_305, %get3A_306, %get3A_307] : memref<3x3x16x16xf32, #tpu.memory_space<vmem>>, vector<1x1x16x16xf32>
    %get3A_309 = vector.shape_cast %get3A_308 : vector<1x1x16x16xf32> to vector<16x16xf32>
    %dot_general3A_310 = arith.constant dense<0.000000e+00> : vector<16x65536xf32>
    %dot_general3A_311 = tpu.matmul %get3A_309, %reshape3A_303, %dot_general3A_310 {dimension_numbers = #tpu.dot_dimension_numbers<[1], [0], [0], [1], [0, 0, 1, 1], [], []>, transpose_lhs_hint = false} : vector<16x16xf32>, vector<16x65536xf32>, vector<16x65536xf32> -> vector<16x65536xf32>
    %get3A_312 = arith.constant 0 : index
    %get3A_313 = arith.constant 0 : index
    %get3A_314 = vector.load %arg11[%get3A_312, %get3A_313] : memref<16x65536xf32, #tpu.memory_space<vmem>>, vector<16x65536xf32>
    %add3A_315 = arith.addf %get3A_314, %dot_general3A_311 : vector<16x65536xf32>
    %swap3A_316 = arith.constant 0 : index
    %swap3A_317 = arith.constant 0 : index
    %swap3A_318 = vector.load %arg11[%swap3A_316, %swap3A_317] : memref<16x65536xf32, #tpu.memory_space<vmem>>, vector<16x65536xf32>
    tpu.vector_store %arg11[%swap3A_316, %swap3A_317], %add3A_315 {strides = array<i32>} : memref<16x65536xf32, #tpu.memory_space<vmem>>, vector<16x65536xf32>,
    %get3A_319 = arith.constant 0 : index
    %get3A_320 = arith.constant 1 : index
    %get3A_321 = arith.constant 1 : index
    %get3A_322 = vector.load %arg10[%get3A_319, %get3A_320, %get3A_321] : memref<16x258x258xf32, #tpu.memory_space<vmem>>, vector<16x256x256xf32>
    %reshape3A_323 = vector.shape_cast %get3A_322 : vector<16x256x256xf32> to vector<16x65536xf32>
    %get3A_324 = arith.constant 1 : index
    %get3A_325 = arith.constant 1 : index
    %get3A_326 = arith.constant 0 : index
    %get3A_327 = arith.constant 0 : index
    %get3A_328 = vector.load %arg5[%get3A_324, %get3A_325, %get3A_326, %get3A_327] : memref<3x3x16x16xf32, #tpu.memory_space<vmem>>, vector<1x1x16x16xf32>
    %get3A_329 = vector.shape_cast %get3A_328 : vector<1x1x16x16xf32> to vector<16x16xf32>
    %dot_general3A_330 = arith.constant dense<0.000000e+00> : vector<16x65536xf32>
    %dot_general3A_331 = tpu.matmul %get3A_329, %reshape3A_323, %dot_general3A_330 {dimension_numbers = #tpu.dot_dimension_numbers<[1], [0], [0], [1], [0, 0, 1, 1], [], []>, transpose_lhs_hint = false} : vector<16x16xf32>, vector<16x65536xf32>, vector<16x65536xf32> -> vector<16x65536xf32>
    %get3A_332 = arith.constant 0 : index
    %get3A_333 = arith.constant 0 : index
    %get3A_334 = vector.load %arg11[%get3A_332, %get3A_333] : memref<16x65536xf32, #tpu.memory_space<vmem>>, vector<16x65536xf32>
    %add3A_335 = arith.addf %get3A_334, %dot_general3A_331 : vector<16x65536xf32>
    %swap3A_336 = arith.constant 0 : index
    %swap3A_337 = arith.constant 0 : index
    %swap3A_338 = vector.load %arg11[%swap3A_336, %swap3A_337] : memref<16x65536xf32, #tpu.memory_space<vmem>>, vector<16x65536xf32>
    tpu.vector_store %arg11[%swap3A_336, %swap3A_337], %add3A_335 {strides = array<i32>} : memref<16x65536xf32, #tpu.memory_space<vmem>>, vector<16x65536xf32>,
    %get3A_339 = arith.constant 0 : index
    %get3A_340 = arith.constant 1 : index
    %get3A_341 = arith.constant 2 : index
    %get3A_342 = vector.load %arg10[%get3A_339, %get3A_340, %get3A_341] : memref<16x258x258xf32, #tpu.memory_space<vmem>>, vector<16x256x256xf32>
    %reshape3A_343 = vector.shape_cast %get3A_342 : vector<16x256x256xf32> to vector<16x65536xf32>
    %get3A_344 = arith.constant 1 : index
    %get3A_345 = arith.constant 2 : index
    %get3A_346 = arith.constant 0 : index
    %get3A_347 = arith.constant 0 : index
    %get3A_348 = vector.load %arg5[%get3A_344, %get3A_345, %get3A_346, %get3A_347] : memref<3x3x16x16xf32, #tpu.memory_space<vmem>>, vector<1x1x16x16xf32>
    %get3A_349 = vector.shape_cast %get3A_348 : vector<1x1x16x16xf32> to vector<16x16xf32>
    %dot_general3A_350 = arith.constant dense<0.000000e+00> : vector<16x65536xf32>
    %dot_general3A_351 = tpu.matmul %get3A_349, %reshape3A_343, %dot_general3A_350 {dimension_numbers = #tpu.dot_dimension_numbers<[1], [0], [0], [1], [0, 0, 1, 1], [], []>, transpose_lhs_hint = false} : vector<16x16xf32>, vector<16x65536xf32>, vector<16x65536xf32> -> vector<16x65536xf32>
    %get3A_352 = arith.constant 0 : index
    %get3A_353 = arith.constant 0 : index
    %get3A_354 = vector.load %arg11[%get3A_352, %get3A_353] : memref<16x65536xf32, #tpu.memory_space<vmem>>, vector<16x65536xf32>
    %add3A_355 = arith.addf %get3A_354, %dot_general3A_351 : vector<16x65536xf32>
    %swap3A_356 = arith.constant 0 : index
    %swap3A_357 = arith.constant 0 : index
    %swap3A_358 = vector.load %arg11[%swap3A_356, %swap3A_357] : memref<16x65536xf32, #tpu.memory_space<vmem>>, vector<16x65536xf32>
    tpu.vector_store %arg11[%swap3A_356, %swap3A_357], %add3A_355 {strides = array<i32>} : memref<16x65536xf32, #tpu.memory_space<vmem>>, vector<16x65536xf32>,
    %get3A_359 = arith.constant 0 : index
    %get3A_360 = arith.constant 2 : index
    %get3A_361 = arith.constant 0 : index
    %get3A_362 = vector.load %arg10[%get3A_359, %get3A_360, %get3A_361] : memref<16x258x258xf32, #tpu.memory_space<vmem>>, vector<16x256x256xf32>
    %reshape3A_363 = vector.shape_cast %get3A_362 : vector<16x256x256xf32> to vector<16x65536xf32>
    %get3A_364 = arith.constant 2 : index
    %get3A_365 = arith.constant 0 : index
    %get3A_366 = arith.constant 0 : index
    %get3A_367 = arith.constant 0 : index
    %get3A_368 = vector.load %arg5[%get3A_364, %get3A_365, %get3A_366, %get3A_367] : memref<3x3x16x16xf32, #tpu.memory_space<vmem>>, vector<1x1x16x16xf32>
    %get3A_369 = vector.shape_cast %get3A_368 : vector<1x1x16x16xf32> to vector<16x16xf32>
    %dot_general3A_370 = arith.constant dense<0.000000e+00> : vector<16x65536xf32>
    %dot_general3A_371 = tpu.matmul %get3A_369, %reshape3A_363, %dot_general3A_370 {dimension_numbers = #tpu.dot_dimension_numbers<[1], [0], [0], [1], [0, 0, 1, 1], [], []>, transpose_lhs_hint = false} : vector<16x16xf32>, vector<16x65536xf32>, vector<16x65536xf32> -> vector<16x65536xf32>
    %get3A_372 = arith.constant 0 : index
    %get3A_373 = arith.constant 0 : index
    %get3A_374 = vector.load %arg11[%get3A_372, %get3A_373] : memref<16x65536xf32, #tpu.memory_space<vmem>>, vector<16x65536xf32>
    %add3A_375 = arith.addf %get3A_374, %dot_general3A_371 : vector<16x65536xf32>
    %swap3A_376 = arith.constant 0 : index
    %swap3A_377 = arith.constant 0 : index
    %swap3A_378 = vector.load %arg11[%swap3A_376, %swap3A_377] : memref<16x65536xf32, #tpu.memory_space<vmem>>, vector<16x65536xf32>
    tpu.vector_store %arg11[%swap3A_376, %swap3A_377], %add3A_375 {strides = array<i32>} : memref<16x65536xf32, #tpu.memory_space<vmem>>, vector<16x65536xf32>,
    %get3A_379 = arith.constant 0 : index
    %get3A_380 = arith.constant 2 : index
    %get3A_381 = arith.constant 1 : index
    %get3A_382 = vector.load %arg10[%get3A_379, %get3A_380, %get3A_381] : memref<16x258x258xf32, #tpu.memory_space<vmem>>, vector<16x256x256xf32>
    %reshape3A_383 = vector.shape_cast %get3A_382 : vector<16x256x256xf32> to vector<16x65536xf32>
    %get3A_384 = arith.constant 2 : index
    %get3A_385 = arith.constant 1 : index
    %get3A_386 = arith.constant 0 : index
    %get3A_387 = arith.constant 0 : index
    %get3A_388 = vector.load %arg5[%get3A_384, %get3A_385, %get3A_386, %get3A_387] : memref<3x3x16x16xf32, #tpu.memory_space<vmem>>, vector<1x1x16x16xf32>
    %get3A_389 = vector.shape_cast %get3A_388 : vector<1x1x16x16xf32> to vector<16x16xf32>
    %dot_general3A_390 = arith.constant dense<0.000000e+00> : vector<16x65536xf32>
    %dot_general3A_391 = tpu.matmul %get3A_389, %reshape3A_383, %dot_general3A_390 {dimension_numbers = #tpu.dot_dimension_numbers<[1], [0], [0], [1], [0, 0, 1, 1], [], []>, transpose_lhs_hint = false} : vector<16x16xf32>, vector<16x65536xf32>, vector<16x65536xf32> -> vector<16x65536xf32>
    %get3A_392 = arith.constant 0 : index
    %get3A_393 = arith.constant 0 : index
    %get3A_394 = vector.load %arg11[%get3A_392, %get3A_393] : memref<16x65536xf32, #tpu.memory_space<vmem>>, vector<16x65536xf32>
    %add3A_395 = arith.addf %get3A_394, %dot_general3A_391 : vector<16x65536xf32>
    %swap3A_396 = arith.constant 0 : index
    %swap3A_397 = arith.constant 0 : index
    %swap3A_398 = vector.load %arg11[%swap3A_396, %swap3A_397] : memref<16x65536xf32, #tpu.memory_space<vmem>>, vector<16x65536xf32>
    tpu.vector_store %arg11[%swap3A_396, %swap3A_397], %add3A_395 {strides = array<i32>} : memref<16x65536xf32, #tpu.memory_space<vmem>>, vector<16x65536xf32>,
    %get3A_399 = arith.constant 0 : index
    %get3A_400 = arith.constant 2 : index
    %get3A_401 = arith.constant 2 : index
    %get3A_402 = vector.load %arg10[%get3A_399, %get3A_400, %get3A_401] : memref<16x258x258xf32, #tpu.memory_space<vmem>>, vector<16x256x256xf32>
    %reshape3A_403 = vector.shape_cast %get3A_402 : vector<16x256x256xf32> to vector<16x65536xf32>
    %get3A_404 = arith.constant 2 : index
    %get3A_405 = arith.constant 2 : index
    %get3A_406 = arith.constant 0 : index
    %get3A_407 = arith.constant 0 : index
    %get3A_408 = vector.load %arg5[%get3A_404, %get3A_405, %get3A_406, %get3A_407] : memref<3x3x16x16xf32, #tpu.memory_space<vmem>>, vector<1x1x16x16xf32>
    %get3A_409 = vector.shape_cast %get3A_408 : vector<1x1x16x16xf32> to vector<16x16xf32>
    %dot_general3A_410 = arith.constant dense<0.000000e+00> : vector<16x65536xf32>
    %dot_general3A_411 = tpu.matmul %get3A_409, %reshape3A_403, %dot_general3A_410 {dimension_numbers = #tpu.dot_dimension_numbers<[1], [0], [0], [1], [0, 0, 1, 1], [], []>, transpose_lhs_hint = false} : vector<16x16xf32>, vector<16x65536xf32>, vector<16x65536xf32> -> vector<16x65536xf32>
    %get3A_412 = arith.constant 0 : index
    %get3A_413 = arith.constant 0 : index
    %get3A_414 = vector.load %arg11[%get3A_412, %get3A_413] : memref<16x65536xf32, #tpu.memory_space<vmem>>, vector<16x65536xf32>
    %add3A_415 = arith.addf %get3A_414, %dot_general3A_411 : vector<16x65536xf32>
    %swap3A_416 = arith.constant 0 : index
    %swap3A_417 = arith.constant 0 : index
    %swap3A_418 = vector.load %arg11[%swap3A_416, %swap3A_417] : memref<16x65536xf32, #tpu.memory_space<vmem>>, vector<16x65536xf32>
    tpu.vector_store %arg11[%swap3A_416, %swap3A_417], %add3A_415 {strides = array<i32>} : memref<16x65536xf32, #tpu.memory_space<vmem>>, vector<16x65536xf32>,
    %get3A_419 = arith.constant 0 : index
    %get3A_420 = arith.constant 0 : index
    %get3A_421 = vector.load %arg6[%get3A_419, %get3A_420] : memref<16x1xf32, #tpu.memory_space<vmem>>, vector<16x1xf32>
    %get3A_422 = arith.constant 0 : index
    %get3A_423 = arith.constant 0 : index
    %get3A_424 = vector.load %arg7[%get3A_422, %get3A_423] : memref<1x16xf32, #tpu.memory_space<vmem>>, vector<1x16xf32>
    %get3A_425 = arith.constant 0 : index
    %get3A_426 = arith.constant 1 : index
    %get3A_427 = arith.constant 1 : index
    %get3A_428 = vector.load %arg10[%get3A_425, %get3A_426, %get3A_427] : memref<16x258x258xf32, #tpu.memory_space<vmem>>, vector<16x32x256xf32>
    %reshape3A_429 = vector.shape_cast %get3A_428 : vector<16x32x256xf32> to vector<16x8192xf32>
    %get3A_430 = arith.constant 0 : index
    %get3A_431 = arith.constant 0 : index
    %get3A_432 = vector.load %arg11[%get3A_430, %get3A_431] : memref<16x65536xf32, #tpu.memory_space<vmem>>, vector<16x8192xf32>
    %add3A_433 = vector.broadcast %get3A_421 : vector<16x1xf32> to vector<16x8192xf32>
    %add3A_434 = arith.addf %get3A_432, %add3A_433 : vector<16x8192xf32>
    %max3A_435 = arith.constant 0.000000e+00 : f32
    %max3A_436 = vector.broadcast %max3A_435 : f32 to vector<16x8192xf32>
    %max3A_437 = arith.maximumf %add3A_434, %max3A_436 : vector<16x8192xf32>
    %add3A_438 = arith.addf %reshape3A_429, %max3A_437 : vector<16x8192xf32>
    %max3A_439 = arith.constant 0.000000e+00 : f32
    %max3A_440 = vector.broadcast %max3A_439 : f32 to vector<16x8192xf32>
    %max3A_441 = arith.maximumf %add3A_438, %max3A_440 : vector<16x8192xf32>
    %dot_general3A_442 = arith.constant dense<0.000000e+00> : vector<1x8192xf32>
    %dot_general3A_443 = tpu.matmul %get3A_424, %max3A_441, %dot_general3A_442 {dimension_numbers = #tpu.dot_dimension_numbers<[1], [0], [0], [1], [0, 0, 1, 1], [], []>, transpose_lhs_hint = false} : vector<1x16xf32>, vector<16x8192xf32>, vector<1x8192xf32> -> vector<1x8192xf32>
    %get3A_444 = arith.constant 0 : index
    %get3A_445 = arith.constant 0 : index
    %get3A_446 = vector.load %arg8[%get3A_444, %get3A_445] : memref<1x1xf32, #tpu.memory_space<vmem>>, vector<1x1xf32>
    %get3A_447 = vector.extract %get3A_446[0, 0] : f32 from vector<1x1xf32>
    %add3A_448 = vector.broadcast %get3A_447 : f32 to vector<1x8192xf32>
    %add3A_449 = arith.addf %dot_general3A_443, %add3A_448 : vector<1x8192xf32>
    %logistic3A = arith.negf %add3A_449 : vector<1x8192xf32>
    %logistic3A_450 = math.exp %logistic3A : vector<1x8192xf32>
    %logistic3A_451 = arith.constant 1.000000e+00 : f32
    %logistic3A_452 = vector.broadcast %logistic3A_451 : f32 to vector<1x8192xf32>
    %logistic3A_453 = arith.addf %logistic3A_452, %logistic3A_450 : vector<1x8192xf32>
    %logistic3A_454 = arith.divf %logistic3A_452, %logistic3A_453 : vector<1x8192xf32>
    %reshape3A_455 = vector.shape_cast %logistic3A_454 : vector<1x8192xf32> to vector<32x256xf32>
    %swap3A_456 = arith.constant 0 : index
    %swap3A_457 = arith.constant 0 : index
    %swap3A_458 = vector.load %arg12[%swap3A_456, %swap3A_457] : memref<256x256xf32, #tpu.memory_space<vmem>>, vector<32x256xf32>
    tpu.vector_store %arg12[%swap3A_456, %swap3A_457], %reshape3A_455 {strides = array<i32>} : memref<256x256xf32, #tpu.memory_space<vmem>>, vector<32x256xf32>,
    %get3A_459 = arith.constant 0 : index
    %get3A_460 = arith.constant 33 : index
    %get3A_461 = arith.constant 1 : index
    %get3A_462 = vector.load %arg10[%get3A_459, %get3A_460, %get3A_461] : memref<16x258x258xf32, #tpu.memory_space<vmem>>, vector<16x32x256xf32>
    %reshape3A_463 = vector.shape_cast %get3A_462 : vector<16x32x256xf32> to vector<16x8192xf32>
    %get3A_464 = arith.constant 0 : index
    %get3A_465 = arith.constant 8192 : index
    %get3A_466 = vector.load %arg11[%get3A_464, %get3A_465] : memref<16x65536xf32, #tpu.memory_space<vmem>>, vector<16x8192xf32>
    %add3A_467 = vector.broadcast %get3A_421 : vector<16x1xf32> to vector<16x8192xf32>
    %add3A_468 = arith.addf %get3A_466, %add3A_467 : vector<16x8192xf32>
    %max3A_469 = arith.constant 0.000000e+00 : f32
    %max3A_470 = vector.broadcast %max3A_469 : f32 to vector<16x8192xf32>
    %max3A_471 = arith.maximumf %add3A_468, %max3A_470 : vector<16x8192xf32>
    %add3A_472 = arith.addf %reshape3A_463, %max3A_471 : vector<16x8192xf32>
    %max3A_473 = arith.constant 0.000000e+00 : f32
    %max3A_474 = vector.broadcast %max3A_473 : f32 to vector<16x8192xf32>
    %max3A_475 = arith.maximumf %add3A_472, %max3A_474 : vector<16x8192xf32>
    %dot_general3A_476 = arith.constant dense<0.000000e+00> : vector<1x8192xf32>
    %dot_general3A_477 = tpu.matmul %get3A_424, %max3A_475, %dot_general3A_476 {dimension_numbers = #tpu.dot_dimension_numbers<[1], [0], [0], [1], [0, 0, 1, 1], [], []>, transpose_lhs_hint = false} : vector<1x16xf32>, vector<16x8192xf32>, vector<1x8192xf32> -> vector<1x8192xf32>
    %get3A_478 = arith.constant 0 : index
    %get3A_479 = arith.constant 0 : index
    %get3A_480 = vector.load %arg8[%get3A_478, %get3A_479] : memref<1x1xf32, #tpu.memory_space<vmem>>, vector<1x1xf32>
    %get3A_481 = vector.extract %get3A_480[0, 0] : f32 from vector<1x1xf32>
    %add3A_482 = vector.broadcast %get3A_481 : f32 to vector<1x8192xf32>
    %add3A_483 = arith.addf %dot_general3A_477, %add3A_482 : vector<1x8192xf32>
    %logistic3A_484 = arith.negf %add3A_483 : vector<1x8192xf32>
    %logistic3A_485 = math.exp %logistic3A_484 : vector<1x8192xf32>
    %logistic3A_486 = arith.constant 1.000000e+00 : f32
    %logistic3A_487 = vector.broadcast %logistic3A_486 : f32 to vector<1x8192xf32>
    %logistic3A_488 = arith.addf %logistic3A_487, %logistic3A_485 : vector<1x8192xf32>
    %logistic3A_489 = arith.divf %logistic3A_487, %logistic3A_488 : vector<1x8192xf32>
    %reshape3A_490 = vector.shape_cast %logistic3A_489 : vector<1x8192xf32> to vector<32x256xf32>
    %swap3A_491 = arith.constant 32 : index
    %swap3A_492 = arith.constant 0 : index
    %swap3A_493 = vector.load %arg12[%swap3A_491, %swap3A_492] : memref<256x256xf32, #tpu.memory_space<vmem>>, vector<32x256xf32>
    tpu.vector_store %arg12[%swap3A_491, %swap3A_492], %reshape3A_490 {strides = array<i32>} : memref<256x256xf32, #tpu.memory_space<vmem>>, vector<32x256xf32>,
    %get3A_494 = arith.constant 0 : index
    %get3A_495 = arith.constant 65 : index
    %get3A_496 = arith.constant 1 : index
    %get3A_497 = vector.load %arg10[%get3A_494, %get3A_495, %get3A_496] : memref<16x258x258xf32, #tpu.memory_space<vmem>>, vector<16x32x256xf32>
    %reshape3A_498 = vector.shape_cast %get3A_497 : vector<16x32x256xf32> to vector<16x8192xf32>
    %get3A_499 = arith.constant 0 : index
    %get3A_500 = arith.constant 16384 : index
    %get3A_501 = vector.load %arg11[%get3A_499, %get3A_500] : memref<16x65536xf32, #tpu.memory_space<vmem>>, vector<16x8192xf32>
    %add3A_502 = vector.broadcast %get3A_421 : vector<16x1xf32> to vector<16x8192xf32>
    %add3A_503 = arith.addf %get3A_501, %add3A_502 : vector<16x8192xf32>
    %max3A_504 = arith.constant 0.000000e+00 : f32
    %max3A_505 = vector.broadcast %max3A_504 : f32 to vector<16x8192xf32>
    %max3A_506 = arith.maximumf %add3A_503, %max3A_505 : vector<16x8192xf32>
    %add3A_507 = arith.addf %reshape3A_498, %max3A_506 : vector<16x8192xf32>
    %max3A_508 = arith.constant 0.000000e+00 : f32
    %max3A_509 = vector.broadcast %max3A_508 : f32 to vector<16x8192xf32>
    %max3A_510 = arith.maximumf %add3A_507, %max3A_509 : vector<16x8192xf32>
    %dot_general3A_511 = arith.constant dense<0.000000e+00> : vector<1x8192xf32>
    %dot_general3A_512 = tpu.matmul %get3A_424, %max3A_510, %dot_general3A_511 {dimension_numbers = #tpu.dot_dimension_numbers<[1], [0], [0], [1], [0, 0, 1, 1], [], []>, transpose_lhs_hint = false} : vector<1x16xf32>, vector<16x8192xf32>, vector<1x8192xf32> -> vector<1x8192xf32>
    %get3A_513 = arith.constant 0 : index
    %get3A_514 = arith.constant 0 : index
    %get3A_515 = vector.load %arg8[%get3A_513, %get3A_514] : memref<1x1xf32, #tpu.memory_space<vmem>>, vector<1x1xf32>
    %get3A_516 = vector.extract %get3A_515[0, 0] : f32 from vector<1x1xf32>
    %add3A_517 = vector.broadcast %get3A_516 : f32 to vector<1x8192xf32>
    %add3A_518 = arith.addf %dot_general3A_512, %add3A_517 : vector<1x8192xf32>
    %logistic3A_519 = arith.negf %add3A_518 : vector<1x8192xf32>
    %logistic3A_520 = math.exp %logistic3A_519 : vector<1x8192xf32>
    %logistic3A_521 = arith.constant 1.000000e+00 : f32
    %logistic3A_522 = vector.broadcast %logistic3A_521 : f32 to vector<1x8192xf32>
    %logistic3A_523 = arith.addf %logistic3A_522, %logistic3A_520 : vector<1x8192xf32>
    %logistic3A_524 = arith.divf %logistic3A_522, %logistic3A_523 : vector<1x8192xf32>
    %reshape3A_525 = vector.shape_cast %logistic3A_524 : vector<1x8192xf32> to vector<32x256xf32>
    %swap3A_526 = arith.constant 64 : index
    %swap3A_527 = arith.constant 0 : index
    %swap3A_528 = vector.load %arg12[%swap3A_526, %swap3A_527] : memref<256x256xf32, #tpu.memory_space<vmem>>, vector<32x256xf32>
    tpu.vector_store %arg12[%swap3A_526, %swap3A_527], %reshape3A_525 {strides = array<i32>} : memref<256x256xf32, #tpu.memory_space<vmem>>, vector<32x256xf32>,
    %get3A_529 = arith.constant 0 : index
    %get3A_530 = arith.constant 97 : index
    %get3A_531 = arith.constant 1 : index
    %get3A_532 = vector.load %arg10[%get3A_529, %get3A_530, %get3A_531] : memref<16x258x258xf32, #tpu.memory_space<vmem>>, vector<16x32x256xf32>
    %reshape3A_533 = vector.shape_cast %get3A_532 : vector<16x32x256xf32> to vector<16x8192xf32>
    %get3A_534 = arith.constant 0 : index
    %get3A_535 = arith.constant 24576 : index
    %get3A_536 = vector.load %arg11[%get3A_534, %get3A_535] : memref<16x65536xf32, #tpu.memory_space<vmem>>, vector<16x8192xf32>
    %add3A_537 = vector.broadcast %get3A_421 : vector<16x1xf32> to vector<16x8192xf32>
    %add3A_538 = arith.addf %get3A_536, %add3A_537 : vector<16x8192xf32>
    %max3A_539 = arith.constant 0.000000e+00 : f32
    %max3A_540 = vector.broadcast %max3A_539 : f32 to vector<16x8192xf32>
    %max3A_541 = arith.maximumf %add3A_538, %max3A_540 : vector<16x8192xf32>
    %add3A_542 = arith.addf %reshape3A_533, %max3A_541 : vector<16x8192xf32>
    %max3A_543 = arith.constant 0.000000e+00 : f32
    %max3A_544 = vector.broadcast %max3A_543 : f32 to vector<16x8192xf32>
    %max3A_545 = arith.maximumf %add3A_542, %max3A_544 : vector<16x8192xf32>
    %dot_general3A_546 = arith.constant dense<0.000000e+00> : vector<1x8192xf32>
    %dot_general3A_547 = tpu.matmul %get3A_424, %max3A_545, %dot_general3A_546 {dimension_numbers = #tpu.dot_dimension_numbers<[1], [0], [0], [1], [0, 0, 1, 1], [], []>, transpose_lhs_hint = false} : vector<1x16xf32>, vector<16x8192xf32>, vector<1x8192xf32> -> vector<1x8192xf32>
    %get3A_548 = arith.constant 0 : index
    %get3A_549 = arith.constant 0 : index
    %get3A_550 = vector.load %arg8[%get3A_548, %get3A_549] : memref<1x1xf32, #tpu.memory_space<vmem>>, vector<1x1xf32>
    %get3A_551 = vector.extract %get3A_550[0, 0] : f32 from vector<1x1xf32>
    %add3A_552 = vector.broadcast %get3A_551 : f32 to vector<1x8192xf32>
    %add3A_553 = arith.addf %dot_general3A_547, %add3A_552 : vector<1x8192xf32>
    %logistic3A_554 = arith.negf %add3A_553 : vector<1x8192xf32>
    %logistic3A_555 = math.exp %logistic3A_554 : vector<1x8192xf32>
    %logistic3A_556 = arith.constant 1.000000e+00 : f32
    %logistic3A_557 = vector.broadcast %logistic3A_556 : f32 to vector<1x8192xf32>
    %logistic3A_558 = arith.addf %logistic3A_557, %logistic3A_555 : vector<1x8192xf32>
    %logistic3A_559 = arith.divf %logistic3A_557, %logistic3A_558 : vector<1x8192xf32>
    %reshape3A_560 = vector.shape_cast %logistic3A_559 : vector<1x8192xf32> to vector<32x256xf32>
    %swap3A_561 = arith.constant 96 : index
    %swap3A_562 = arith.constant 0 : index
    %swap3A_563 = vector.load %arg12[%swap3A_561, %swap3A_562] : memref<256x256xf32, #tpu.memory_space<vmem>>, vector<32x256xf32>
    tpu.vector_store %arg12[%swap3A_561, %swap3A_562], %reshape3A_560 {strides = array<i32>} : memref<256x256xf32, #tpu.memory_space<vmem>>, vector<32x256xf32>,
    %get3A_564 = arith.constant 0 : index
    %get3A_565 = arith.constant 129 : index
    %get3A_566 = arith.constant 1 : index
    %get3A_567 = vector.load %arg10[%get3A_564, %get3A_565, %get3A_566] : memref<16x258x258xf32, #tpu.memory_space<vmem>>, vector<16x32x256xf32>
    %reshape3A_568 = vector.shape_cast %get3A_567 : vector<16x32x256xf32> to vector<16x8192xf32>
    %get3A_569 = arith.constant 0 : index
    %get3A_570 = arith.constant 32768 : index
    %get3A_571 = vector.load %arg11[%get3A_569, %get3A_570] : memref<16x65536xf32, #tpu.memory_space<vmem>>, vector<16x8192xf32>
    %add3A_572 = vector.broadcast %get3A_421 : vector<16x1xf32> to vector<16x8192xf32>
    %add3A_573 = arith.addf %get3A_571, %add3A_572 : vector<16x8192xf32>
    %max3A_574 = arith.constant 0.000000e+00 : f32
    %max3A_575 = vector.broadcast %max3A_574 : f32 to vector<16x8192xf32>
    %max3A_576 = arith.maximumf %add3A_573, %max3A_575 : vector<16x8192xf32>
    %add3A_577 = arith.addf %reshape3A_568, %max3A_576 : vector<16x8192xf32>
    %max3A_578 = arith.constant 0.000000e+00 : f32
    %max3A_579 = vector.broadcast %max3A_578 : f32 to vector<16x8192xf32>
    %max3A_580 = arith.maximumf %add3A_577, %max3A_579 : vector<16x8192xf32>
    %dot_general3A_581 = arith.constant dense<0.000000e+00> : vector<1x8192xf32>
    %dot_general3A_582 = tpu.matmul %get3A_424, %max3A_580, %dot_general3A_581 {dimension_numbers = #tpu.dot_dimension_numbers<[1], [0], [0], [1], [0, 0, 1, 1], [], []>, transpose_lhs_hint = false} : vector<1x16xf32>, vector<16x8192xf32>, vector<1x8192xf32> -> vector<1x8192xf32>
    %get3A_583 = arith.constant 0 : index
    %get3A_584 = arith.constant 0 : index
    %get3A_585 = vector.load %arg8[%get3A_583, %get3A_584] : memref<1x1xf32, #tpu.memory_space<vmem>>, vector<1x1xf32>
    %get3A_586 = vector.extract %get3A_585[0, 0] : f32 from vector<1x1xf32>
    %add3A_587 = vector.broadcast %get3A_586 : f32 to vector<1x8192xf32>
    %add3A_588 = arith.addf %dot_general3A_582, %add3A_587 : vector<1x8192xf32>
    %logistic3A_589 = arith.negf %add3A_588 : vector<1x8192xf32>
    %logistic3A_590 = math.exp %logistic3A_589 : vector<1x8192xf32>
    %logistic3A_591 = arith.constant 1.000000e+00 : f32
    %logistic3A_592 = vector.broadcast %logistic3A_591 : f32 to vector<1x8192xf32>
    %logistic3A_593 = arith.addf %logistic3A_592, %logistic3A_590 : vector<1x8192xf32>
    %logistic3A_594 = arith.divf %logistic3A_592, %logistic3A_593 : vector<1x8192xf32>
    %reshape3A_595 = vector.shape_cast %logistic3A_594 : vector<1x8192xf32> to vector<32x256xf32>
    %swap3A_596 = arith.constant 128 : index
    %swap3A_597 = arith.constant 0 : index
    %swap3A_598 = vector.load %arg12[%swap3A_596, %swap3A_597] : memref<256x256xf32, #tpu.memory_space<vmem>>, vector<32x256xf32>
    tpu.vector_store %arg12[%swap3A_596, %swap3A_597], %reshape3A_595 {strides = array<i32>} : memref<256x256xf32, #tpu.memory_space<vmem>>, vector<32x256xf32>,
    %get3A_599 = arith.constant 0 : index
    %get3A_600 = arith.constant 161 : index
    %get3A_601 = arith.constant 1 : index
    %get3A_602 = vector.load %arg10[%get3A_599, %get3A_600, %get3A_601] : memref<16x258x258xf32, #tpu.memory_space<vmem>>, vector<16x32x256xf32>
    %reshape3A_603 = vector.shape_cast %get3A_602 : vector<16x32x256xf32> to vector<16x8192xf32>
    %get3A_604 = arith.constant 0 : index
    %get3A_605 = arith.constant 40960 : index
    %get3A_606 = vector.load %arg11[%get3A_604, %get3A_605] : memref<16x65536xf32, #tpu.memory_space<vmem>>, vector<16x8192xf32>
    %add3A_607 = vector.broadcast %get3A_421 : vector<16x1xf32> to vector<16x8192xf32>
    %add3A_608 = arith.addf %get3A_606, %add3A_607 : vector<16x8192xf32>
    %max3A_609 = arith.constant 0.000000e+00 : f32
    %max3A_610 = vector.broadcast %max3A_609 : f32 to vector<16x8192xf32>
    %max3A_611 = arith.maximumf %add3A_608, %max3A_610 : vector<16x8192xf32>
    %add3A_612 = arith.addf %reshape3A_603, %max3A_611 : vector<16x8192xf32>
    %max3A_613 = arith.constant 0.000000e+00 : f32
    %max3A_614 = vector.broadcast %max3A_613 : f32 to vector<16x8192xf32>
    %max3A_615 = arith.maximumf %add3A_612, %max3A_614 : vector<16x8192xf32>
    %dot_general3A_616 = arith.constant dense<0.000000e+00> : vector<1x8192xf32>
    %dot_general3A_617 = tpu.matmul %get3A_424, %max3A_615, %dot_general3A_616 {dimension_numbers = #tpu.dot_dimension_numbers<[1], [0], [0], [1], [0, 0, 1, 1], [], []>, transpose_lhs_hint = false} : vector<1x16xf32>, vector<16x8192xf32>, vector<1x8192xf32> -> vector<1x8192xf32>
    %get3A_618 = arith.constant 0 : index
    %get3A_619 = arith.constant 0 : index
    %get3A_620 = vector.load %arg8[%get3A_618, %get3A_619] : memref<1x1xf32, #tpu.memory_space<vmem>>, vector<1x1xf32>
    %get3A_621 = vector.extract %get3A_620[0, 0] : f32 from vector<1x1xf32>
    %add3A_622 = vector.broadcast %get3A_621 : f32 to vector<1x8192xf32>
    %add3A_623 = arith.addf %dot_general3A_617, %add3A_622 : vector<1x8192xf32>
    %logistic3A_624 = arith.negf %add3A_623 : vector<1x8192xf32>
    %logistic3A_625 = math.exp %logistic3A_624 : vector<1x8192xf32>
    %logistic3A_626 = arith.constant 1.000000e+00 : f32
    %logistic3A_627 = vector.broadcast %logistic3A_626 : f32 to vector<1x8192xf32>
    %logistic3A_628 = arith.addf %logistic3A_627, %logistic3A_625 : vector<1x8192xf32>
    %logistic3A_629 = arith.divf %logistic3A_627, %logistic3A_628 : vector<1x8192xf32>
    %reshape3A_630 = vector.shape_cast %logistic3A_629 : vector<1x8192xf32> to vector<32x256xf32>
    %swap3A_631 = arith.constant 160 : index
    %swap3A_632 = arith.constant 0 : index
    %swap3A_633 = vector.load %arg12[%swap3A_631, %swap3A_632] : memref<256x256xf32, #tpu.memory_space<vmem>>, vector<32x256xf32>
    tpu.vector_store %arg12[%swap3A_631, %swap3A_632], %reshape3A_630 {strides = array<i32>} : memref<256x256xf32, #tpu.memory_space<vmem>>, vector<32x256xf32>,
    %get3A_634 = arith.constant 0 : index
    %get3A_635 = arith.constant 193 : index
    %get3A_636 = arith.constant 1 : index
    %get3A_637 = vector.load %arg10[%get3A_634, %get3A_635, %get3A_636] : memref<16x258x258xf32, #tpu.memory_space<vmem>>, vector<16x32x256xf32>
    %reshape3A_638 = vector.shape_cast %get3A_637 : vector<16x32x256xf32> to vector<16x8192xf32>
    %get3A_639 = arith.constant 0 : index
    %get3A_640 = arith.constant 49152 : index
    %get3A_641 = vector.load %arg11[%get3A_639, %get3A_640] : memref<16x65536xf32, #tpu.memory_space<vmem>>, vector<16x8192xf32>
    %add3A_642 = vector.broadcast %get3A_421 : vector<16x1xf32> to vector<16x8192xf32>
    %add3A_643 = arith.addf %get3A_641, %add3A_642 : vector<16x8192xf32>
    %max3A_644 = arith.constant 0.000000e+00 : f32
    %max3A_645 = vector.broadcast %max3A_644 : f32 to vector<16x8192xf32>
    %max3A_646 = arith.maximumf %add3A_643, %max3A_645 : vector<16x8192xf32>
    %add3A_647 = arith.addf %reshape3A_638, %max3A_646 : vector<16x8192xf32>
    %max3A_648 = arith.constant 0.000000e+00 : f32
    %max3A_649 = vector.broadcast %max3A_648 : f32 to vector<16x8192xf32>
    %max3A_650 = arith.maximumf %add3A_647, %max3A_649 : vector<16x8192xf32>
    %dot_general3A_651 = arith.constant dense<0.000000e+00> : vector<1x8192xf32>
    %dot_general3A_652 = tpu.matmul %get3A_424, %max3A_650, %dot_general3A_651 {dimension_numbers = #tpu.dot_dimension_numbers<[1], [0], [0], [1], [0, 0, 1, 1], [], []>, transpose_lhs_hint = false} : vector<1x16xf32>, vector<16x8192xf32>, vector<1x8192xf32> -> vector<1x8192xf32>
    %get3A_653 = arith.constant 0 : index
    %get3A_654 = arith.constant 0 : index
    %get3A_655 = vector.load %arg8[%get3A_653, %get3A_654] : memref<1x1xf32, #tpu.memory_space<vmem>>, vector<1x1xf32>
    %get3A_656 = vector.extract %get3A_655[0, 0] : f32 from vector<1x1xf32>
    %add3A_657 = vector.broadcast %get3A_656 : f32 to vector<1x8192xf32>
    %add3A_658 = arith.addf %dot_general3A_652, %add3A_657 : vector<1x8192xf32>
    %logistic3A_659 = arith.negf %add3A_658 : vector<1x8192xf32>
    %logistic3A_660 = math.exp %logistic3A_659 : vector<1x8192xf32>
    %logistic3A_661 = arith.constant 1.000000e+00 : f32
    %logistic3A_662 = vector.broadcast %logistic3A_661 : f32 to vector<1x8192xf32>
    %logistic3A_663 = arith.addf %logistic3A_662, %logistic3A_660 : vector<1x8192xf32>
    %logistic3A_664 = arith.divf %logistic3A_662, %logistic3A_663 : vector<1x8192xf32>
    %reshape3A_665 = vector.shape_cast %logistic3A_664 : vector<1x8192xf32> to vector<32x256xf32>
    %swap3A_666 = arith.constant 192 : index
    %swap3A_667 = arith.constant 0 : index
    %swap3A_668 = vector.load %arg12[%swap3A_666, %swap3A_667] : memref<256x256xf32, #tpu.memory_space<vmem>>, vector<32x256xf32>
    tpu.vector_store %arg12[%swap3A_666, %swap3A_667], %reshape3A_665 {strides = array<i32>} : memref<256x256xf32, #tpu.memory_space<vmem>>, vector<32x256xf32>,
    %get3A_669 = arith.constant 0 : index
    %get3A_670 = arith.constant 225 : index
    %get3A_671 = arith.constant 1 : index
    %get3A_672 = vector.load %arg10[%get3A_669, %get3A_670, %get3A_671] : memref<16x258x258xf32, #tpu.memory_space<vmem>>, vector<16x32x256xf32>
    %reshape3A_673 = vector.shape_cast %get3A_672 : vector<16x32x256xf32> to vector<16x8192xf32>
    %get3A_674 = arith.constant 0 : index
    %get3A_675 = arith.constant 57344 : index
    %get3A_676 = vector.load %arg11[%get3A_674, %get3A_675] : memref<16x65536xf32, #tpu.memory_space<vmem>>, vector<16x8192xf32>
    %add3A_677 = vector.broadcast %get3A_421 : vector<16x1xf32> to vector<16x8192xf32>
    %add3A_678 = arith.addf %get3A_676, %add3A_677 : vector<16x8192xf32>
    %max3A_679 = arith.constant 0.000000e+00 : f32
    %max3A_680 = vector.broadcast %max3A_679 : f32 to vector<16x8192xf32>
    %max3A_681 = arith.maximumf %add3A_678, %max3A_680 : vector<16x8192xf32>
    %add3A_682 = arith.addf %reshape3A_673, %max3A_681 : vector<16x8192xf32>
    %max3A_683 = arith.constant 0.000000e+00 : f32
    %max3A_684 = vector.broadcast %max3A_683 : f32 to vector<16x8192xf32>
    %max3A_685 = arith.maximumf %add3A_682, %max3A_684 : vector<16x8192xf32>
    %dot_general3A_686 = arith.constant dense<0.000000e+00> : vector<1x8192xf32>
    %dot_general3A_687 = tpu.matmul %get3A_424, %max3A_685, %dot_general3A_686 {dimension_numbers = #tpu.dot_dimension_numbers<[1], [0], [0], [1], [0, 0, 1, 1], [], []>, transpose_lhs_hint = false} : vector<1x16xf32>, vector<16x8192xf32>, vector<1x8192xf32> -> vector<1x8192xf32>
    %get3A_688 = arith.constant 0 : index
    %get3A_689 = arith.constant 0 : index
    %get3A_690 = vector.load %arg8[%get3A_688, %get3A_689] : memref<1x1xf32, #tpu.memory_space<vmem>>, vector<1x1xf32>
    %get3A_691 = vector.extract %get3A_690[0, 0] : f32 from vector<1x1xf32>
    %add3A_692 = vector.broadcast %get3A_691 : f32 to vector<1x8192xf32>
    %add3A_693 = arith.addf %dot_general3A_687, %add3A_692 : vector<1x8192xf32>
    %logistic3A_694 = arith.negf %add3A_693 : vector<1x8192xf32>
    %logistic3A_695 = math.exp %logistic3A_694 : vector<1x8192xf32>
    %logistic3A_696 = arith.constant 1.000000e+00 : f32
    %logistic3A_697 = vector.broadcast %logistic3A_696 : f32 to vector<1x8192xf32>
    %logistic3A_698 = arith.addf %logistic3A_697, %logistic3A_695 : vector<1x8192xf32>
    %logistic3A_699 = arith.divf %logistic3A_697, %logistic3A_698 : vector<1x8192xf32>
    %reshape3A_700 = vector.shape_cast %logistic3A_699 : vector<1x8192xf32> to vector<32x256xf32>
    %swap3A_701 = arith.constant 224 : index
    %swap3A_702 = arith.constant 0 : index
    %swap3A_703 = vector.load %arg12[%swap3A_701, %swap3A_702] : memref<256x256xf32, #tpu.memory_space<vmem>>, vector<32x256xf32>
    tpu.vector_store %arg12[%swap3A_701, %swap3A_702], %reshape3A_700 {strides = array<i32>} : memref<256x256xf32, #tpu.memory_space<vmem>>, vector<32x256xf32>,
    %get3A_704 = arith.constant 0 : index
    %get3A_705 = arith.constant 0 : index
    %get3A_706 = vector.load %arg12[%get3A_704, %get3A_705] : memref<256x256xf32, #tpu.memory_space<vmem>>, vector<256x256xf32>
    %transpose3A = tpu.transpose %get3A_706, [1, 0] : vector<256x256xf32> -> vector<256x256xf32>
    %add3A_707 = arith.addf %get3A_706, %transpose3A : vector<256x256xf32>
    %mul3A_708 = arith.constant 5.000000e-01 : f32
    %mul3A_709 = vector.broadcast %mul3A_708 : f32 to vector<256x256xf32>
    %mul3A_710 = arith.mulf %mul3A_709, %add3A_707 : vector<256x256xf32>
    %swap3A_711 = arith.constant 0 : index
    %swap3A_712 = arith.constant 0 : index
    %swap3A_713 = arith.constant 0 : index
    %swap3A_714 = vector.load %arg9[%swap3A_711, %swap3A_712, %swap3A_713] : memref<1x256x256xf32, #tpu.memory_space<vmem>>, vector<1x256x256xf32>
    %swap3A_715 = vector.shape_cast %swap3A_714 : vector<1x256x256xf32> to vector<256x256xf32>
    %swap3A_716 = vector.shape_cast %mul3A_710 : vector<256x256xf32> to vector<1x256x256xf32>
    tpu.vector_store %arg9[%swap3A_711, %swap3A_712, %swap3A_713], %swap3A_716 {strides = array<i32>} : memref<1x256x256xf32, #tpu.memory_space<vmem>>, vector<1x256x256xf32>,
    return
  }
  func.func @transform_0(%arg0: i32) -> (i32, i32, i32) {
    %c0_i32 = arith.constant 0 : i32
    %c0_i32_0 = arith.constant 0 : i32
    %c0_i32_1 = arith.constant 0 : i32
    return %arg0, %c0_i32, %c0_i32_0 : i32, i32, i32
  }
  func.func @transform_1(%arg0: i32) -> (i32, i32) {
    %c0_i32 = arith.constant 0 : i32
    %c0_i32_0 = arith.constant 0 : i32
    %c0_i32_1 = arith.constant 0 : i32
    return %c0_i32, %c0_i32_0 : i32, i32
  }
  func.func @transform_2(%arg0: i32) -> (i32, i32) {
    %c0_i32 = arith.constant 0 : i32
    %c0_i32_0 = arith.constant 0 : i32
    %c0_i32_1 = arith.constant 0 : i32
    return %c0_i32, %c0_i32_0 : i32, i32
  }
  func.func @transform_3(%arg0: i32) -> (i32, i32) {
    %c0_i32 = arith.constant 0 : i32
    %c0_i32_0 = arith.constant 0 : i32
    %c0_i32_1 = arith.constant 0 : i32
    return %c0_i32, %c0_i32_0 : i32, i32
  }
  func.func @transform_4(%arg0: i32) -> (i32, i32, i32, i32) {
    %c0_i32 = arith.constant 0 : i32
    %c0_i32_0 = arith.constant 0 : i32
    %c0_i32_1 = arith.constant 0 : i32
    %c0_i32_2 = arith.constant 0 : i32
    %c0_i32_3 = arith.constant 0 : i32
    return %c0_i32, %c0_i32_0, %c0_i32_1, %c0_i32_2 : i32, i32, i32, i32
  }
  func.func @transform_5(%arg0: i32) -> (i32, i32) {
    %c0_i32 = arith.constant 0 : i32
    %c0_i32_0 = arith.constant 0 : i32
    %c0_i32_1 = arith.constant 0 : i32
    return %c0_i32, %c0_i32_0 : i32, i32
  }
  func.func @transform_6(%arg0: i32) -> (i32, i32) {
    %c0_i32 = arith.constant 0 : i32
    %c0_i32_0 = arith.constant 0 : i32
    %c0_i32_1 = arith.constant 0 : i32
    return %c0_i32, %c0_i32_0 : i32, i32
  }
  func.func @transform_7(%arg0: i32) -> (i32, i32) {
    %c0_i32 = arith.constant 0 : i32
    %c0_i32_0 = arith.constant 0 : i32
    %c0_i32_1 = arith.constant 0 : i32
    return %c0_i32, %c0_i32_0 : i32, i32
  }
  func.func @transform_8(%arg0: i32) -> (i32, i32, i32) {
    %c0_i32 = arith.constant 0 : i32
    %c0_i32_0 = arith.constant 0 : i32
    %c0_i32_1 = arith.constant 0 : i32
    return %arg0, %c0_i32, %c0_i32_0 : i32, i32, i32
  }
}

</mosaic_0001>

<sc_bundles>
// kernel: kernel.18.cloned.1.call-start
scs
__scs_entry_jumppad:
0x0: {  	(pc) =	sbr.rel $0x88, $3  }
0x1: {  	(tag) =	ssettag $0x0;
	lr =	simm.s32 $0x1  }
0x2: {  	[smem:$0x3F68] =	sst lr;
	_ =	strace $0xD0000000  }
0x3: {  	_ = 	snop  }
0x4: {  	_ = 	snop  }
0x5: {  	_ = 	snop  }
0x6: {  	_ = 	snop  }
0x7: {  	_ = 	snop  }
__scs_overlays_trampoline_lowered:
0x8: {  	[smem:$0x3F77] =	sst s0  }
0x9: {  	[smem:$0x3F78] =	sst s1  }
0xa: {  	[smem:$0x3F79] =	sst s2  }
0xb: {  	[smem:$0x3F7A] =	sst s3  }
0xc: {  	[smem:$0x3F7B] =	sst s4  }
0xd: {  	[smem:$0x3F7C] =	sst s5  }
0xe: {  	[smem:$0x3F7D] =	sst s6  }
0xf: {  	[smem:$0x3F7E] =	sst s7  }
0x10: {  	[smem:$0x3F7F] =	sst s8  }
0x11: {  	[smem:$0x3F80] =	sst s9;
	s0 =	simm.s32 @!p0 $0x0  }
0x12: {  	s1 =	sld [smem:$0x3F66];
	s0 =	simm.s32 @p0 $0x1  }
0x13: {  	[smem:$0x3F81] =	sst s0;
	s0 =	simm.s32 @!p1 $0x0  }
0x14: {  	s2 =	sld [smem:$0x3F65];
	s0 =	simm.s32 @p1 $0x1  }
0x15: {  	[smem:$0x3F82] =	sst s0;
	s0 =	simm.s32 @!p2 $0x0  }
0x16: {  	s3 =	sld [smem:$0x3FDB];
	s0 =	simm.s32 @p2 $0x1  }
0x17: {  	s4 =	simm.s32 $0x1BF5;
	[smem:$0x3F84] =	sst s0  }
0x18: {  	s0 =	sld [smem:$0x3F67];
	_ =	swait.ge [sflag:s4], $0x0  }
0x19: {  	s7 =	sld [smem:$0x3F68]  }
0x1a: {  	s8 =	sadd.s32 $0xFFFFE003, lr  }
0x1b: {  	s9 =	sadd.s32 $0xFFFFFEF7, lr;
	s5 =	simm.s32 $0xFFFFFFFF;
	p2 =	slt.u32 s8, $0xFFFFF086  }
0x1c: {  	p1 =	slt.u32 s9, $0xF7A;
	s5 =	simm.s32 @!p2 $0x0  }
0x1d: {  	s5 =	simm.s32 @p1 $0x1;
	p0 =	seq.s32 s7, s2  }
0x1e: {  	s7 =	smul.u32 @!p0 $0xF7A, s2;
	p2 =	seq.s32 @!p0 s5, $0x0  }
0x1f: {  	s9 =	smul.u32 $0xF7A, s1;
	s8 =	simm.s32 @!p0 $0x1BF5;
	p2 =	por !p2, p0  }
0x20: {  	[sflag:s8] =	ssyncset.s32 @!p0 $0xFFFFF086;
	s6 =	sadd.s32 @!p0 s3, s7;
	s7 =	simm.s32 @!p0 $0x108  }
0x21: {  	s3 =	sadd.s32 s3, s9;
	s6 =	sadd.s32 @!p0 $0x88, s6;
	s7 =	simm.s32 @p2 $0x1082  }
0x22: {  	[simem:s7], [sflag:s8] =	dma.local @!p0 [hbm:s6], $0xF7A  }
0x23: {  	s9 =	sor.u32 $0xD0000000, s2;
	s6 =	simm.s32 $0x108;
	_ =	swait.ge @!p0 [sflag:s8], $0x0  }
0x24: {  	s3 =	sadd.s32 $0x88, s3;
	s6 =	simm.s32 @!p1 $0x1082;
	[sflag:s4] =	ssyncset.s32 $0xFFFFF086  }
0x25: {  	[simem:s6], [sflag:s4] =	dma.local [hbm:s3], $0xF7A  }
0x26: {  	[smem:$0x3F68] =	sst s1;
	(tag) =	ssettag s2;
	_ =	strace s9  }
0x27: {  	s1 =	sld [smem:$0x3F78]  }
0x28: {  	s2 =	sld [smem:$0x3F79]  }
0x29: {  	s4 =	sld [smem:$0x3F7B]  }
0x2a: {  	p0 =	seq.s32 s5, $0x0;
	s5 =	sld [smem:$0x3F7C]  }
0x2b: {  	s6 =	sld [smem:$0x3F7D]  }
0x2c: {  	s7 =	sld [smem:$0x3F7E]  }
0x2d: {  	s3 =	simm.s32 $0x108;
	s8 =	sld [smem:$0x3F7F]  }
0x2e: {  	s3 =	simm.s32 @!p0 $0x1082;
	s9 =	sld [smem:$0x3F80]  }
0x2f: {  	lr =	sadd.s32 s0, s3;
	s0 =	sld [smem:$0x3F77]  }
0x30: {  	s3 =	sld [smem:$0x3F7A]  }
0x31: {  	[smem:$0x3F83] =	sst s10  }
0x32: {  	s10 =	sld [smem:$0x3F81];
	_ =	sdelay $0x3  }
0x33: {  	p0 =	seq.s32 s10, $0x1;
	s10 =	sld [smem:$0x3F83];
	_ =	sdelay $0x3  }
0x34: {  	[smem:$0x3F83] =	sst s10  }
0x35: {  	s10 =	sld [smem:$0x3F82];
	_ =	sdelay $0x3  }
0x36: {  	p1 =	seq.s32 s10, $0x1;
	s10 =	sld [smem:$0x3F83];
	_ =	sdelay $0x3  }
0x37: {  	[smem:$0x3F83] =	sst s10  }
0x38: {  	s10 =	sld [smem:$0x3F84]  }
0x39: {  	_ = 	snop;
	(pc) =	sbr.ind lr, $3  }
0x3a: {  	_ = 	snop  }
0x3b: {  	_ = 	snop  }
0x3c: {  	p2 =	seq.s32 s10, $0x1;
	s10 =	sld [smem:$0x3F83]  }
0x3d: {  	_ =	shalt  }
0x3e: {  	_ =	shalt  }
0x3f: {  	_ =	shalt  }
0x40: {  	_ =	shalt  }
0x41: {  	_ =	shalt  }
0x42: {  	_ =	shalt  }
0x43: {  	_ =	shalt  }
0x44: {  	_ =	shalt  }
0x45: {  	_ =	shalt  }
0x46: {  	_ =	shalt  }
0x47: {  	_ =	shalt  }
0x48: {  	_ =	shalt  }
0x49: {  	_ =	shalt  }
0x4a: {  	_ =	shalt  }
0x4b: {  	_ =	shalt  }
0x4c: {  	_ =	shalt  }
0x4d: {  	_ =	shalt  }
0x4e: {  	_ =	shalt  }
0x4f: {  	_ =	shalt  }
0x50: {  	_ =	shalt  }
0x51: {  	_ =	shalt  }
0x52: {  	_ =	shalt  }
0x53: {  	_ =	shalt  }
0x54: {  	_ =	shalt  }
0x55: {  	_ =	shalt  }
0x56: {  	_ =	shalt  }
0x57: {  	_ =	shalt  }
0x58: {  	_ =	shalt  }
0x59: {  	_ =	shalt  }
0x5a: {  	_ =	shalt  }
0x5b: {  	_ =	shalt  }
0x5c: {  	_ =	shalt  }
0x5d: {  	_ =	shalt  }
0x5e: {  	_ =	shalt  }
0x5f: {  	_ =	shalt  }
0x60: {  	_ =	shalt  }
0x61: {  	_ =	shalt  }
0x62: {  	_ =	shalt  }
0x63: {  	_ =	shalt  }
0x64: {  	_ =	shalt  }
0x65: {  	_ =	shalt  }
0x66: {  	_ =	shalt  }
0x67: {  	_ =	shalt  }
0x68: {  	_ =	shalt  }
0x69: {  	_ =	shalt  }
0x6a: {  	_ =	shalt  }
0x6b: {  	_ =	shalt  }
0x6c: {  	_ =	shalt  }
0x6d: {  	_ =	shalt  }
0x6e: {  	_ =	shalt  }
0x6f: {  	_ =	shalt  }
0x70: {  	_ =	shalt  }
0x71: {  	_ =	shalt  }
0x72: {  	_ =	shalt  }
0x73: {  	_ =	shalt  }
0x74: {  	_ =	shalt  }
0x75: {  	_ =	shalt  }
0x76: {  	_ =	shalt  }
0x77: {  	_ =	shalt  }
0x78: {  	_ =	shalt  }
0x79: {  	_ =	shalt  }
0x7a: {  	_ =	shalt  }
0x7b: {  	_ =	shalt  }
0x7c: {  	_ =	shalt  }
0x7d: {  	_ =	shalt  }
0x7e: {  	_ =	shalt  }
0x7f: {  	_ =	shalt  }
0x80: {  	_ =	shalt  }
0x81: {  	_ =	shalt  }
0x82: {  	_ =	shalt  }
0x83: {  	_ =	shalt  }
0x84: {  	_ =	shalt  }
0x85: {  	_ =	shalt  }
0x86: {  	_ =	shalt  }
0x87: {  	_ =	shalt  }
.Lfunc_end0:
.L_simem_size_0:
called_computation_lowered:
.L_overlay_start_0:
0x88: {  	s2 =	sld [smem:$0x3FD9]  }
0x89: {  	s3 =	sld [smem:$0x3FFE];
	_ =	sdelay $0x1  }
0x8a: {  	s1 =	srdreg.scid  }
0x8b: {  	s0 =	sand.u32 $0x1, s1  }
0x8c: {  	s17 =	sshll.u32 s0, $0xA;
	s2 =	sadd.s32 s3, s2  }
0x8d: {  	s2 =	sadd.s32 s2, s17  }
0x8e: {  	[smem:$0x3F8F] =	sst s2  }
0x8f: {  	_ = 	snop  }
0x90: {  	s2 =	sld [smem:$0x3FD0];
	(tm) =	ssettm $0x1  }
0x91: {  	s18 =	sld [smem:$0x3FFB];
	_ =	sdelay $0x3  }
0x92: {  	_ =	strace s18  }
0x93: {  	s3 =	sld [smem:$0x3FFC];
	_ =	sdelay $0x3  }
0x94: {  	_ =	strace s3  }
0x95: {  	s3 =	sld [smem:$0x3FFD];
	_ =	sdelay $0x3  }
0x96: {  	_ =	strace s3  }
0x97: {  	_ =	strace $0x8FFFFFFF  }
0x98: {  	s19 =	sld [smem:$0x3FDB];
	_ =	sdelay $0x1  }
0x99: {  	s4 =	simm.s32 $_scs_section_size  }
0x9a: {  	s5 =	simm.s32 $_size__tile_overlayer_lowered;
	s6 =	simm.s32 $_tile_overlayer_lowered  }
0x9b: {  	s22 =	simm.s32 $0x1BFF;
	s21 =	sshll.u32 s6, $0x1;
	s3 =	sadd.s32 s4, s19  }
0x9c: {  	s7 =	simm.s32 $0x0;
	s20 =	sshll.u32 s5, $0x1;
	s5 =	sadd.s32 s21, s3  }
0x9d: {  	[timem:s7], [sflag:s22] =	dma.local [hbm:s5], s20  }
0x9e: {  	_ =	swait.ge [sflag:s22], s20  }
0x9f: {  	s4 =	ssub.s32 $0x0, s20;
	[sflag:s22] =	ssyncset.done $0x0  }
0xa0: {  	[sflag:s22] =	ssyncadd.s32 s4;
	_ =	sdelay $0x1  }
0xa1: {  	s23 =	simm.s32 $0x1B8B  }
0xa2: {  	_ =	swait.ge [sflag:s23], $0x1  }
0xa3: {  	[sflag:s23] =	ssyncset.done $0x0  }
0xa4: {  	s25 =	simm.s32 $0x1B8E;
	s24 =	sld [smem:$0x3FFE];
	[sflag:s23] =	ssyncadd.s32 $0xFFFFFFFF  }
0xa5: {  	s26 =	simm.s32 $execute0_lowered;
	[smem:$0x3FD2] =	sst s25  }
0xa6: {  	s5 =	sshll.u32 s26, $0x1;
	_ =	strace $0x80000046;
	[dreg:$0x1] =	wrdreg $0xFFFFFFFF  }
0xa7: {  	s28 =	simm.s32 $_size_execute0_lowered;
	s3 =	sadd.s32 s3, s5;
	[dreg:$0x0] =	wrdreg $0x0  }
0xa8: {  	s5 =	sshll.u32 s28, $0x1;
	[dreg:$0x2] =	wrdreg s3  }
0xa9: {  	[dreg:$0x3] =	wrdreg s5  }
0xaa: {  	[dreg:$0x4] =	wrdreg $0xC0  }
0xab: {  	_ =	task [dreg:s7], $0x5FFFF  }
0xac: {  	[dreg:$0x1] =	wrdreg $0xFFFFFFFF  }
0xad: {  	[dreg:$0x0] =	wrdreg $0x60  }
0xae: {  	[dreg:$0x2] =	wrdreg s2  }
0xaf: {  	[dreg:$0x3] =	wrdreg s24  }
0xb0: {  	[dreg:$0x4] =	wrdreg $0x9  }
0xb1: {  	_ =	task.clear_ibuf [dreg:s7], $0x5FFFF;
	_ =	strace $0x90000046  }
0xb2: {  	s29 =	simm.s32 $0x9;
	_ =	strace $0x80000048  }
0xb3: {  	_ =	swait.ge [sflag:s29], $0x1  }
0xb4: {  	[sflag:s29] =	ssyncadd.s32 $0xFFFFFFFF  }
0xb5: {  	_ =	strace $0x90000048  }
0xb6: {  	_ =	sfence  }
0xb7: {  	s30 =	sld [smem:$0x0];
	_ =	sdelay $0x2  }
0xb8: {  	s31 =	sshll.u32 s1, $0xD;
	s1 =	sshrl.u32 s1, $0x2  }
0xb9: {  	s3 =	sand.u32 $0x4000, s31;
	s1 =	sadd.s32 s1, s30  }
0xba: {  	s0 =	sor.u32 s3, s0;
	s1 =	sshll.u32 s1, $0x11  }
0xbb: {  	s0 =	sor.u32 s1, s0  }
0xbc: {  	s0 =	sadd.s32 $0x8F2B, s0  }
0xbd: {  	[sflag:s0] =	ssyncadd.remote.s32 $0x1  }
0xbe: {  	_ =	sfence.sel $0xFFFF  }
0xbf: {  	[dreg:$0x0] =	wrdreg $0xFFFFFFFF;
	(pc) =	sbr.abs _section_cstart, $3  }
0xc0: {  	[dreg:$0x1] =	wrdreg $0xFFFFFFFF  }
0xc1: {  	_ =	task.clear_ibuf [dreg:s7], $0x2FFFF;
	_ =	strace $0x9FFFFFFF  }
0xc2: {  	(tm) =	ssettm $0x7FFFFFFF  }
0xc3: {  	_ =	shalt  }
tec
execute0_lowered:
.L_overlay_start_1:
0x0: {  	(tag) =	ssettag $0x1  }
0x1: {  	s1 =	rddreg [dreg:$0x0]  }
0x2: {  	s6 =	rddreg [dreg:$0x1]  }
0x3: {  	s0 =	rddreg [dreg:$0x2];
	s3 =	simm.s32 $0x0;
	s2 =	stileid.u32  }
0x4: {  	s5 =	srdreg.scid;
	s13 =	simm.s32 $0x100;
	s14 =	simm.s32 $0x4100  }
0x5: {  	s15 =	simm.s32 $0x1;
	s16 =	simm.s32 $0x2;
	s17 =	simm.s32 $0x0  }
0x6: {  	[smem:$0x7FF] =	sst s3;
	s4 =	sadd.s32 $0x34800, s6;
	s7 =	smul.u32 $0xA0000, s2  }
0x7: {  	s8 =	sand.u32 $0x1, s5;
	s5 =	sadd.s32 $0x20800, s6;
	s12 =	smul.u32 $0x1400, s2  }
0x8: {  	_ =	strace $0x80000047;
	s9 =	ssub.s32 $0x2, s8;
	s10 =	smul.u32 $0x50000, s8  }
0x9: {  	s31 =	smul.u32 $0xA00, s8;
	s7 =	sadd.s32 s7, s6;
	s11 =	sshrl.u32 s9, $0x1  }
0xa: {  	s6 =	sadd.s32 $0xC800, s6;
	s9 =	ssub.s32 s9, s11;
	s10 =	sadd.s32 s10, s7  }
0xb: {  	s11 =	simm.s32 $0x3;
	s7 =	smax.u32 s9, $0x1;
	s8 =	sadd.s32 $0xA84800, s10  }
0xc: {  	s9 =	sadd.s32 $0x84800, s10;
	s10 =	sadd.s32 s31, s12;
	s12 =	simm.s32 $0x80  }
.LBB2_1:
0xd: {  	s18 =	sadd.s32 $0x0, s10  }
0xe: {  	s19 =	sand.u32 $0x70, s3;
	s18 =	sand.u32 $0xFFFFF80, s18  }
0xf: {  	s18 =	sor.u32 s19, s18  }
0x10: {  	s19 =	sadd.s32 s5, s18  }
0x11: {  	[tilespmem:s3], [sflag:$0x3] =	stream.linear.gather [hbm4b:s19+s3], $0x80, $0x38;
	[tilespmem:$0x8100] =	vst v63  }
0x12: {  	_ =	swait.ge [sflag:s11], $0x80  }
0x13: {  	[sflag:s11] =	ssyncset.done $0x0  }
0x14: {  	s18 =	sadd.s32 s6, s18;
	[sflag:s11] =	ssyncadd.s32 $0xFFFFFF80  }
0x15: {  	[tilespmem:s12], [sflag:$0x3] =	stream.linear.gather [hbm4b:s18+s3], $0x80, $0x38;
	[tilespmem:$0x8100] =	vst v63  }
0x16: {  	_ =	swait.ge [sflag:s11], $0x80  }
0x17: {  	[sflag:s11] =	ssyncset.done $0x0  }
0x18: {  	[sflag:s11] =	ssyncadd.s32 $0xFFFFFF80  }
0x19: {  	[tilespmem:s13], [sflag:$0x1] =	stream.indirect.gather [hbm4b:s1+s12], $0x80, s3, s12, $0xb8;
	[tilespmem:$0x8100] =	vst v63  }
0x1a: {  	_ = 	snop  }
0x1b: {  	[tilespmem:s14], [sflag:$0x2] =	stream.indirect.gather [hbm4b:s4+s12], $0x80, s12, s12, $0xb8;
	[tilespmem:$0x8100] =	vst v63  }
0x1c: {  	_ =	swait.ge [sflag:s15], $0x4000  }
0x1d: {  	[sflag:s15] =	ssyncset.done $0x0  }
0x1e: {  	[sflag:s15] =	ssyncadd.s32 $0xFFFFC000  }
0x1f: {  	_ =	swait.ge [sflag:s16], $0x4000  }
0x20: {  	[sflag:s16] =	ssyncset.done $0x0  }
0x21: {  	[sflag:s16] =	ssyncadd.s32 $0xFFFFC000  }
0x22: {  	[hbm4b:s9+s3] =	stream.linear.scatter [tilespmem:s13], [sflag:$0x3], $0x4000, $0x38;
	[tilespmem:$0x8100] =	vst v63  }
0x23: {  	_ =	swait.ge [sflag:s11], $0x4000  }
0x24: {  	s31 =	simm.s32 $0x10;
	s20 =	sadd.s32 $0x10, s10;
	[sflag:s11] =	ssyncset.done $0x0  }
0x25: {  	s20 =	sand.u32 $0xFFFFF80, s20;
	s19 =	sand.u32 $0x70, s31;
	[sflag:s11] =	ssyncadd.s32 $0xFFFFC000  }
0x26: {  	[hbm4b:s8+s3] =	stream.linear.scatter [tilespmem:s14], [sflag:$0x3], $0x4000, $0x38;
	[tilespmem:$0x8100] =	vst v63  }
0x27: {  	s21 =	simm.s32 $0x20;
	s20 =	sor.u32 s19, s20;
	_ =	swait.ge [sflag:s11], $0x4000  }
0x28: {  	s19 =	sadd.s32 $0x800, s8;
	s18 =	sadd.s32 $0x800, s9;
	[sflag:s11] =	ssyncset.done $0x0  }
.LBB2_2:
0x29: {  	s22 =	sadd.s32 s5, s20  }
0x2a: {  	[sflag:s11] =	ssyncadd.s32 $0xFFFFC000;
	s23 =	smov.u32 s21;
	s24 =	sadd.s32 $0x10, s21  }
0x2b: {  	[tilespmem:s3], [sflag:$0x3] =	stream.linear.gather [hbm4b:s22+s3], $0x80, $0x38;
	[tilespmem:$0x8100] =	vst v63  }
0x2c: {  	p0 =	sne.s32 s21, $0x9F0;
	_ =	swait.ge [sflag:s11], $0x80  }
0x2d: {  	[sflag:s11] =	ssyncset.done $0x0  }
0x2e: {  	s20 =	sadd.s32 s6, s20;
	[sflag:s11] =	ssyncadd.s32 $0xFFFFFF80  }
0x2f: {  	[tilespmem:s12], [sflag:$0x3] =	stream.linear.gather [hbm4b:s20+s3], $0x80, $0x38;
	[tilespmem:$0x8100] =	vst v63  }
0x30: {  	_ =	swait.ge [sflag:s11], $0x80  }
0x31: {  	[sflag:s11] =	ssyncset.done $0x0  }
0x32: {  	[sflag:s11] =	ssyncadd.s32 $0xFFFFFF80  }
0x33: {  	[tilespmem:s13], [sflag:$0x1] =	stream.indirect.gather [hbm4b:s1+s12], $0x80, s3, s12, $0xb8;
	[tilespmem:$0x8100] =	vst v63  }
0x34: {  	_ = 	snop  }
0x35: {  	[tilespmem:s14], [sflag:$0x2] =	stream.indirect.gather [hbm4b:s4+s12], $0x80, s12, s12, $0xb8;
	[tilespmem:$0x8100] =	vst v63  }
0x36: {  	_ =	swait.ge [sflag:s15], $0x4000  }
0x37: {  	[sflag:s15] =	ssyncset.done $0x0  }
0x38: {  	[sflag:s15] =	ssyncadd.s32 $0xFFFFC000  }
0x39: {  	_ =	swait.ge [sflag:s16], $0x4000  }
0x3a: {  	[sflag:s16] =	ssyncset.done $0x0  }
0x3b: {  	[sflag:s16] =	ssyncadd.s32 $0xFFFFC000  }
0x3c: {  	[hbm4b:s18+s3] =	stream.linear.scatter [tilespmem:s13], [sflag:$0x3], $0x4000, $0x38;
	[tilespmem:$0x8100] =	vst v63  }
0x3d: {  	s21 =	sand.u32 $0x70, s23;
	_ =	swait.ge [sflag:s11], $0x4000  }
.Ltmp0:
0x3e: {  	s20 =	sadd.s32 s23, s10;
	[sflag:s11] =	ssyncset.done $0x0;
	(pc) =	sbr.rel @p0 .LBB2_2-.Ltmp0, $4  }
0x3f: {  	s20 =	sand.u32 $0xFFFFF80, s20;
	s18 =	sadd.s32 $0x800, s18;
	[sflag:s11] =	ssyncadd.s32 $0xFFFFC000  }
0x40: {  	[hbm4b:s19+s3] =	stream.linear.scatter [tilespmem:s14], [sflag:$0x3], $0x4000, $0x38;
	[tilespmem:$0x8100] =	vst v63  }
0x41: {  	s20 =	sor.u32 s21, s20;
	_ =	swait.ge [sflag:s11], $0x4000  }
0x42: {  	s21 =	smov.u32 s24;
	s19 =	sadd.s32 $0x800, s19;
	[sflag:s11] =	ssyncset.done $0x0  }
0x43: {  	s21 =	sadd.s32 s5, s20;
	[sflag:s11] =	ssyncadd.s32 $0xFFFFC000  }
0x44: {  	[tilespmem:s3], [sflag:$0x3] =	stream.linear.gather [hbm4b:s21+s3], $0x80, $0x38;
	[tilespmem:$0x8100] =	vst v63  }
0x45: {  	_ =	swait.ge [sflag:s11], $0x80  }
0x46: {  	[sflag:s11] =	ssyncset.done $0x0  }
0x47: {  	s31 =	sadd.s32 s6, s20;
	[sflag:s11] =	ssyncadd.s32 $0xFFFFFF80  }
0x48: {  	[tilespmem:s12], [sflag:$0x3] =	stream.linear.gather [hbm4b:s31+s3], $0x80, $0x38;
	[tilespmem:$0x8100] =	vst v63  }
0x49: {  	_ =	swait.ge [sflag:s11], $0x80  }
0x4a: {  	[sflag:s11] =	ssyncset.done $0x0  }
0x4b: {  	[sflag:s11] =	ssyncadd.s32 $0xFFFFFF80  }
0x4c: {  	[tilespmem:s13], [sflag:$0x1] =	stream.indirect.gather [hbm4b:s1+s12], $0x80, s3, s12, $0xb8;
	[tilespmem:$0x8100] =	vst v63  }
0x4d: {  	_ = 	snop  }
0x4e: {  	[tilespmem:s14], [sflag:$0x2] =	stream.indirect.gather [hbm4b:s4+s12], $0x80, s12, s12, $0xb8;
	[tilespmem:$0x8100] =	vst v63  }
0x4f: {  	_ =	swait.ge [sflag:s15], $0x4000  }
0x50: {  	[sflag:s15] =	ssyncset.done $0x0  }
0x51: {  	[sflag:s15] =	ssyncadd.s32 $0xFFFFC000  }
0x52: {  	_ =	swait.ge [sflag:s16], $0x4000  }
0x53: {  	[sflag:s16] =	ssyncset.done $0x0  }
0x54: {  	[sflag:s16] =	ssyncadd.s32 $0xFFFFC000  }
0x55: {  	[hbm4b:s18+s3] =	stream.linear.scatter [tilespmem:s13], [sflag:$0x3], $0x4000, $0x38;
	[tilespmem:$0x8100] =	vst v63  }
0x56: {  	s17 =	sadd.s32 $0x1, s17;
	_ =	swait.ge [sflag:s11], $0x4000  }
0x57: {  	p0 =	sne.s32 s17, s7;
	[sflag:s11] =	ssyncset.done $0x0  }
.Ltmp1:
0x58: {  	[sflag:s11] =	ssyncadd.s32 $0xFFFFC000;
	(pc) =	sbr.rel @p0 .LBB2_1-.Ltmp1, $4  }
0x59: {  	[hbm4b:s19+s3] =	stream.linear.scatter [tilespmem:s14], [sflag:$0x3], $0x4000, $0x38;
	[tilespmem:$0x8100] =	vst v63  }
0x5a: {  	_ =	swait.ge [sflag:s11], $0x4000  }
0x5b: {  	[sflag:s11] =	ssyncset.done $0x0  }
0x5c: {  	[sflag:s11] =	ssyncadd.s32 $0xFFFFC000  }
0x5d: {  	_ =	sfence.sel $0x180000  }
0x5e: {  	[bflag:$0x0] =	sbarrier.arrive $0xFFFF  }
0x5f: {  	p0 =	sne.s32 s2, $0x0;
	_ =	strace $0x90000047  }
0x60: {  	s0 =	sadd.s32 @!p0 $0x100000, s0;
	[bflag:$0x2] =	sbarrier.arrive $0xFFFF  }
0x61: {  	[sflag:s0] =	ssyncadd.tile.s32 @!p0 $0x1;
	_ =	shalt  }
.Lfunc_end2:
_tile_overlayer_lowered:
.L_overlay_start_2:
0x62: {  	(tag) =	ssettag $0x2  }
0x63: {  	s0 =	rddreg [dreg:$0x0];
	s2 =	stileid.u32  }
0x64: {  	s1 =	rddreg [dreg:$0x1];
	p0 =	sne.s32 s2, $0x0  }
0x65: {  	s3 =	rddreg [dreg:$0x2];
	[bflag:$0x3] =	sbarrier.arrive $0xFFFF;
	s2 =	simm.s32 @!p0 $0x1C03  }
0x66: {  	[timem:s3], [sflag:s2] =	dma.local @!p0 [hbm:s0], s1  }
0x67: {  	s0 =	simm.s32 @!p0 $0x3  }
0x68: {  	_ =	swait.ge @!p0 [sflag:s0], s1  }
0x69: {  	s1 =	ssub.s32 @!p0 $0x0, s1;
	[sflag:s0] =	ssyncset.done @!p0 $0x0  }
0x6a: {  	[sflag:s0] =	ssyncadd.s32 @!p0 s1  }
0x6b: {  	[bflag:$0x3] =	sbarrier.arrive $0xFFFF  }
0x6c: {  	_ =	shalt  }

// kernel: kernel.21.cloned.1.call-start
scs
__scs_entry_jumppad:
0x0: {  	(pc) =	sbr.rel $0x88, $3  }
0x1: {  	(tag) =	ssettag $0x0;
	lr =	simm.s32 $0x1  }
0x2: {  	[smem:$0x3F68] =	sst lr;
	_ =	strace $0xD0000000  }
0x3: {  	_ = 	snop  }
0x4: {  	_ = 	snop  }
0x5: {  	_ = 	snop  }
0x6: {  	_ = 	snop  }
0x7: {  	_ = 	snop  }
__scs_overlays_trampoline_lowered:
0x8: {  	[smem:$0x3F77] =	sst s0  }
0x9: {  	[smem:$0x3F78] =	sst s1  }
0xa: {  	[smem:$0x3F79] =	sst s2  }
0xb: {  	[smem:$0x3F7A] =	sst s3  }
0xc: {  	[smem:$0x3F7B] =	sst s4  }
0xd: {  	[smem:$0x3F7C] =	sst s5  }
0xe: {  	[smem:$0x3F7D] =	sst s6  }
0xf: {  	[smem:$0x3F7E] =	sst s7  }
0x10: {  	[smem:$0x3F7F] =	sst s8  }
0x11: {  	[smem:$0x3F80] =	sst s9;
	s0 =	simm.s32 @!p0 $0x0  }
0x12: {  	s1 =	sld [smem:$0x3F66];
	s0 =	simm.s32 @p0 $0x1  }
0x13: {  	[smem:$0x3F81] =	sst s0;
	s0 =	simm.s32 @!p1 $0x0  }
0x14: {  	s2 =	sld [smem:$0x3F65];
	s0 =	simm.s32 @p1 $0x1  }
0x15: {  	[smem:$0x3F82] =	sst s0;
	s0 =	simm.s32 @!p2 $0x0  }
0x16: {  	s3 =	sld [smem:$0x3FDB];
	s0 =	simm.s32 @p2 $0x1  }
0x17: {  	s4 =	simm.s32 $0x1BF5;
	[smem:$0x3F84] =	sst s0  }
0x18: {  	s0 =	sld [smem:$0x3F67];
	_ =	swait.ge [sflag:s4], $0x0  }
0x19: {  	s7 =	sld [smem:$0x3F68]  }
0x1a: {  	s8 =	sadd.s32 $0xFFFFE003, lr  }
0x1b: {  	s9 =	sadd.s32 $0xFFFFFEF7, lr;
	s5 =	simm.s32 $0xFFFFFFFF;
	p2 =	slt.u32 s8, $0xFFFFF086  }
0x1c: {  	p1 =	slt.u32 s9, $0xF7A;
	s5 =	simm.s32 @!p2 $0x0  }
0x1d: {  	s5 =	simm.s32 @p1 $0x1;
	p0 =	seq.s32 s7, s2  }
0x1e: {  	s7 =	smul.u32 @!p0 $0xF7A, s2;
	p2 =	seq.s32 @!p0 s5, $0x0  }
0x1f: {  	s9 =	smul.u32 $0xF7A, s1;
	s8 =	simm.s32 @!p0 $0x1BF5;
	p2 =	por !p2, p0  }
0x20: {  	[sflag:s8] =	ssyncset.s32 @!p0 $0xFFFFF086;
	s6 =	sadd.s32 @!p0 s3, s7;
	s7 =	simm.s32 @!p0 $0x108  }
0x21: {  	s3 =	sadd.s32 s3, s9;
	s6 =	sadd.s32 @!p0 $0x88, s6;
	s7 =	simm.s32 @p2 $0x1082  }
0x22: {  	[simem:s7], [sflag:s8] =	dma.local @!p0 [hbm:s6], $0xF7A  }
0x23: {  	s9 =	sor.u32 $0xD0000000, s2;
	s6 =	simm.s32 $0x108;
	_ =	swait.ge @!p0 [sflag:s8], $0x0  }
0x24: {  	s3 =	sadd.s32 $0x88, s3;
	s6 =	simm.s32 @!p1 $0x1082;
	[sflag:s4] =	ssyncset.s32 $0xFFFFF086  }
0x25: {  	[simem:s6], [sflag:s4] =	dma.local [hbm:s3], $0xF7A  }
0x26: {  	[smem:$0x3F68] =	sst s1;
	(tag) =	ssettag s2;
	_ =	strace s9  }
0x27: {  	s1 =	sld [smem:$0x3F78]  }
0x28: {  	s2 =	sld [smem:$0x3F79]  }
0x29: {  	s4 =	sld [smem:$0x3F7B]  }
0x2a: {  	p0 =	seq.s32 s5, $0x0;
	s5 =	sld [smem:$0x3F7C]  }
0x2b: {  	s6 =	sld [smem:$0x3F7D]  }
0x2c: {  	s7 =	sld [smem:$0x3F7E]  }
0x2d: {  	s3 =	simm.s32 $0x108;
	s8 =	sld [smem:$0x3F7F]  }
0x2e: {  	s3 =	simm.s32 @!p0 $0x1082;
	s9 =	sld [smem:$0x3F80]  }
0x2f: {  	lr =	sadd.s32 s0, s3;
	s0 =	sld [smem:$0x3F77]  }
0x30: {  	s3 =	sld [smem:$0x3F7A]  }
0x31: {  	[smem:$0x3F83] =	sst s10  }
0x32: {  	s10 =	sld [smem:$0x3F81];
	_ =	sdelay $0x3  }
0x33: {  	p0 =	seq.s32 s10, $0x1;
	s10 =	sld [smem:$0x3F83];
	_ =	sdelay $0x3  }
0x34: {  	[smem:$0x3F83] =	sst s10  }
0x35: {  	s10 =	sld [smem:$0x3F82];
	_ =	sdelay $0x3  }
0x36: {  	p1 =	seq.s32 s10, $0x1;
	s10 =	sld [smem:$0x3F83];
	_ =	sdelay $0x3  }
0x37: {  	[smem:$0x3F83] =	sst s10  }
0x38: {  	s10 =	sld [smem:$0x3F84]  }
0x39: {  	_ = 	snop;
	(pc) =	sbr.ind lr, $3  }
0x3a: {  	_ = 	snop  }
0x3b: {  	_ = 	snop  }
0x3c: {  	p2 =	seq.s32 s10, $0x1;
	s10 =	sld [smem:$0x3F83]  }
0x3d: {  	_ =	shalt  }
0x3e: {  	_ =	shalt  }
0x3f: {  	_ =	shalt  }
0x40: {  	_ =	shalt  }
0x41: {  	_ =	shalt  }
0x42: {  	_ =	shalt  }
0x43: {  	_ =	shalt  }
0x44: {  	_ =	shalt  }
0x45: {  	_ =	shalt  }
0x46: {  	_ =	shalt  }
0x47: {  	_ =	shalt  }
0x48: {  	_ =	shalt  }
0x49: {  	_ =	shalt  }
0x4a: {  	_ =	shalt  }
0x4b: {  	_ =	shalt  }
0x4c: {  	_ =	shalt  }
0x4d: {  	_ =	shalt  }
0x4e: {  	_ =	shalt  }
0x4f: {  	_ =	shalt  }
0x50: {  	_ =	shalt  }
0x51: {  	_ =	shalt  }
0x52: {  	_ =	shalt  }
0x53: {  	_ =	shalt  }
0x54: {  	_ =	shalt  }
0x55: {  	_ =	shalt  }
0x56: {  	_ =	shalt  }
0x57: {  	_ =	shalt  }
0x58: {  	_ =	shalt  }
0x59: {  	_ =	shalt  }
0x5a: {  	_ =	shalt  }
0x5b: {  	_ =	shalt  }
0x5c: {  	_ =	shalt  }
0x5d: {  	_ =	shalt  }
0x5e: {  	_ =	shalt  }
0x5f: {  	_ =	shalt  }
0x60: {  	_ =	shalt  }
0x61: {  	_ =	shalt  }
0x62: {  	_ =	shalt  }
0x63: {  	_ =	shalt  }
0x64: {  	_ =	shalt  }
0x65: {  	_ =	shalt  }
0x66: {  	_ =	shalt  }
0x67: {  	_ =	shalt  }
0x68: {  	_ =	shalt  }
0x69: {  	_ =	shalt  }
0x6a: {  	_ =	shalt  }
0x6b: {  	_ =	shalt  }
0x6c: {  	_ =	shalt  }
0x6d: {  	_ =	shalt  }
0x6e: {  	_ =	shalt  }
0x6f: {  	_ =	shalt  }
0x70: {  	_ =	shalt  }
0x71: {  	_ =	shalt  }
0x72: {  	_ =	shalt  }
0x73: {  	_ =	shalt  }
0x74: {  	_ =	shalt  }
0x75: {  	_ =	shalt  }
0x76: {  	_ =	shalt  }
0x77: {  	_ =	shalt  }
0x78: {  	_ =	shalt  }
0x79: {  	_ =	shalt  }
0x7a: {  	_ =	shalt  }
0x7b: {  	_ =	shalt  }
0x7c: {  	_ =	shalt  }
0x7d: {  	_ =	shalt  }
0x7e: {  	_ =	shalt  }
0x7f: {  	_ =	shalt  }
0x80: {  	_ =	shalt  }
0x81: {  	_ =	shalt  }
0x82: {  	_ =	shalt  }
0x83: {  	_ =	shalt  }
0x84: {  	_ =	shalt  }
0x85: {  	_ =	shalt  }
0x86: {  	_ =	shalt  }
0x87: {  	_ =	shalt  }
.Lfunc_end0:
.L_simem_size_0:
called_computation.1_lowered:
.L_overlay_start_0:
0x88: {  	s2 =	sld [smem:$0x3FD9]  }
0x89: {  	s3 =	sld [smem:$0x3FFE];
	_ =	sdelay $0x1  }
0x8a: {  	s1 =	srdreg.scid  }
0x8b: {  	s0 =	sand.u32 $0x1, s1  }
0x8c: {  	s17 =	sshll.u32 s0, $0xA;
	s2 =	sadd.s32 s3, s2  }
0x8d: {  	s2 =	sadd.s32 s2, s17  }
0x8e: {  	[smem:$0x3F8F] =	sst s2  }
0x8f: {  	_ = 	snop  }
0x90: {  	s2 =	sld [smem:$0x3FD0];
	(tm) =	ssettm $0x1  }
0x91: {  	s18 =	sld [smem:$0x3FFB];
	_ =	sdelay $0x3  }
0x92: {  	_ =	strace s18  }
0x93: {  	s3 =	sld [smem:$0x3FFC];
	_ =	sdelay $0x3  }
0x94: {  	_ =	strace s3  }
0x95: {  	s3 =	sld [smem:$0x3FFD];
	_ =	sdelay $0x3  }
0x96: {  	_ =	strace s3  }
0x97: {  	_ =	strace $0x8FFFFFFF  }
0x98: {  	s19 =	sld [smem:$0x3FDB];
	_ =	sdelay $0x1  }
0x99: {  	s4 =	simm.s32 $_scs_section_size  }
0x9a: {  	s5 =	simm.s32 $_size__tile_overlayer_lowered;
	s6 =	simm.s32 $_tile_overlayer_lowered  }
0x9b: {  	s22 =	simm.s32 $0x1BFF;
	s21 =	sshll.u32 s6, $0x1;
	s3 =	sadd.s32 s4, s19  }
0x9c: {  	s7 =	simm.s32 $0x0;
	s20 =	sshll.u32 s5, $0x1;
	s5 =	sadd.s32 s21, s3  }
0x9d: {  	[timem:s7], [sflag:s22] =	dma.local [hbm:s5], s20  }
0x9e: {  	_ =	swait.ge [sflag:s22], s20  }
0x9f: {  	s4 =	ssub.s32 $0x0, s20;
	[sflag:s22] =	ssyncset.done $0x0  }
0xa0: {  	[sflag:s22] =	ssyncadd.s32 s4;
	_ =	sdelay $0x1  }
0xa1: {  	s23 =	simm.s32 $0x1B8B  }
0xa2: {  	_ =	swait.ge [sflag:s23], $0x1  }
0xa3: {  	[sflag:s23] =	ssyncset.done $0x0  }
0xa4: {  	s25 =	simm.s32 $0x1B8E;
	s24 =	sld [smem:$0x3FFE];
	[sflag:s23] =	ssyncadd.s32 $0xFFFFFFFF  }
0xa5: {  	s26 =	simm.s32 $execute0_lowered;
	[smem:$0x3FD2] =	sst s25  }
0xa6: {  	s5 =	sshll.u32 s26, $0x1;
	_ =	strace $0x80000049;
	[dreg:$0x1] =	wrdreg $0xFFFFFFFF  }
0xa7: {  	s28 =	simm.s32 $_size_execute0_lowered;
	s3 =	sadd.s32 s3, s5;
	[dreg:$0x0] =	wrdreg $0x0  }
0xa8: {  	s5 =	sshll.u32 s28, $0x1;
	[dreg:$0x2] =	wrdreg s3  }
0xa9: {  	[dreg:$0x3] =	wrdreg s5  }
0xaa: {  	[dreg:$0x4] =	wrdreg $0xC0  }
0xab: {  	_ =	task [dreg:s7], $0x5FFFF  }
0xac: {  	[dreg:$0x1] =	wrdreg $0xFFFFFFFF  }
0xad: {  	[dreg:$0x0] =	wrdreg $0x60  }
0xae: {  	[dreg:$0x2] =	wrdreg s24  }
0xaf: {  	[dreg:$0x3] =	wrdreg s2  }
0xb0: {  	[dreg:$0x4] =	wrdreg $0x40800  }
0xb1: {  	[dreg:$0x5] =	wrdreg $0x9  }
0xb2: {  	_ =	task.clear_ibuf [dreg:s7], $0x6FFFF;
	_ =	strace $0x90000049  }
0xb3: {  	s29 =	simm.s32 $0x9;
	_ =	strace $0x8000004B  }
0xb4: {  	_ =	swait.ge [sflag:s29], $0x1  }
0xb5: {  	[sflag:s29] =	ssyncadd.s32 $0xFFFFFFFF  }
0xb6: {  	_ =	strace $0x9000004B  }
0xb7: {  	_ =	sfence  }
0xb8: {  	s30 =	sld [smem:$0x0];
	_ =	sdelay $0x2  }
0xb9: {  	s31 =	sshll.u32 s1, $0xD;
	s1 =	sshrl.u32 s1, $0x2  }
0xba: {  	s3 =	sand.u32 $0x4000, s31;
	s1 =	sadd.s32 s1, s30  }
0xbb: {  	s0 =	sor.u32 s3, s0;
	s1 =	sshll.u32 s1, $0x11  }
0xbc: {  	s0 =	sor.u32 s1, s0  }
0xbd: {  	s0 =	sadd.s32 $0x8F2B, s0  }
0xbe: {  	[sflag:s0] =	ssyncadd.remote.s32 $0x1  }
0xbf: {  	_ =	sfence.sel $0xFFFF  }
0xc0: {  	[dreg:$0x0] =	wrdreg $0xFFFFFFFF;
	(pc) =	sbr.abs _section_cstart, $3  }
0xc1: {  	[dreg:$0x1] =	wrdreg $0xFFFFFFFF  }
0xc2: {  	_ =	task.clear_ibuf [dreg:s7], $0x2FFFF;
	_ =	strace $0x9FFFFFFF  }
0xc3: {  	(tm) =	ssettm $0x7FFFFFFF  }
tec
execute0_lowered:
.L_overlay_start_1:
0x0: {  	(tag) =	ssettag $0x1  }
0x1: {  	s1 =	stileid.u32  }
0x2: {  	s5 =	rddreg [dreg:$0x0];
	s4 =	smul.u32 $0xA0000, s1  }
0x3: {  	s7 =	rddreg [dreg:$0x1];
	s6 =	smul.u32 $0x14000, s1  }
0x4: {  	s8 =	srdreg.scid;
	s12 =	smul.u32 $0x50000, s1  }
0x5: {  	s2 =	rddreg [dreg:$0x2];
	s8 =	sand.u32 $0x1, s8;
	s15 =	smul.u32 $0x1400, s1  }
0x6: {  	s0 =	rddreg [dreg:$0x3];
	s3 =	simm.s32 $0x0;
	s30 =	smul.u32 $0x140000, s8  }
0x7: {  	[smem:$0x7FF] =	sst s3;
	s14 =	sshll.u32 s1, $0x6;
	s13 =	smul.u32 $0x50000, s8  }
0x8: {  	_ =	strace $0x8000004A;
	s11 =	ssub.s32 $0x2, s8;
	s31 =	smul.u32 $0xA00, s8  }
0x9: {  	s9 =	sadd.s32 s4, s5;
	s10 =	sshrl.u32 s6, $0x3;
	s4 =	sadd.s32 $0x20800, s5  }
0xa: {  	s28 =	sshrl.u32 s11, $0x1;
	s29 =	sshrl.u32 s12, $0x2;
	s5 =	sadd.s32 s10, s5  }
0xb: {  	s10 =	ssub.s32 s11, s28;
	s11 =	sadd.s32 s29, s2;
	s12 =	sadd.s32 s6, s30  }
0xc: {  	s6 =	sor.u32 $0x1C01, s14;
	s9 =	sadd.s32 s13, s9;
	s13 =	simm.s32 $0x80  }
0xd: {  	s14 =	simm.s32 $0x0;
	s5 =	sadd.s32 $0x34800, s5;
	s12 =	sshrl.u32 s12, $0x3  }
0xe: {  	s8 =	smax.u32 s10, $0x1;
	s9 =	sadd.s32 $0x1E84E00, s9;
	s10 =	sadd.s32 s31, s15  }
0xf: {  	s11 =	sshrl.u32 s11, $0x3;
	s7 =	sadd.s32 s7, s12;
	s12 =	simm.s32 $0x1  }
.LBB2_1:
0x10: {  	[spmem:s11], [sflag:s6] =	dma.local [hbm:s5], $0x2800  }
0x11: {  	_ =	swait.ge [sflag:s12], $0x2800  }
0x12: {  	s15 =	sadd.s32 $0x0, s10;
	s16 =	sand.u32 $0x70, s3;
	[sflag:s12] =	ssyncset.done $0x0  }
0x13: {  	s15 =	sand.u32 $0xFFFFF80, s15;
	s16 =	sadd.s32 s4, s16;
	[sflag:s12] =	ssyncadd.s32 $0xFFFFD800  }
0x14: {  	s15 =	sadd.s32 s15, s16;
	[bflag:$0x0] =	sbarrier.arrive $0xFFFF  }
0x15: {  	[tilespmem:s3], [sflag:$0x1] =	stream.linear.gather [hbm4b:s15+s3], $0x80, $0x38;
	[tilespmem:$0x18080] =	vst v63  }
0x16: {  	_ =	swait.ge [sflag:s12], $0x80  }
0x17: {  	[sflag:s12] =	ssyncset.done $0x0  }
0x18: {  	[sflag:s12] =	ssyncadd.s32 $0xFFFFFF80  }
0x19: {  	[tilespmem:s13], [sflag:$0x1] =	stream.linear.gather [hbm4b:s9+s3], $0x4000, $0x38;
	[tilespmem:$0x18080] =	vst v63  }
0x1a: {  	_ =	swait.ge [sflag:s12], $0x4000  }
0x1b: {  	s17 =	simm.s32 $0x10;
	[sflag:s12] =	ssyncset.done $0x0  }
0x1c: {  	s18 =	sadd.s32 $0x10, s10;
	s19 =	sand.u32 $0x70, s17;
	[sflag:s12] =	ssyncadd.s32 $0xFFFFC000  }
0x1d: {  	[spmem:s2] =	stream.indirect.scatter.add.f32 [tilespmem:s13], [sflag:$0x1], $0x80, s3, s13, $0xb8;
	[tilespmem:$0x18080] =	vst v63  }
0x1e: {  	s17 =	sand.u32 $0xFFFFF80, s18;
	s16 =	simm.s32 $0x20;
	_ =	swait.ge [sflag:s12], $0x4000  }
0x1f: {  	s18 =	sadd.s32 s4, s19;
	s15 =	sadd.s32 $0x800, s9;
	[sflag:s12] =	ssyncset.done $0x0  }
.LBB2_2:
0x20: {  	s17 =	sadd.s32 s17, s18  }
0x21: {  	[sflag:s12] =	ssyncadd.s32 $0xFFFFC000;
	s18 =	smov.u32 s16;
	s19 =	sadd.s32 $0x10, s16  }
0x22: {  	[tilespmem:s3], [sflag:$0x1] =	stream.linear.gather [hbm4b:s17+s3], $0x80, $0x38;
	[tilespmem:$0x18080] =	vst v63  }
0x23: {  	p0 =	sne.s32 s16, $0x9F0;
	_ =	swait.ge [sflag:s12], $0x80  }
0x24: {  	[sflag:s12] =	ssyncset.done $0x0  }
0x25: {  	[sflag:s12] =	ssyncadd.s32 $0xFFFFFF80  }
0x26: {  	[tilespmem:s13], [sflag:$0x1] =	stream.linear.gather [hbm4b:s15+s3], $0x4000, $0x38;
	[tilespmem:$0x18080] =	vst v63  }
0x27: {  	_ =	swait.ge [sflag:s12], $0x4000  }
.Ltmp0:
0x28: {  	[sflag:s12] =	ssyncset.done $0x0;
	(pc) =	sbr.rel @p0 .LBB2_2-.Ltmp0, $4  }
0x29: {  	s16 =	sadd.s32 s18, s10;
	s15 =	sadd.s32 $0x800, s15;
	[sflag:s12] =	ssyncadd.s32 $0xFFFFC000  }
0x2a: {  	[spmem:s2] =	stream.indirect.scatter.add.f32 [tilespmem:s13], [sflag:$0x1], $0x80, s3, s13, $0xb8;
	[tilespmem:$0x18080] =	vst v63  }
0x2b: {  	s18 =	sand.u32 $0x70, s18;
	s17 =	sand.u32 $0xFFFFF80, s16;
	_ =	swait.ge [sflag:s12], $0x4000  }
0x2c: {  	s18 =	sadd.s32 s4, s18;
	s16 =	smov.u32 s19;
	[sflag:s12] =	ssyncset.done $0x0  }
0x2d: {  	s16 =	sadd.s32 s17, s18;
	[sflag:s12] =	ssyncadd.s32 $0xFFFFC000  }
0x2e: {  	[tilespmem:s3], [sflag:$0x1] =	stream.linear.gather [hbm4b:s16+s3], $0x80, $0x38;
	[tilespmem:$0x18080] =	vst v63  }
0x2f: {  	_ =	swait.ge [sflag:s12], $0x80  }
0x30: {  	[sflag:s12] =	ssyncset.done $0x0  }
0x31: {  	[sflag:s12] =	ssyncadd.s32 $0xFFFFFF80  }
0x32: {  	[tilespmem:s13], [sflag:$0x1] =	stream.linear.gather [hbm4b:s15+s3], $0x4000, $0x38;
	[tilespmem:$0x18080] =	vst v63  }
0x33: {  	_ =	swait.ge [sflag:s12], $0x4000  }
0x34: {  	[sflag:s12] =	ssyncset.done $0x0  }
0x35: {  	[sflag:s12] =	ssyncadd.s32 $0xFFFFC000  }
0x36: {  	[spmem:s2] =	stream.indirect.scatter.add.f32 [tilespmem:s13], [sflag:$0x1], $0x80, s3, s13, $0xb8;
	[tilespmem:$0x18080] =	vst v63  }
0x37: {  	_ =	swait.ge [sflag:s12], $0x4000  }
0x38: {  	s14 =	sadd.s32 $0x1, s14;
	[sflag:s12] =	ssyncset.done $0x0  }
0x39: {  	p0 =	sne.s32 s14, s8;
	[sflag:s12] =	ssyncadd.s32 $0xFFFFC000  }
.Ltmp1:
0x3a: {  	[bflag:$0x0] =	sbarrier.arrive $0xFFFF;
	(pc) =	sbr.rel @p0 .LBB2_1-.Ltmp1, $4  }
0x3b: {  	[hbm:s7], [sflag:s6] =	dma.local [spmem:s11], $0x2800  }
0x3c: {  	_ =	swait.ge [sflag:s12], $0x2800  }
0x3d: {  	[sflag:s12] =	ssyncset.done $0x0  }
0x3e: {  	[sflag:s12] =	ssyncadd.s32 $0xFFFFD800  }
0x3f: {  	_ =	sfence.sel $0x180000  }
0x40: {  	[bflag:$0x0] =	sbarrier.arrive $0xFFFF  }
0x41: {  	p0 =	sne.s32 s1, $0x0;
	_ =	strace $0x9000004A  }
0x42: {  	s0 =	sadd.s32 @!p0 $0x100000, s0;
	[bflag:$0x2] =	sbarrier.arrive $0xFFFF  }
0x43: {  	[sflag:s0] =	ssyncadd.tile.s32 @!p0 $0x1;
	_ =	shalt  }
.Lfunc_end2:
_tile_overlayer_lowered:
.L_overlay_start_2:
0x44: {  	(tag) =	ssettag $0x2  }
0x45: {  	s0 =	rddreg [dreg:$0x0];
	s2 =	stileid.u32  }
0x46: {  	s1 =	rddreg [dreg:$0x1];
	p0 =	sne.s32 s2, $0x0  }
0x47: {  	s3 =	rddreg [dreg:$0x2];
	[bflag:$0x3] =	sbarrier.arrive $0xFFFF;
	s2 =	simm.s32 @!p0 $0x1C01  }
0x48: {  	[timem:s3], [sflag:s2] =	dma.local @!p0 [hbm:s0], s1  }
0x49: {  	s0 =	simm.s32 @!p0 $0x1  }
0x4a: {  	_ =	swait.ge @!p0 [sflag:s0], s1  }
0x4b: {  	s1 =	ssub.s32 @!p0 $0x0, s1;
	[sflag:s0] =	ssyncset.done @!p0 $0x0  }
0x4c: {  	[sflag:s0] =	ssyncadd.s32 @!p0 s1  }
0x4d: {  	[bflag:$0x3] =	sbarrier.arrive $0xFFFF  }
0x4e: {  	_ =	shalt  }

// kernel: kernel.24.cloned.1.call-start
scs
__scs_entry_jumppad:
0x0: {  	(pc) =	sbr.rel $0x88, $3  }
0x1: {  	(tag) =	ssettag $0x0;
	lr =	simm.s32 $0x1  }
0x2: {  	[smem:$0x3F68] =	sst lr;
	_ =	strace $0xD0000000  }
0x3: {  	_ = 	snop  }
0x4: {  	_ = 	snop  }
0x5: {  	_ = 	snop  }
0x6: {  	_ = 	snop  }
0x7: {  	_ = 	snop  }
__scs_overlays_trampoline_lowered:
0x8: {  	[smem:$0x3F77] =	sst s0  }
0x9: {  	[smem:$0x3F78] =	sst s1  }
0xa: {  	[smem:$0x3F79] =	sst s2  }
0xb: {  	[smem:$0x3F7A] =	sst s3  }
0xc: {  	[smem:$0x3F7B] =	sst s4  }
0xd: {  	[smem:$0x3F7C] =	sst s5  }
0xe: {  	[smem:$0x3F7D] =	sst s6  }
0xf: {  	[smem:$0x3F7E] =	sst s7  }
0x10: {  	[smem:$0x3F7F] =	sst s8  }
0x11: {  	[smem:$0x3F80] =	sst s9;
	s0 =	simm.s32 @!p0 $0x0  }
0x12: {  	s1 =	sld [smem:$0x3F66];
	s0 =	simm.s32 @p0 $0x1  }
0x13: {  	[smem:$0x3F81] =	sst s0;
	s0 =	simm.s32 @!p1 $0x0  }
0x14: {  	s2 =	sld [smem:$0x3F65];
	s0 =	simm.s32 @p1 $0x1  }
0x15: {  	[smem:$0x3F82] =	sst s0;
	s0 =	simm.s32 @!p2 $0x0  }
0x16: {  	s3 =	sld [smem:$0x3FDB];
	s0 =	simm.s32 @p2 $0x1  }
0x17: {  	s4 =	simm.s32 $0x1BF5;
	[smem:$0x3F84] =	sst s0  }
0x18: {  	s0 =	sld [smem:$0x3F67];
	_ =	swait.ge [sflag:s4], $0x0  }
0x19: {  	s7 =	sld [smem:$0x3F68]  }
0x1a: {  	s8 =	sadd.s32 $0xFFFFE003, lr  }
0x1b: {  	s9 =	sadd.s32 $0xFFFFFEF7, lr;
	s5 =	simm.s32 $0xFFFFFFFF;
	p2 =	slt.u32 s8, $0xFFFFF086  }
0x1c: {  	p1 =	slt.u32 s9, $0xF7A;
	s5 =	simm.s32 @!p2 $0x0  }
0x1d: {  	s5 =	simm.s32 @p1 $0x1;
	p0 =	seq.s32 s7, s2  }
0x1e: {  	s7 =	smul.u32 @!p0 $0xF7A, s2;
	p2 =	seq.s32 @!p0 s5, $0x0  }
0x1f: {  	s9 =	smul.u32 $0xF7A, s1;
	s8 =	simm.s32 @!p0 $0x1BF5;
	p2 =	por !p2, p0  }
0x20: {  	[sflag:s8] =	ssyncset.s32 @!p0 $0xFFFFF086;
	s6 =	sadd.s32 @!p0 s3, s7;
	s7 =	simm.s32 @!p0 $0x108  }
0x21: {  	s3 =	sadd.s32 s3, s9;
	s6 =	sadd.s32 @!p0 $0x88, s6;
	s7 =	simm.s32 @p2 $0x1082  }
0x22: {  	[simem:s7], [sflag:s8] =	dma.local @!p0 [hbm:s6], $0xF7A  }
0x23: {  	s9 =	sor.u32 $0xD0000000, s2;
	s6 =	simm.s32 $0x108;
	_ =	swait.ge @!p0 [sflag:s8], $0x0  }
0x24: {  	s3 =	sadd.s32 $0x88, s3;
	s6 =	simm.s32 @!p1 $0x1082;
	[sflag:s4] =	ssyncset.s32 $0xFFFFF086  }
0x25: {  	[simem:s6], [sflag:s4] =	dma.local [hbm:s3], $0xF7A  }
0x26: {  	[smem:$0x3F68] =	sst s1;
	(tag) =	ssettag s2;
	_ =	strace s9  }
0x27: {  	s1 =	sld [smem:$0x3F78]  }
0x28: {  	s2 =	sld [smem:$0x3F79]  }
0x29: {  	s4 =	sld [smem:$0x3F7B]  }
0x2a: {  	p0 =	seq.s32 s5, $0x0;
	s5 =	sld [smem:$0x3F7C]  }
0x2b: {  	s6 =	sld [smem:$0x3F7D]  }
0x2c: {  	s7 =	sld [smem:$0x3F7E]  }
0x2d: {  	s3 =	simm.s32 $0x108;
	s8 =	sld [smem:$0x3F7F]  }
0x2e: {  	s3 =	simm.s32 @!p0 $0x1082;
	s9 =	sld [smem:$0x3F80]  }
0x2f: {  	lr =	sadd.s32 s0, s3;
	s0 =	sld [smem:$0x3F77]  }
0x30: {  	s3 =	sld [smem:$0x3F7A]  }
0x31: {  	[smem:$0x3F83] =	sst s10  }
0x32: {  	s10 =	sld [smem:$0x3F81];
	_ =	sdelay $0x3  }
0x33: {  	p0 =	seq.s32 s10, $0x1;
	s10 =	sld [smem:$0x3F83];
	_ =	sdelay $0x3  }
0x34: {  	[smem:$0x3F83] =	sst s10  }
0x35: {  	s10 =	sld [smem:$0x3F82];
	_ =	sdelay $0x3  }
0x36: {  	p1 =	seq.s32 s10, $0x1;
	s10 =	sld [smem:$0x3F83];
	_ =	sdelay $0x3  }
0x37: {  	[smem:$0x3F83] =	sst s10  }
0x38: {  	s10 =	sld [smem:$0x3F84]  }
0x39: {  	_ = 	snop;
	(pc) =	sbr.ind lr, $3  }
0x3a: {  	_ = 	snop  }
0x3b: {  	_ = 	snop  }
0x3c: {  	p2 =	seq.s32 s10, $0x1;
	s10 =	sld [smem:$0x3F83]  }
0x3d: {  	_ =	shalt  }
0x3e: {  	_ =	shalt  }
0x3f: {  	_ =	shalt  }
0x40: {  	_ =	shalt  }
0x41: {  	_ =	shalt  }
0x42: {  	_ =	shalt  }
0x43: {  	_ =	shalt  }
0x44: {  	_ =	shalt  }
0x45: {  	_ =	shalt  }
0x46: {  	_ =	shalt  }
0x47: {  	_ =	shalt  }
0x48: {  	_ =	shalt  }
0x49: {  	_ =	shalt  }
0x4a: {  	_ =	shalt  }
0x4b: {  	_ =	shalt  }
0x4c: {  	_ =	shalt  }
0x4d: {  	_ =	shalt  }
0x4e: {  	_ =	shalt  }
0x4f: {  	_ =	shalt  }
0x50: {  	_ =	shalt  }
0x51: {  	_ =	shalt  }
0x52: {  	_ =	shalt  }
0x53: {  	_ =	shalt  }
0x54: {  	_ =	shalt  }
0x55: {  	_ =	shalt  }
0x56: {  	_ =	shalt  }
0x57: {  	_ =	shalt  }
0x58: {  	_ =	shalt  }
0x59: {  	_ =	shalt  }
0x5a: {  	_ =	shalt  }
0x5b: {  	_ =	shalt  }
0x5c: {  	_ =	shalt  }
0x5d: {  	_ =	shalt  }
0x5e: {  	_ =	shalt  }
0x5f: {  	_ =	shalt  }
0x60: {  	_ =	shalt  }
0x61: {  	_ =	shalt  }
0x62: {  	_ =	shalt  }
0x63: {  	_ =	shalt  }
0x64: {  	_ =	shalt  }
0x65: {  	_ =	shalt  }
0x66: {  	_ =	shalt  }
0x67: {  	_ =	shalt  }
0x68: {  	_ =	shalt  }
0x69: {  	_ =	shalt  }
0x6a: {  	_ =	shalt  }
0x6b: {  	_ =	shalt  }
0x6c: {  	_ =	shalt  }
0x6d: {  	_ =	shalt  }
0x6e: {  	_ =	shalt  }
0x6f: {  	_ =	shalt  }
0x70: {  	_ =	shalt  }
0x71: {  	_ =	shalt  }
0x72: {  	_ =	shalt  }
0x73: {  	_ =	shalt  }
0x74: {  	_ =	shalt  }
0x75: {  	_ =	shalt  }
0x76: {  	_ =	shalt  }
0x77: {  	_ =	shalt  }
0x78: {  	_ =	shalt  }
0x79: {  	_ =	shalt  }
0x7a: {  	_ =	shalt  }
0x7b: {  	_ =	shalt  }
0x7c: {  	_ =	shalt  }
0x7d: {  	_ =	shalt  }
0x7e: {  	_ =	shalt  }
0x7f: {  	_ =	shalt  }
0x80: {  	_ =	shalt  }
0x81: {  	_ =	shalt  }
0x82: {  	_ =	shalt  }
0x83: {  	_ =	shalt  }
0x84: {  	_ =	shalt  }
0x85: {  	_ =	shalt  }
0x86: {  	_ =	shalt  }
0x87: {  	_ =	shalt  }
.Lfunc_end0:
.L_simem_size_0:
called_computation.2_lowered:
.L_overlay_start_0:
0x88: {  	s2 =	sld [smem:$0x3FD9]  }
0x89: {  	s3 =	sld [smem:$0x3FFE];
	_ =	sdelay $0x1  }
0x8a: {  	s1 =	srdreg.scid  }
0x8b: {  	s0 =	sand.u32 $0x1, s1  }
0x8c: {  	s17 =	sshll.u32 s0, $0xA;
	s2 =	sadd.s32 s3, s2  }
0x8d: {  	s2 =	sadd.s32 s2, s17  }
0x8e: {  	[smem:$0x3F8F] =	sst s2  }
0x8f: {  	_ = 	snop  }
0x90: {  	s2 =	sld [smem:$0x3FD0];
	(tm) =	ssettm $0x1  }
0x91: {  	s18 =	sld [smem:$0x3FFB];
	_ =	sdelay $0x3  }
0x92: {  	_ =	strace s18  }
0x93: {  	s3 =	sld [smem:$0x3FFC];
	_ =	sdelay $0x3  }
0x94: {  	_ =	strace s3  }
0x95: {  	s3 =	sld [smem:$0x3FFD];
	_ =	sdelay $0x3  }
0x96: {  	_ =	strace s3  }
0x97: {  	_ =	strace $0x8FFFFFFF  }
0x98: {  	s19 =	sld [smem:$0x3FDB];
	_ =	sdelay $0x1  }
0x99: {  	s4 =	simm.s32 $_scs_section_size  }
0x9a: {  	s5 =	simm.s32 $_size__tile_overlayer_lowered;
	s6 =	simm.s32 $_tile_overlayer_lowered  }
0x9b: {  	s22 =	simm.s32 $0x1BFF;
	s21 =	sshll.u32 s6, $0x1;
	s3 =	sadd.s32 s4, s19  }
0x9c: {  	s7 =	simm.s32 $0x0;
	s20 =	sshll.u32 s5, $0x1;
	s5 =	sadd.s32 s21, s3  }
0x9d: {  	[timem:s7], [sflag:s22] =	dma.local [hbm:s5], s20  }
0x9e: {  	_ =	swait.ge [sflag:s22], s20  }
0x9f: {  	s4 =	ssub.s32 $0x0, s20;
	[sflag:s22] =	ssyncset.done $0x0  }
0xa0: {  	[sflag:s22] =	ssyncadd.s32 s4;
	_ =	sdelay $0x1  }
0xa1: {  	s23 =	simm.s32 $0x1B8B  }
0xa2: {  	_ =	swait.ge [sflag:s23], $0x1  }
0xa3: {  	[sflag:s23] =	ssyncset.done $0x0  }
0xa4: {  	s25 =	simm.s32 $0x1B8E;
	s24 =	sld [smem:$0x3FFE];
	[sflag:s23] =	ssyncadd.s32 $0xFFFFFFFF  }
0xa5: {  	s26 =	simm.s32 $execute0_lowered;
	[smem:$0x3FD2] =	sst s25  }
0xa6: {  	s5 =	sshll.u32 s26, $0x1;
	_ =	strace $0x8000004C;
	[dreg:$0x1] =	wrdreg $0xFFFFFFFF  }
0xa7: {  	s28 =	simm.s32 $_size_execute0_lowered;
	s3 =	sadd.s32 s3, s5;
	[dreg:$0x0] =	wrdreg $0x0  }
0xa8: {  	s5 =	sshll.u32 s28, $0x1;
	[dreg:$0x2] =	wrdreg s3  }
0xa9: {  	[dreg:$0x3] =	wrdreg s5  }
0xaa: {  	[dreg:$0x4] =	wrdreg $0xC0  }
0xab: {  	_ =	task [dreg:s7], $0x5FFFF  }
0xac: {  	[dreg:$0x1] =	wrdreg $0xFFFFFFFF  }
0xad: {  	[dreg:$0x0] =	wrdreg $0x60  }
0xae: {  	[dreg:$0x2] =	wrdreg s2  }
0xaf: {  	[dreg:$0x3] =	wrdreg s24  }
0xb0: {  	[dreg:$0x4] =	wrdreg $0x9  }
0xb1: {  	_ =	task.clear_ibuf [dreg:s7], $0x5FFFF;
	_ =	strace $0x9000004C  }
0xb2: {  	s29 =	simm.s32 $0x9;
	_ =	strace $0x8000004E  }
0xb3: {  	_ =	swait.ge [sflag:s29], $0x1  }
0xb4: {  	[sflag:s29] =	ssyncadd.s32 $0xFFFFFFFF  }
0xb5: {  	_ =	strace $0x9000004E  }
0xb6: {  	_ =	sfence  }
0xb7: {  	s30 =	sld [smem:$0x0];
	_ =	sdelay $0x2  }
0xb8: {  	s31 =	sshll.u32 s1, $0xD;
	s1 =	sshrl.u32 s1, $0x2  }
0xb9: {  	s3 =	sand.u32 $0x4000, s31;
	s1 =	sadd.s32 s1, s30  }
0xba: {  	s0 =	sor.u32 s3, s0;
	s1 =	sshll.u32 s1, $0x11  }
0xbb: {  	s0 =	sor.u32 s1, s0  }
0xbc: {  	s0 =	sadd.s32 $0x8F2B, s0  }
0xbd: {  	[sflag:s0] =	ssyncadd.remote.s32 $0x1  }
0xbe: {  	_ =	sfence.sel $0xFFFF  }
0xbf: {  	[dreg:$0x0] =	wrdreg $0xFFFFFFFF;
	(pc) =	sbr.abs _section_cstart, $3  }
0xc0: {  	[dreg:$0x1] =	wrdreg $0xFFFFFFFF  }
0xc1: {  	_ =	task.clear_ibuf [dreg:s7], $0x2FFFF;
	_ =	strace $0x9FFFFFFF  }
0xc2: {  	(tm) =	ssettm $0x7FFFFFFF  }
0xc3: {  	_ =	shalt  }
tec
execute0_lowered:
.L_overlay_start_1:
0x0: {  	(tag) =	ssettag $0x1  }
0x1: {  	s1 =	rddreg [dreg:$0x0]  }
0x2: {  	s6 =	rddreg [dreg:$0x1]  }
0x3: {  	s0 =	rddreg [dreg:$0x2];
	s3 =	simm.s32 $0x0;
	s2 =	stileid.u32  }
0x4: {  	s5 =	srdreg.scid;
	s13 =	simm.s32 $0x100;
	s14 =	simm.s32 $0x4100  }
0x5: {  	s15 =	simm.s32 $0x1;
	s16 =	simm.s32 $0x2;
	s17 =	simm.s32 $0x0  }
0x6: {  	[smem:$0x7FF] =	sst s3;
	s4 =	sadd.s32 $0x5C800, s6;
	s7 =	smul.u32 $0xA0000, s2  }
0x7: {  	s8 =	sand.u32 $0x1, s5;
	s5 =	sadd.s32 $0x20800, s6;
	s12 =	smul.u32 $0x1400, s2  }
0x8: {  	_ =	strace $0x8000004D;
	s9 =	ssub.s32 $0x2, s8;
	s10 =	smul.u32 $0x50000, s8  }
0x9: {  	s31 =	smul.u32 $0xA00, s8;
	s7 =	sadd.s32 s7, s6;
	s11 =	sshrl.u32 s9, $0x1  }
0xa: {  	s6 =	sadd.s32 $0xC800, s6;
	s9 =	ssub.s32 s9, s11;
	s10 =	sadd.s32 s10, s7  }
0xb: {  	s11 =	simm.s32 $0x3;
	s7 =	smax.u32 s9, $0x1;
	s8 =	sadd.s32 $0x1E84E00, s10  }
0xc: {  	s9 =	sadd.s32 $0xAC800, s10;
	s10 =	sadd.s32 s31, s12;
	s12 =	simm.s32 $0x80  }
.LBB2_1:
0xd: {  	s18 =	sadd.s32 $0x0, s10  }
0xe: {  	s19 =	sand.u32 $0x70, s3;
	s18 =	sand.u32 $0xFFFFF80, s18  }
0xf: {  	s18 =	sor.u32 s19, s18  }
0x10: {  	s19 =	sadd.s32 s5, s18  }
0x11: {  	[tilespmem:s3], [sflag:$0x3] =	stream.linear.gather [hbm4b:s19+s3], $0x80, $0x38;
	[tilespmem:$0x8100] =	vst v63  }
0x12: {  	_ =	swait.ge [sflag:s11], $0x80  }
0x13: {  	[sflag:s11] =	ssyncset.done $0x0  }
0x14: {  	s18 =	sadd.s32 s6, s18;
	[sflag:s11] =	ssyncadd.s32 $0xFFFFFF80  }
0x15: {  	[tilespmem:s12], [sflag:$0x3] =	stream.linear.gather [hbm4b:s18+s3], $0x80, $0x38;
	[tilespmem:$0x8100] =	vst v63  }
0x16: {  	_ =	swait.ge [sflag:s11], $0x80  }
0x17: {  	[sflag:s11] =	ssyncset.done $0x0  }
0x18: {  	[sflag:s11] =	ssyncadd.s32 $0xFFFFFF80  }
0x19: {  	[tilespmem:s13], [sflag:$0x1] =	stream.indirect.gather [hbm4b:s1+s12], $0x80, s3, s12, $0xb8;
	[tilespmem:$0x8100] =	vst v63  }
0x1a: {  	_ = 	snop  }
0x1b: {  	[tilespmem:s14], [sflag:$0x2] =	stream.indirect.gather [hbm4b:s4+s12], $0x80, s12, s12, $0xb8;
	[tilespmem:$0x8100] =	vst v63  }
0x1c: {  	_ =	swait.ge [sflag:s15], $0x4000  }
0x1d: {  	[sflag:s15] =	ssyncset.done $0x0  }
0x1e: {  	[sflag:s15] =	ssyncadd.s32 $0xFFFFC000  }
0x1f: {  	_ =	swait.ge [sflag:s16], $0x4000  }
0x20: {  	[sflag:s16] =	ssyncset.done $0x0  }
0x21: {  	[sflag:s16] =	ssyncadd.s32 $0xFFFFC000  }
0x22: {  	[hbm4b:s9+s3] =	stream.linear.scatter [tilespmem:s13], [sflag:$0x3], $0x4000, $0x38;
	[tilespmem:$0x8100] =	vst v63  }
0x23: {  	_ =	swait.ge [sflag:s11], $0x4000  }
0x24: {  	s31 =	simm.s32 $0x10;
	s20 =	sadd.s32 $0x10, s10;
	[sflag:s11] =	ssyncset.done $0x0  }
0x25: {  	s20 =	sand.u32 $0xFFFFF80, s20;
	s19 =	sand.u32 $0x70, s31;
	[sflag:s11] =	ssyncadd.s32 $0xFFFFC000  }
0x26: {  	[hbm4b:s8+s3] =	stream.linear.scatter [tilespmem:s14], [sflag:$0x3], $0x4000, $0x38;
	[tilespmem:$0x8100] =	vst v63  }
0x27: {  	s21 =	simm.s32 $0x20;
	s20 =	sor.u32 s19, s20;
	_ =	swait.ge [sflag:s11], $0x4000  }
0x28: {  	s19 =	sadd.s32 $0x800, s8;
	s18 =	sadd.s32 $0x800, s9;
	[sflag:s11] =	ssyncset.done $0x0  }
.LBB2_2:
0x29: {  	s22 =	sadd.s32 s5, s20  }
0x2a: {  	[sflag:s11] =	ssyncadd.s32 $0xFFFFC000;
	s23 =	smov.u32 s21;
	s24 =	sadd.s32 $0x10, s21  }
0x2b: {  	[tilespmem:s3], [sflag:$0x3] =	stream.linear.gather [hbm4b:s22+s3], $0x80, $0x38;
	[tilespmem:$0x8100] =	vst v63  }
0x2c: {  	p0 =	sne.s32 s21, $0x9F0;
	_ =	swait.ge [sflag:s11], $0x80  }
0x2d: {  	[sflag:s11] =	ssyncset.done $0x0  }
0x2e: {  	s20 =	sadd.s32 s6, s20;
	[sflag:s11] =	ssyncadd.s32 $0xFFFFFF80  }
0x2f: {  	[tilespmem:s12], [sflag:$0x3] =	stream.linear.gather [hbm4b:s20+s3], $0x80, $0x38;
	[tilespmem:$0x8100] =	vst v63  }
0x30: {  	_ =	swait.ge [sflag:s11], $0x80  }
0x31: {  	[sflag:s11] =	ssyncset.done $0x0  }
0x32: {  	[sflag:s11] =	ssyncadd.s32 $0xFFFFFF80  }
0x33: {  	[tilespmem:s13], [sflag:$0x1] =	stream.indirect.gather [hbm4b:s1+s12], $0x80, s3, s12, $0xb8;
	[tilespmem:$0x8100] =	vst v63  }
0x34: {  	_ = 	snop  }
0x35: {  	[tilespmem:s14], [sflag:$0x2] =	stream.indirect.gather [hbm4b:s4+s12], $0x80, s12, s12, $0xb8;
	[tilespmem:$0x8100] =	vst v63  }
0x36: {  	_ =	swait.ge [sflag:s15], $0x4000  }
0x37: {  	[sflag:s15] =	ssyncset.done $0x0  }
0x38: {  	[sflag:s15] =	ssyncadd.s32 $0xFFFFC000  }
0x39: {  	_ =	swait.ge [sflag:s16], $0x4000  }
0x3a: {  	[sflag:s16] =	ssyncset.done $0x0  }
0x3b: {  	[sflag:s16] =	ssyncadd.s32 $0xFFFFC000  }
0x3c: {  	[hbm4b:s18+s3] =	stream.linear.scatter [tilespmem:s13], [sflag:$0x3], $0x4000, $0x38;
	[tilespmem:$0x8100] =	vst v63  }
0x3d: {  	s21 =	sand.u32 $0x70, s23;
	_ =	swait.ge [sflag:s11], $0x4000  }
.Ltmp0:
0x3e: {  	s20 =	sadd.s32 s23, s10;
	[sflag:s11] =	ssyncset.done $0x0;
	(pc) =	sbr.rel @p0 .LBB2_2-.Ltmp0, $4  }
0x3f: {  	s20 =	sand.u32 $0xFFFFF80, s20;
	s18 =	sadd.s32 $0x800, s18;
	[sflag:s11] =	ssyncadd.s32 $0xFFFFC000  }
0x40: {  	[hbm4b:s19+s3] =	stream.linear.scatter [tilespmem:s14], [sflag:$0x3], $0x4000, $0x38;
	[tilespmem:$0x8100] =	vst v63  }
0x41: {  	s20 =	sor.u32 s21, s20;
	_ =	swait.ge [sflag:s11], $0x4000  }
0x42: {  	s21 =	smov.u32 s24;
	s19 =	sadd.s32 $0x800, s19;
	[sflag:s11] =	ssyncset.done $0x0  }
0x43: {  	s21 =	sadd.s32 s5, s20;
	[sflag:s11] =	ssyncadd.s32 $0xFFFFC000  }
0x44: {  	[tilespmem:s3], [sflag:$0x3] =	stream.linear.gather [hbm4b:s21+s3], $0x80, $0x38;
	[tilespmem:$0x8100] =	vst v63  }
0x45: {  	_ =	swait.ge [sflag:s11], $0x80  }
0x46: {  	[sflag:s11] =	ssyncset.done $0x0  }
0x47: {  	s31 =	sadd.s32 s6, s20;
	[sflag:s11] =	ssyncadd.s32 $0xFFFFFF80  }
0x48: {  	[tilespmem:s12], [sflag:$0x3] =	stream.linear.gather [hbm4b:s31+s3], $0x80, $0x38;
	[tilespmem:$0x8100] =	vst v63  }
0x49: {  	_ =	swait.ge [sflag:s11], $0x80  }
0x4a: {  	[sflag:s11] =	ssyncset.done $0x0  }
0x4b: {  	[sflag:s11] =	ssyncadd.s32 $0xFFFFFF80  }
0x4c: {  	[tilespmem:s13], [sflag:$0x1] =	stream.indirect.gather [hbm4b:s1+s12], $0x80, s3, s12, $0xb8;
	[tilespmem:$0x8100] =	vst v63  }
0x4d: {  	_ = 	snop  }
0x4e: {  	[tilespmem:s14], [sflag:$0x2] =	stream.indirect.gather [hbm4b:s4+s12], $0x80, s12, s12, $0xb8;
	[tilespmem:$0x8100] =	vst v63  }
0x4f: {  	_ =	swait.ge [sflag:s15], $0x4000  }
0x50: {  	[sflag:s15] =	ssyncset.done $0x0  }
0x51: {  	[sflag:s15] =	ssyncadd.s32 $0xFFFFC000  }
0x52: {  	_ =	swait.ge [sflag:s16], $0x4000  }
0x53: {  	[sflag:s16] =	ssyncset.done $0x0  }
0x54: {  	[sflag:s16] =	ssyncadd.s32 $0xFFFFC000  }
0x55: {  	[hbm4b:s18+s3] =	stream.linear.scatter [tilespmem:s13], [sflag:$0x3], $0x4000, $0x38;
	[tilespmem:$0x8100] =	vst v63  }
0x56: {  	s17 =	sadd.s32 $0x1, s17;
	_ =	swait.ge [sflag:s11], $0x4000  }
0x57: {  	p0 =	sne.s32 s17, s7;
	[sflag:s11] =	ssyncset.done $0x0  }
.Ltmp1:
0x58: {  	[sflag:s11] =	ssyncadd.s32 $0xFFFFC000;
	(pc) =	sbr.rel @p0 .LBB2_1-.Ltmp1, $4  }
0x59: {  	[hbm4b:s19+s3] =	stream.linear.scatter [tilespmem:s14], [sflag:$0x3], $0x4000, $0x38;
	[tilespmem:$0x8100] =	vst v63  }
0x5a: {  	_ =	swait.ge [sflag:s11], $0x4000  }
0x5b: {  	[sflag:s11] =	ssyncset.done $0x0  }
0x5c: {  	[sflag:s11] =	ssyncadd.s32 $0xFFFFC000  }
0x5d: {  	_ =	sfence.sel $0x180000  }
0x5e: {  	[bflag:$0x0] =	sbarrier.arrive $0xFFFF  }
0x5f: {  	p0 =	sne.s32 s2, $0x0;
	_ =	strace $0x9000004D  }
0x60: {  	s0 =	sadd.s32 @!p0 $0x100000, s0;
	[bflag:$0x2] =	sbarrier.arrive $0xFFFF  }
0x61: {  	[sflag:s0] =	ssyncadd.tile.s32 @!p0 $0x1;
	_ =	shalt  }
.Lfunc_end2:
_tile_overlayer_lowered:
.L_overlay_start_2:
0x62: {  	(tag) =	ssettag $0x2  }
0x63: {  	s0 =	rddreg [dreg:$0x0];
	s2 =	stileid.u32  }
0x64: {  	s1 =	rddreg [dreg:$0x1];
	p0 =	sne.s32 s2, $0x0  }
0x65: {  	s3 =	rddreg [dreg:$0x2];
	[bflag:$0x3] =	sbarrier.arrive $0xFFFF;
	s2 =	simm.s32 @!p0 $0x1C03  }
0x66: {  	[timem:s3], [sflag:s2] =	dma.local @!p0 [hbm:s0], s1  }
0x67: {  	s0 =	simm.s32 @!p0 $0x3  }
0x68: {  	_ =	swait.ge @!p0 [sflag:s0], s1  }
0x69: {  	s1 =	ssub.s32 @!p0 $0x0, s1;
	[sflag:s0] =	ssyncset.done @!p0 $0x0  }
0x6a: {  	[sflag:s0] =	ssyncadd.s32 @!p0 s1  }
0x6b: {  	[bflag:$0x3] =	sbarrier.arrive $0xFFFF  }
0x6c: {  	_ =	shalt  }

// kernel: kernel.27.cloned.1.call-start
scs
__scs_entry_jumppad:
0x0: {  	(pc) =	sbr.rel $0x88, $3  }
0x1: {  	(tag) =	ssettag $0x0;
	lr =	simm.s32 $0x1  }
0x2: {  	[smem:$0x3F68] =	sst lr;
	_ =	strace $0xD0000000  }
0x3: {  	_ = 	snop  }
0x4: {  	_ = 	snop  }
0x5: {  	_ = 	snop  }
0x6: {  	_ = 	snop  }
0x7: {  	_ = 	snop  }
__scs_overlays_trampoline_lowered:
0x8: {  	[smem:$0x3F77] =	sst s0  }
0x9: {  	[smem:$0x3F78] =	sst s1  }
0xa: {  	[smem:$0x3F79] =	sst s2  }
0xb: {  	[smem:$0x3F7A] =	sst s3  }
0xc: {  	[smem:$0x3F7B] =	sst s4  }
0xd: {  	[smem:$0x3F7C] =	sst s5  }
0xe: {  	[smem:$0x3F7D] =	sst s6  }
0xf: {  	[smem:$0x3F7E] =	sst s7  }
0x10: {  	[smem:$0x3F7F] =	sst s8  }
0x11: {  	[smem:$0x3F80] =	sst s9;
	s0 =	simm.s32 @!p0 $0x0  }
0x12: {  	s1 =	sld [smem:$0x3F66];
	s0 =	simm.s32 @p0 $0x1  }
0x13: {  	[smem:$0x3F81] =	sst s0;
	s0 =	simm.s32 @!p1 $0x0  }
0x14: {  	s2 =	sld [smem:$0x3F65];
	s0 =	simm.s32 @p1 $0x1  }
0x15: {  	[smem:$0x3F82] =	sst s0;
	s0 =	simm.s32 @!p2 $0x0  }
0x16: {  	s3 =	sld [smem:$0x3FDB];
	s0 =	simm.s32 @p2 $0x1  }
0x17: {  	s4 =	simm.s32 $0x1BF5;
	[smem:$0x3F84] =	sst s0  }
0x18: {  	s0 =	sld [smem:$0x3F67];
	_ =	swait.ge [sflag:s4], $0x0  }
0x19: {  	s7 =	sld [smem:$0x3F68]  }
0x1a: {  	s8 =	sadd.s32 $0xFFFFE003, lr  }
0x1b: {  	s9 =	sadd.s32 $0xFFFFFEF7, lr;
	s5 =	simm.s32 $0xFFFFFFFF;
	p2 =	slt.u32 s8, $0xFFFFF086  }
0x1c: {  	p1 =	slt.u32 s9, $0xF7A;
	s5 =	simm.s32 @!p2 $0x0  }
0x1d: {  	s5 =	simm.s32 @p1 $0x1;
	p0 =	seq.s32 s7, s2  }
0x1e: {  	s7 =	smul.u32 @!p0 $0xF7A, s2;
	p2 =	seq.s32 @!p0 s5, $0x0  }
0x1f: {  	s9 =	smul.u32 $0xF7A, s1;
	s8 =	simm.s32 @!p0 $0x1BF5;
	p2 =	por !p2, p0  }
0x20: {  	[sflag:s8] =	ssyncset.s32 @!p0 $0xFFFFF086;
	s6 =	sadd.s32 @!p0 s3, s7;
	s7 =	simm.s32 @!p0 $0x108  }
0x21: {  	s3 =	sadd.s32 s3, s9;
	s6 =	sadd.s32 @!p0 $0x88, s6;
	s7 =	simm.s32 @p2 $0x1082  }
0x22: {  	[simem:s7], [sflag:s8] =	dma.local @!p0 [hbm:s6], $0xF7A  }
0x23: {  	s9 =	sor.u32 $0xD0000000, s2;
	s6 =	simm.s32 $0x108;
	_ =	swait.ge @!p0 [sflag:s8], $0x0  }
0x24: {  	s3 =	sadd.s32 $0x88, s3;
	s6 =	simm.s32 @!p1 $0x1082;
	[sflag:s4] =	ssyncset.s32 $0xFFFFF086  }
0x25: {  	[simem:s6], [sflag:s4] =	dma.local [hbm:s3], $0xF7A  }
0x26: {  	[smem:$0x3F68] =	sst s1;
	(tag) =	ssettag s2;
	_ =	strace s9  }
0x27: {  	s1 =	sld [smem:$0x3F78]  }
0x28: {  	s2 =	sld [smem:$0x3F79]  }
0x29: {  	s4 =	sld [smem:$0x3F7B]  }
0x2a: {  	p0 =	seq.s32 s5, $0x0;
	s5 =	sld [smem:$0x3F7C]  }
0x2b: {  	s6 =	sld [smem:$0x3F7D]  }
0x2c: {  	s7 =	sld [smem:$0x3F7E]  }
0x2d: {  	s3 =	simm.s32 $0x108;
	s8 =	sld [smem:$0x3F7F]  }
0x2e: {  	s3 =	simm.s32 @!p0 $0x1082;
	s9 =	sld [smem:$0x3F80]  }
0x2f: {  	lr =	sadd.s32 s0, s3;
	s0 =	sld [smem:$0x3F77]  }
0x30: {  	s3 =	sld [smem:$0x3F7A]  }
0x31: {  	[smem:$0x3F83] =	sst s10  }
0x32: {  	s10 =	sld [smem:$0x3F81];
	_ =	sdelay $0x3  }
0x33: {  	p0 =	seq.s32 s10, $0x1;
	s10 =	sld [smem:$0x3F83];
	_ =	sdelay $0x3  }
0x34: {  	[smem:$0x3F83] =	sst s10  }
0x35: {  	s10 =	sld [smem:$0x3F82];
	_ =	sdelay $0x3  }
0x36: {  	p1 =	seq.s32 s10, $0x1;
	s10 =	sld [smem:$0x3F83];
	_ =	sdelay $0x3  }
0x37: {  	[smem:$0x3F83] =	sst s10  }
0x38: {  	s10 =	sld [smem:$0x3F84]  }
0x39: {  	_ = 	snop;
	(pc) =	sbr.ind lr, $3  }
0x3a: {  	_ = 	snop  }
0x3b: {  	_ = 	snop  }
0x3c: {  	p2 =	seq.s32 s10, $0x1;
	s10 =	sld [smem:$0x3F83]  }
0x3d: {  	_ =	shalt  }
0x3e: {  	_ =	shalt  }
0x3f: {  	_ =	shalt  }
0x40: {  	_ =	shalt  }
0x41: {  	_ =	shalt  }
0x42: {  	_ =	shalt  }
0x43: {  	_ =	shalt  }
0x44: {  	_ =	shalt  }
0x45: {  	_ =	shalt  }
0x46: {  	_ =	shalt  }
0x47: {  	_ =	shalt  }
0x48: {  	_ =	shalt  }
0x49: {  	_ =	shalt  }
0x4a: {  	_ =	shalt  }
0x4b: {  	_ =	shalt  }
0x4c: {  	_ =	shalt  }
0x4d: {  	_ =	shalt  }
0x4e: {  	_ =	shalt  }
0x4f: {  	_ =	shalt  }
0x50: {  	_ =	shalt  }
0x51: {  	_ =	shalt  }
0x52: {  	_ =	shalt  }
0x53: {  	_ =	shalt  }
0x54: {  	_ =	shalt  }
0x55: {  	_ =	shalt  }
0x56: {  	_ =	shalt  }
0x57: {  	_ =	shalt  }
0x58: {  	_ =	shalt  }
0x59: {  	_ =	shalt  }
0x5a: {  	_ =	shalt  }
0x5b: {  	_ =	shalt  }
0x5c: {  	_ =	shalt  }
0x5d: {  	_ =	shalt  }
0x5e: {  	_ =	shalt  }
0x5f: {  	_ =	shalt  }
0x60: {  	_ =	shalt  }
0x61: {  	_ =	shalt  }
0x62: {  	_ =	shalt  }
0x63: {  	_ =	shalt  }
0x64: {  	_ =	shalt  }
0x65: {  	_ =	shalt  }
0x66: {  	_ =	shalt  }
0x67: {  	_ =	shalt  }
0x68: {  	_ =	shalt  }
0x69: {  	_ =	shalt  }
0x6a: {  	_ =	shalt  }
0x6b: {  	_ =	shalt  }
0x6c: {  	_ =	shalt  }
0x6d: {  	_ =	shalt  }
0x6e: {  	_ =	shalt  }
0x6f: {  	_ =	shalt  }
0x70: {  	_ =	shalt  }
0x71: {  	_ =	shalt  }
0x72: {  	_ =	shalt  }
0x73: {  	_ =	shalt  }
0x74: {  	_ =	shalt  }
0x75: {  	_ =	shalt  }
0x76: {  	_ =	shalt  }
0x77: {  	_ =	shalt  }
0x78: {  	_ =	shalt  }
0x79: {  	_ =	shalt  }
0x7a: {  	_ =	shalt  }
0x7b: {  	_ =	shalt  }
0x7c: {  	_ =	shalt  }
0x7d: {  	_ =	shalt  }
0x7e: {  	_ =	shalt  }
0x7f: {  	_ =	shalt  }
0x80: {  	_ =	shalt  }
0x81: {  	_ =	shalt  }
0x82: {  	_ =	shalt  }
0x83: {  	_ =	shalt  }
0x84: {  	_ =	shalt  }
0x85: {  	_ =	shalt  }
0x86: {  	_ =	shalt  }
0x87: {  	_ =	shalt  }
.Lfunc_end0:
.L_simem_size_0:
called_computation.3_lowered:
.L_overlay_start_0:
0x88: {  	s2 =	sld [smem:$0x3FD9]  }
0x89: {  	s3 =	sld [smem:$0x3FFE];
	_ =	sdelay $0x1  }
0x8a: {  	s1 =	srdreg.scid  }
0x8b: {  	s0 =	sand.u32 $0x1, s1  }
0x8c: {  	s17 =	sshll.u32 s0, $0xA;
	s2 =	sadd.s32 s3, s2  }
0x8d: {  	s2 =	sadd.s32 s2, s17  }
0x8e: {  	[smem:$0x3F8F] =	sst s2  }
0x8f: {  	_ = 	snop  }
0x90: {  	s2 =	sld [smem:$0x3FD0];
	(tm) =	ssettm $0x1  }
0x91: {  	s18 =	sld [smem:$0x3FFB];
	_ =	sdelay $0x3  }
0x92: {  	_ =	strace s18  }
0x93: {  	s3 =	sld [smem:$0x3FFC];
	_ =	sdelay $0x3  }
0x94: {  	_ =	strace s3  }
0x95: {  	s3 =	sld [smem:$0x3FFD];
	_ =	sdelay $0x3  }
0x96: {  	_ =	strace s3  }
0x97: {  	_ =	strace $0x8FFFFFFF  }
0x98: {  	s19 =	sld [smem:$0x3FDB];
	_ =	sdelay $0x1  }
0x99: {  	s4 =	simm.s32 $_scs_section_size  }
0x9a: {  	s5 =	simm.s32 $_size__tile_overlayer_lowered;
	s6 =	simm.s32 $_tile_overlayer_lowered  }
0x9b: {  	s22 =	simm.s32 $0x1BFF;
	s21 =	sshll.u32 s6, $0x1;
	s3 =	sadd.s32 s4, s19  }
0x9c: {  	s7 =	simm.s32 $0x0;
	s20 =	sshll.u32 s5, $0x1;
	s5 =	sadd.s32 s21, s3  }
0x9d: {  	[timem:s7], [sflag:s22] =	dma.local [hbm:s5], s20  }
0x9e: {  	_ =	swait.ge [sflag:s22], s20  }
0x9f: {  	s4 =	ssub.s32 $0x0, s20;
	[sflag:s22] =	ssyncset.done $0x0  }
0xa0: {  	[sflag:s22] =	ssyncadd.s32 s4;
	_ =	sdelay $0x1  }
0xa1: {  	s23 =	simm.s32 $0x1B8B  }
0xa2: {  	_ =	swait.ge [sflag:s23], $0x1  }
0xa3: {  	[sflag:s23] =	ssyncset.done $0x0  }
0xa4: {  	s25 =	simm.s32 $0x1B8E;
	s24 =	sld [smem:$0x3FFE];
	[sflag:s23] =	ssyncadd.s32 $0xFFFFFFFF  }
0xa5: {  	s26 =	simm.s32 $execute0_lowered;
	[smem:$0x3FD2] =	sst s25  }
0xa6: {  	s5 =	sshll.u32 s26, $0x1;
	_ =	strace $0x8000004F;
	[dreg:$0x1] =	wrdreg $0xFFFFFFFF  }
0xa7: {  	s28 =	simm.s32 $_size_execute0_lowered;
	s3 =	sadd.s32 s3, s5;
	[dreg:$0x0] =	wrdreg $0x0  }
0xa8: {  	s5 =	sshll.u32 s28, $0x1;
	[dreg:$0x2] =	wrdreg s3  }
0xa9: {  	[dreg:$0x3] =	wrdreg s5  }
0xaa: {  	[dreg:$0x4] =	wrdreg $0xC0  }
0xab: {  	_ =	task [dreg:s7], $0x5FFFF  }
0xac: {  	[dreg:$0x1] =	wrdreg $0xFFFFFFFF  }
0xad: {  	[dreg:$0x0] =	wrdreg $0x60  }
0xae: {  	[dreg:$0x2] =	wrdreg s24  }
0xaf: {  	[dreg:$0x3] =	wrdreg s2  }
0xb0: {  	[dreg:$0x4] =	wrdreg $0x40800  }
0xb1: {  	[dreg:$0x5] =	wrdreg $0x9  }
0xb2: {  	_ =	task.clear_ibuf [dreg:s7], $0x6FFFF;
	_ =	strace $0x9000004F  }
0xb3: {  	s29 =	simm.s32 $0x9;
	_ =	strace $0x80000051  }
0xb4: {  	_ =	swait.ge [sflag:s29], $0x1  }
0xb5: {  	[sflag:s29] =	ssyncadd.s32 $0xFFFFFFFF  }
0xb6: {  	_ =	strace $0x90000051  }
0xb7: {  	_ =	sfence  }
0xb8: {  	s30 =	sld [smem:$0x0];
	_ =	sdelay $0x2  }
0xb9: {  	s31 =	sshll.u32 s1, $0xD;
	s1 =	sshrl.u32 s1, $0x2  }
0xba: {  	s3 =	sand.u32 $0x4000, s31;
	s1 =	sadd.s32 s1, s30  }
0xbb: {  	s0 =	sor.u32 s3, s0;
	s1 =	sshll.u32 s1, $0x11  }
0xbc: {  	s0 =	sor.u32 s1, s0  }
0xbd: {  	s0 =	sadd.s32 $0x8F2B, s0  }
0xbe: {  	[sflag:s0] =	ssyncadd.remote.s32 $0x1  }
0xbf: {  	_ =	sfence.sel $0xFFFF  }
0xc0: {  	[dreg:$0x0] =	wrdreg $0xFFFFFFFF;
	(pc) =	sbr.abs _section_cstart, $3  }
0xc1: {  	[dreg:$0x1] =	wrdreg $0xFFFFFFFF  }
0xc2: {  	_ =	task.clear_ibuf [dreg:s7], $0x2FFFF;
	_ =	strace $0x9FFFFFFF  }
0xc3: {  	(tm) =	ssettm $0x7FFFFFFF  }
tec
execute0_lowered:
.L_overlay_start_1:
0x0: {  	(tag) =	ssettag $0x1  }
0x1: {  	s1 =	stileid.u32  }
0x2: {  	s5 =	rddreg [dreg:$0x0];
	s4 =	smul.u32 $0xA0000, s1  }
0x3: {  	s7 =	rddreg [dreg:$0x1];
	s6 =	smul.u32 $0x14000, s1  }
0x4: {  	s8 =	srdreg.scid;
	s12 =	smul.u32 $0x50000, s1  }
0x5: {  	s2 =	rddreg [dreg:$0x2];
	s8 =	sand.u32 $0x1, s8;
	s15 =	smul.u32 $0x1400, s1  }
0x6: {  	s0 =	rddreg [dreg:$0x3];
	s3 =	simm.s32 $0x0;
	s30 =	smul.u32 $0x140000, s8  }
0x7: {  	[smem:$0x7FF] =	sst s3;
	s14 =	sshll.u32 s1, $0x6;
	s13 =	smul.u32 $0x50000, s8  }
0x8: {  	_ =	strace $0x80000050;
	s11 =	ssub.s32 $0x2, s8;
	s31 =	smul.u32 $0xA00, s8  }
0x9: {  	s9 =	sadd.s32 s4, s5;
	s10 =	sshrl.u32 s6, $0x3;
	s4 =	sadd.s32 $0x20800, s5  }
0xa: {  	s28 =	sshrl.u32 s11, $0x1;
	s29 =	sshrl.u32 s12, $0x2;
	s5 =	sadd.s32 s10, s5  }
0xb: {  	s10 =	ssub.s32 s11, s28;
	s11 =	sadd.s32 s29, s2;
	s12 =	sadd.s32 s6, s30  }
0xc: {  	s6 =	sor.u32 $0x1C01, s14;
	s9 =	sadd.s32 s13, s9;
	s13 =	simm.s32 $0x80  }
0xd: {  	s14 =	simm.s32 $0x0;
	s5 =	sadd.s32 $0x34800, s5;
	s12 =	sshrl.u32 s12, $0x3  }
0xe: {  	s8 =	smax.u32 s10, $0x1;
	s9 =	sadd.s32 $0x2884E00, s9;
	s10 =	sadd.s32 s31, s15  }
0xf: {  	s11 =	sshrl.u32 s11, $0x3;
	s7 =	sadd.s32 s7, s12;
	s12 =	simm.s32 $0x1  }
.LBB2_1:
0x10: {  	[spmem:s11], [sflag:s6] =	dma.local [hbm:s5], $0x2800  }
0x11: {  	_ =	swait.ge [sflag:s12], $0x2800  }
0x12: {  	s15 =	sadd.s32 $0x0, s10;
	s16 =	sand.u32 $0x70, s3;
	[sflag:s12] =	ssyncset.done $0x0  }
0x13: {  	s15 =	sand.u32 $0xFFFFF80, s15;
	s16 =	sadd.s32 s4, s16;
	[sflag:s12] =	ssyncadd.s32 $0xFFFFD800  }
0x14: {  	s15 =	sadd.s32 s15, s16;
	[bflag:$0x0] =	sbarrier.arrive $0xFFFF  }
0x15: {  	[tilespmem:s3], [sflag:$0x1] =	stream.linear.gather [hbm4b:s15+s3], $0x80, $0x38;
	[tilespmem:$0x18080] =	vst v63  }
0x16: {  	_ =	swait.ge [sflag:s12], $0x80  }
0x17: {  	[sflag:s12] =	ssyncset.done $0x0  }
0x18: {  	[sflag:s12] =	ssyncadd.s32 $0xFFFFFF80  }
0x19: {  	[tilespmem:s13], [sflag:$0x1] =	stream.linear.gather [hbm4b:s9+s3], $0x4000, $0x38;
	[tilespmem:$0x18080] =	vst v63  }
0x1a: {  	_ =	swait.ge [sflag:s12], $0x4000  }
0x1b: {  	s17 =	simm.s32 $0x10;
	[sflag:s12] =	ssyncset.done $0x0  }
0x1c: {  	s18 =	sadd.s32 $0x10, s10;
	s19 =	sand.u32 $0x70, s17;
	[sflag:s12] =	ssyncadd.s32 $0xFFFFC000  }
0x1d: {  	[spmem:s2] =	stream.indirect.scatter.add.f32 [tilespmem:s13], [sflag:$0x1], $0x80, s3, s13, $0xb8;
	[tilespmem:$0x18080] =	vst v63  }
0x1e: {  	s17 =	sand.u32 $0xFFFFF80, s18;
	s16 =	simm.s32 $0x20;
	_ =	swait.ge [sflag:s12], $0x4000  }
0x1f: {  	s18 =	sadd.s32 s4, s19;
	s15 =	sadd.s32 $0x800, s9;
	[sflag:s12] =	ssyncset.done $0x0  }
.LBB2_2:
0x20: {  	s17 =	sadd.s32 s17, s18  }
0x21: {  	[sflag:s12] =	ssyncadd.s32 $0xFFFFC000;
	s18 =	smov.u32 s16;
	s19 =	sadd.s32 $0x10, s16  }
0x22: {  	[tilespmem:s3], [sflag:$0x1] =	stream.linear.gather [hbm4b:s17+s3], $0x80, $0x38;
	[tilespmem:$0x18080] =	vst v63  }
0x23: {  	p0 =	sne.s32 s16, $0x9F0;
	_ =	swait.ge [sflag:s12], $0x80  }
0x24: {  	[sflag:s12] =	ssyncset.done $0x0  }
0x25: {  	[sflag:s12] =	ssyncadd.s32 $0xFFFFFF80  }
0x26: {  	[tilespmem:s13], [sflag:$0x1] =	stream.linear.gather [hbm4b:s15+s3], $0x4000, $0x38;
	[tilespmem:$0x18080] =	vst v63  }
0x27: {  	_ =	swait.ge [sflag:s12], $0x4000  }
.Ltmp0:
0x28: {  	[sflag:s12] =	ssyncset.done $0x0;
	(pc) =	sbr.rel @p0 .LBB2_2-.Ltmp0, $4  }
0x29: {  	s16 =	sadd.s32 s18, s10;
	s15 =	sadd.s32 $0x800, s15;
	[sflag:s12] =	ssyncadd.s32 $0xFFFFC000  }
0x2a: {  	[spmem:s2] =	stream.indirect.scatter.add.f32 [tilespmem:s13], [sflag:$0x1], $0x80, s3, s13, $0xb8;
	[tilespmem:$0x18080] =	vst v63  }
0x2b: {  	s18 =	sand.u32 $0x70, s18;
	s17 =	sand.u32 $0xFFFFF80, s16;
	_ =	swait.ge [sflag:s12], $0x4000  }
0x2c: {  	s18 =	sadd.s32 s4, s18;
	s16 =	smov.u32 s19;
	[sflag:s12] =	ssyncset.done $0x0  }
0x2d: {  	s16 =	sadd.s32 s17, s18;
	[sflag:s12] =	ssyncadd.s32 $0xFFFFC000  }
0x2e: {  	[tilespmem:s3], [sflag:$0x1] =	stream.linear.gather [hbm4b:s16+s3], $0x80, $0x38;
	[tilespmem:$0x18080] =	vst v63  }
0x2f: {  	_ =	swait.ge [sflag:s12], $0x80  }
0x30: {  	[sflag:s12] =	ssyncset.done $0x0  }
0x31: {  	[sflag:s12] =	ssyncadd.s32 $0xFFFFFF80  }
0x32: {  	[tilespmem:s13], [sflag:$0x1] =	stream.linear.gather [hbm4b:s15+s3], $0x4000, $0x38;
	[tilespmem:$0x18080] =	vst v63  }
0x33: {  	_ =	swait.ge [sflag:s12], $0x4000  }
0x34: {  	[sflag:s12] =	ssyncset.done $0x0  }
0x35: {  	[sflag:s12] =	ssyncadd.s32 $0xFFFFC000  }
0x36: {  	[spmem:s2] =	stream.indirect.scatter.add.f32 [tilespmem:s13], [sflag:$0x1], $0x80, s3, s13, $0xb8;
	[tilespmem:$0x18080] =	vst v63  }
0x37: {  	_ =	swait.ge [sflag:s12], $0x4000  }
0x38: {  	s14 =	sadd.s32 $0x1, s14;
	[sflag:s12] =	ssyncset.done $0x0  }
0x39: {  	p0 =	sne.s32 s14, s8;
	[sflag:s12] =	ssyncadd.s32 $0xFFFFC000  }
.Ltmp1:
0x3a: {  	[bflag:$0x0] =	sbarrier.arrive $0xFFFF;
	(pc) =	sbr.rel @p0 .LBB2_1-.Ltmp1, $4  }
0x3b: {  	[hbm:s7], [sflag:s6] =	dma.local [spmem:s11], $0x2800  }
0x3c: {  	_ =	swait.ge [sflag:s12], $0x2800  }
0x3d: {  	[sflag:s12] =	ssyncset.done $0x0  }
0x3e: {  	[sflag:s12] =	ssyncadd.s32 $0xFFFFD800  }
0x3f: {  	_ =	sfence.sel $0x180000  }
0x40: {  	[bflag:$0x0] =	sbarrier.arrive $0xFFFF  }
0x41: {  	p0 =	sne.s32 s1, $0x0;
	_ =	strace $0x90000050  }
0x42: {  	s0 =	sadd.s32 @!p0 $0x100000, s0;
	[bflag:$0x2] =	sbarrier.arrive $0xFFFF  }
0x43: {  	[sflag:s0] =	ssyncadd.tile.s32 @!p0 $0x1;
	_ =	shalt  }
.Lfunc_end2:
_tile_overlayer_lowered:
.L_overlay_start_2:
0x44: {  	(tag) =	ssettag $0x2  }
0x45: {  	s0 =	rddreg [dreg:$0x0];
	s2 =	stileid.u32  }
0x46: {  	s1 =	rddreg [dreg:$0x1];
	p0 =	sne.s32 s2, $0x0  }
0x47: {  	s3 =	rddreg [dreg:$0x2];
	[bflag:$0x3] =	sbarrier.arrive $0xFFFF;
	s2 =	simm.s32 @!p0 $0x1C01  }
0x48: {  	[timem:s3], [sflag:s2] =	dma.local @!p0 [hbm:s0], s1  }
0x49: {  	s0 =	simm.s32 @!p0 $0x1  }
0x4a: {  	_ =	swait.ge @!p0 [sflag:s0], s1  }
0x4b: {  	s1 =	ssub.s32 @!p0 $0x0, s1;
	[sflag:s0] =	ssyncset.done @!p0 $0x0  }
0x4c: {  	[sflag:s0] =	ssyncadd.s32 @!p0 s1  }
0x4d: {  	[bflag:$0x3] =	sbarrier.arrive $0xFFFF  }
0x4e: {  	_ =	shalt  }

// kernel: kernel.30.cloned.1.call-start
scs
__scs_entry_jumppad:
0x0: {  	(pc) =	sbr.rel $0x88, $3  }
0x1: {  	(tag) =	ssettag $0x0;
	lr =	simm.s32 $0x1  }
0x2: {  	[smem:$0x3F68] =	sst lr;
	_ =	strace $0xD0000000  }
0x3: {  	_ = 	snop  }
0x4: {  	_ = 	snop  }
0x5: {  	_ = 	snop  }
0x6: {  	_ = 	snop  }
0x7: {  	_ = 	snop  }
__scs_overlays_trampoline_lowered:
0x8: {  	[smem:$0x3F77] =	sst s0  }
0x9: {  	[smem:$0x3F78] =	sst s1  }
0xa: {  	[smem:$0x3F79] =	sst s2  }
0xb: {  	[smem:$0x3F7A] =	sst s3  }
0xc: {  	[smem:$0x3F7B] =	sst s4  }
0xd: {  	[smem:$0x3F7C] =	sst s5  }
0xe: {  	[smem:$0x3F7D] =	sst s6  }
0xf: {  	[smem:$0x3F7E] =	sst s7  }
0x10: {  	[smem:$0x3F7F] =	sst s8  }
0x11: {  	[smem:$0x3F80] =	sst s9;
	s0 =	simm.s32 @!p0 $0x0  }
0x12: {  	s1 =	sld [smem:$0x3F66];
	s0 =	simm.s32 @p0 $0x1  }
0x13: {  	[smem:$0x3F81] =	sst s0;
	s0 =	simm.s32 @!p1 $0x0  }
0x14: {  	s2 =	sld [smem:$0x3F65];
	s0 =	simm.s32 @p1 $0x1  }
0x15: {  	[smem:$0x3F82] =	sst s0;
	s0 =	simm.s32 @!p2 $0x0  }
0x16: {  	s3 =	sld [smem:$0x3FDB];
	s0 =	simm.s32 @p2 $0x1  }
0x17: {  	s4 =	simm.s32 $0x1BF5;
	[smem:$0x3F84] =	sst s0  }
0x18: {  	s0 =	sld [smem:$0x3F67];
	_ =	swait.ge [sflag:s4], $0x0  }
0x19: {  	s7 =	sld [smem:$0x3F68]  }
0x1a: {  	s8 =	sadd.s32 $0xFFFFE003, lr  }
0x1b: {  	s9 =	sadd.s32 $0xFFFFFEF7, lr;
	s5 =	simm.s32 $0xFFFFFFFF;
	p2 =	slt.u32 s8, $0xFFFFF086  }
0x1c: {  	p1 =	slt.u32 s9, $0xF7A;
	s5 =	simm.s32 @!p2 $0x0  }
0x1d: {  	s5 =	simm.s32 @p1 $0x1;
	p0 =	seq.s32 s7, s2  }
0x1e: {  	s7 =	smul.u32 @!p0 $0xF7A, s2;
	p2 =	seq.s32 @!p0 s5, $0x0  }
0x1f: {  	s9 =	smul.u32 $0xF7A, s1;
	s8 =	simm.s32 @!p0 $0x1BF5;
	p2 =	por !p2, p0  }
0x20: {  	[sflag:s8] =	ssyncset.s32 @!p0 $0xFFFFF086;
	s6 =	sadd.s32 @!p0 s3, s7;
	s7 =	simm.s32 @!p0 $0x108  }
0x21: {  	s3 =	sadd.s32 s3, s9;
	s6 =	sadd.s32 @!p0 $0x88, s6;
	s7 =	simm.s32 @p2 $0x1082  }
0x22: {  	[simem:s7], [sflag:s8] =	dma.local @!p0 [hbm:s6], $0xF7A  }
0x23: {  	s9 =	sor.u32 $0xD0000000, s2;
	s6 =	simm.s32 $0x108;
	_ =	swait.ge @!p0 [sflag:s8], $0x0  }
0x24: {  	s3 =	sadd.s32 $0x88, s3;
	s6 =	simm.s32 @!p1 $0x1082;
	[sflag:s4] =	ssyncset.s32 $0xFFFFF086  }
0x25: {  	[simem:s6], [sflag:s4] =	dma.local [hbm:s3], $0xF7A  }
0x26: {  	[smem:$0x3F68] =	sst s1;
	(tag) =	ssettag s2;
	_ =	strace s9  }
0x27: {  	s1 =	sld [smem:$0x3F78]  }
0x28: {  	s2 =	sld [smem:$0x3F79]  }
0x29: {  	s4 =	sld [smem:$0x3F7B]  }
0x2a: {  	p0 =	seq.s32 s5, $0x0;
	s5 =	sld [smem:$0x3F7C]  }
0x2b: {  	s6 =	sld [smem:$0x3F7D]  }
0x2c: {  	s7 =	sld [smem:$0x3F7E]  }
0x2d: {  	s3 =	simm.s32 $0x108;
	s8 =	sld [smem:$0x3F7F]  }
0x2e: {  	s3 =	simm.s32 @!p0 $0x1082;
	s9 =	sld [smem:$0x3F80]  }
0x2f: {  	lr =	sadd.s32 s0, s3;
	s0 =	sld [smem:$0x3F77]  }
0x30: {  	s3 =	sld [smem:$0x3F7A]  }
0x31: {  	[smem:$0x3F83] =	sst s10  }
0x32: {  	s10 =	sld [smem:$0x3F81];
	_ =	sdelay $0x3  }
0x33: {  	p0 =	seq.s32 s10, $0x1;
	s10 =	sld [smem:$0x3F83];
	_ =	sdelay $0x3  }
0x34: {  	[smem:$0x3F83] =	sst s10  }
0x35: {  	s10 =	sld [smem:$0x3F82];
	_ =	sdelay $0x3  }
0x36: {  	p1 =	seq.s32 s10, $0x1;
	s10 =	sld [smem:$0x3F83];
	_ =	sdelay $0x3  }
0x37: {  	[smem:$0x3F83] =	sst s10  }
0x38: {  	s10 =	sld [smem:$0x3F84]  }
0x39: {  	_ = 	snop;
	(pc) =	sbr.ind lr, $3  }
0x3a: {  	_ = 	snop  }
0x3b: {  	_ = 	snop  }
0x3c: {  	p2 =	seq.s32 s10, $0x1;
	s10 =	sld [smem:$0x3F83]  }
0x3d: {  	_ =	shalt  }
0x3e: {  	_ =	shalt  }
0x3f: {  	_ =	shalt  }
0x40: {  	_ =	shalt  }
0x41: {  	_ =	shalt  }
0x42: {  	_ =	shalt  }
0x43: {  	_ =	shalt  }
0x44: {  	_ =	shalt  }
0x45: {  	_ =	shalt  }
0x46: {  	_ =	shalt  }
0x47: {  	_ =	shalt  }
0x48: {  	_ =	shalt  }
0x49: {  	_ =	shalt  }
0x4a: {  	_ =	shalt  }
0x4b: {  	_ =	shalt  }
0x4c: {  	_ =	shalt  }
0x4d: {  	_ =	shalt  }
0x4e: {  	_ =	shalt  }
0x4f: {  	_ =	shalt  }
0x50: {  	_ =	shalt  }
0x51: {  	_ =	shalt  }
0x52: {  	_ =	shalt  }
0x53: {  	_ =	shalt  }
0x54: {  	_ =	shalt  }
0x55: {  	_ =	shalt  }
0x56: {  	_ =	shalt  }
0x57: {  	_ =	shalt  }
0x58: {  	_ =	shalt  }
0x59: {  	_ =	shalt  }
0x5a: {  	_ =	shalt  }
0x5b: {  	_ =	shalt  }
0x5c: {  	_ =	shalt  }
0x5d: {  	_ =	shalt  }
0x5e: {  	_ =	shalt  }
0x5f: {  	_ =	shalt  }
0x60: {  	_ =	shalt  }
0x61: {  	_ =	shalt  }
0x62: {  	_ =	shalt  }
0x63: {  	_ =	shalt  }
0x64: {  	_ =	shalt  }
0x65: {  	_ =	shalt  }
0x66: {  	_ =	shalt  }
0x67: {  	_ =	shalt  }
0x68: {  	_ =	shalt  }
0x69: {  	_ =	shalt  }
0x6a: {  	_ =	shalt  }
0x6b: {  	_ =	shalt  }
0x6c: {  	_ =	shalt  }
0x6d: {  	_ =	shalt  }
0x6e: {  	_ =	shalt  }
0x6f: {  	_ =	shalt  }
0x70: {  	_ =	shalt  }
0x71: {  	_ =	shalt  }
0x72: {  	_ =	shalt  }
0x73: {  	_ =	shalt  }
0x74: {  	_ =	shalt  }
0x75: {  	_ =	shalt  }
0x76: {  	_ =	shalt  }
0x77: {  	_ =	shalt  }
0x78: {  	_ =	shalt  }
0x79: {  	_ =	shalt  }
0x7a: {  	_ =	shalt  }
0x7b: {  	_ =	shalt  }
0x7c: {  	_ =	shalt  }
0x7d: {  	_ =	shalt  }
0x7e: {  	_ =	shalt  }
0x7f: {  	_ =	shalt  }
0x80: {  	_ =	shalt  }
0x81: {  	_ =	shalt  }
0x82: {  	_ =	shalt  }
0x83: {  	_ =	shalt  }
0x84: {  	_ =	shalt  }
0x85: {  	_ =	shalt  }
0x86: {  	_ =	shalt  }
0x87: {  	_ =	shalt  }
.Lfunc_end0:
.L_simem_size_0:
called_computation.4_lowered:
.L_overlay_start_0:
0x88: {  	s2 =	sld [smem:$0x3FD9]  }
0x89: {  	s3 =	sld [smem:$0x3FFE];
	_ =	sdelay $0x1  }
0x8a: {  	s1 =	srdreg.scid  }
0x8b: {  	s0 =	sand.u32 $0x1, s1  }
0x8c: {  	s17 =	sshll.u32 s0, $0xA;
	s2 =	sadd.s32 s3, s2  }
0x8d: {  	s2 =	sadd.s32 s2, s17  }
0x8e: {  	[smem:$0x3F8F] =	sst s2  }
0x8f: {  	_ = 	snop  }
0x90: {  	s2 =	sld [smem:$0x3FD0];
	(tm) =	ssettm $0x1  }
0x91: {  	s18 =	sld [smem:$0x3FFB];
	_ =	sdelay $0x3  }
0x92: {  	_ =	strace s18  }
0x93: {  	s3 =	sld [smem:$0x3FFC];
	_ =	sdelay $0x3  }
0x94: {  	_ =	strace s3  }
0x95: {  	s3 =	sld [smem:$0x3FFD];
	_ =	sdelay $0x3  }
0x96: {  	_ =	strace s3  }
0x97: {  	_ =	strace $0x8FFFFFFF  }
0x98: {  	s19 =	sld [smem:$0x3FDB];
	_ =	sdelay $0x1  }
0x99: {  	s4 =	simm.s32 $_scs_section_size  }
0x9a: {  	s5 =	simm.s32 $_size__tile_overlayer_lowered;
	s6 =	simm.s32 $_tile_overlayer_lowered  }
0x9b: {  	s22 =	simm.s32 $0x1BFF;
	s21 =	sshll.u32 s6, $0x1;
	s3 =	sadd.s32 s4, s19  }
0x9c: {  	s7 =	simm.s32 $0x0;
	s20 =	sshll.u32 s5, $0x1;
	s5 =	sadd.s32 s21, s3  }
0x9d: {  	[timem:s7], [sflag:s22] =	dma.local [hbm:s5], s20  }
0x9e: {  	_ =	swait.ge [sflag:s22], s20  }
0x9f: {  	s4 =	ssub.s32 $0x0, s20;
	[sflag:s22] =	ssyncset.done $0x0  }
0xa0: {  	[sflag:s22] =	ssyncadd.s32 s4;
	_ =	sdelay $0x1  }
0xa1: {  	s23 =	simm.s32 $0x1B8B  }
0xa2: {  	_ =	swait.ge [sflag:s23], $0x1  }
0xa3: {  	[sflag:s23] =	ssyncset.done $0x0  }
0xa4: {  	s25 =	simm.s32 $0x1B8E;
	s24 =	sld [smem:$0x3FFE];
	[sflag:s23] =	ssyncadd.s32 $0xFFFFFFFF  }
0xa5: {  	s26 =	simm.s32 $execute0_lowered;
	[smem:$0x3FD2] =	sst s25  }
0xa6: {  	s5 =	sshll.u32 s26, $0x1;
	_ =	strace $0x80000052;
	[dreg:$0x1] =	wrdreg $0xFFFFFFFF  }
0xa7: {  	s28 =	simm.s32 $_size_execute0_lowered;
	s3 =	sadd.s32 s3, s5;
	[dreg:$0x0] =	wrdreg $0x0  }
0xa8: {  	s5 =	sshll.u32 s28, $0x1;
	[dreg:$0x2] =	wrdreg s3  }
0xa9: {  	[dreg:$0x3] =	wrdreg s5  }
0xaa: {  	[dreg:$0x4] =	wrdreg $0xC0  }
0xab: {  	_ =	task [dreg:s7], $0x5FFFF  }
0xac: {  	[dreg:$0x1] =	wrdreg $0xFFFFFFFF  }
0xad: {  	[dreg:$0x0] =	wrdreg $0x60  }
0xae: {  	[dreg:$0x2] =	wrdreg s2  }
0xaf: {  	[dreg:$0x3] =	wrdreg s24  }
0xb0: {  	[dreg:$0x4] =	wrdreg $0x9  }
0xb1: {  	_ =	task.clear_ibuf [dreg:s7], $0x5FFFF;
	_ =	strace $0x90000052  }
0xb2: {  	s29 =	simm.s32 $0x9;
	_ =	strace $0x80000054  }
0xb3: {  	_ =	swait.ge [sflag:s29], $0x1  }
0xb4: {  	[sflag:s29] =	ssyncadd.s32 $0xFFFFFFFF  }
0xb5: {  	_ =	strace $0x90000054  }
0xb6: {  	_ =	sfence  }
0xb7: {  	s30 =	sld [smem:$0x0];
	_ =	sdelay $0x2  }
0xb8: {  	s31 =	sshll.u32 s1, $0xD;
	s1 =	sshrl.u32 s1, $0x2  }
0xb9: {  	s3 =	sand.u32 $0x4000, s31;
	s1 =	sadd.s32 s1, s30  }
0xba: {  	s0 =	sor.u32 s3, s0;
	s1 =	sshll.u32 s1, $0x11  }
0xbb: {  	s0 =	sor.u32 s1, s0  }
0xbc: {  	s0 =	sadd.s32 $0x8F2B, s0  }
0xbd: {  	[sflag:s0] =	ssyncadd.remote.s32 $0x1  }
0xbe: {  	_ =	sfence.sel $0xFFFF  }
0xbf: {  	[dreg:$0x0] =	wrdreg $0xFFFFFFFF;
	(pc) =	sbr.abs _section_cstart, $3  }
0xc0: {  	[dreg:$0x1] =	wrdreg $0xFFFFFFFF  }
0xc1: {  	_ =	task.clear_ibuf [dreg:s7], $0x2FFFF;
	_ =	strace $0x9FFFFFFF  }
0xc2: {  	(tm) =	ssettm $0x7FFFFFFF  }
0xc3: {  	_ =	shalt  }
tec
execute0_lowered:
.L_overlay_start_1:
0x0: {  	(tag) =	ssettag $0x1  }
0x1: {  	s1 =	rddreg [dreg:$0x0]  }
0x2: {  	s6 =	rddreg [dreg:$0x1]  }
0x3: {  	s0 =	rddreg [dreg:$0x2];
	s3 =	simm.s32 $0x0;
	s2 =	stileid.u32  }
0x4: {  	s5 =	srdreg.scid;
	s13 =	simm.s32 $0x100;
	s14 =	simm.s32 $0x4100  }
0x5: {  	s15 =	simm.s32 $0x1;
	s16 =	simm.s32 $0x2;
	s17 =	simm.s32 $0x0  }
0x6: {  	[smem:$0x7FF] =	sst s3;
	s4 =	sadd.s32 $0x5C800, s6;
	s7 =	smul.u32 $0xA0000, s2  }
0x7: {  	s8 =	sand.u32 $0x1, s5;
	s5 =	sadd.s32 $0x20800, s6;
	s12 =	smul.u32 $0x1400, s2  }
0x8: {  	_ =	strace $0x80000053;
	s9 =	ssub.s32 $0x2, s8;
	s10 =	smul.u32 $0x50000, s8  }
0x9: {  	s31 =	smul.u32 $0xA00, s8;
	s7 =	sadd.s32 s7, s6;
	s11 =	sshrl.u32 s9, $0x1  }
0xa: {  	s6 =	sadd.s32 $0xC800, s6;
	s9 =	ssub.s32 s9, s11;
	s10 =	sadd.s32 s10, s7  }
0xb: {  	s11 =	simm.s32 $0x3;
	s7 =	smax.u32 s9, $0x1;
	s8 =	sadd.s32 $0x1E84E00, s10  }
0xc: {  	s9 =	sadd.s32 $0xAC800, s10;
	s10 =	sadd.s32 s31, s12;
	s12 =	simm.s32 $0x80  }
.LBB2_1:
0xd: {  	s18 =	sadd.s32 $0x0, s10  }
0xe: {  	s19 =	sand.u32 $0x70, s3;
	s18 =	sand.u32 $0xFFFFF80, s18  }
0xf: {  	s18 =	sor.u32 s19, s18  }
0x10: {  	s19 =	sadd.s32 s5, s18  }
0x11: {  	[tilespmem:s3], [sflag:$0x3] =	stream.linear.gather [hbm4b:s19+s3], $0x80, $0x38;
	[tilespmem:$0x8100] =	vst v63  }
0x12: {  	_ =	swait.ge [sflag:s11], $0x80  }
0x13: {  	[sflag:s11] =	ssyncset.done $0x0  }
0x14: {  	s18 =	sadd.s32 s6, s18;
	[sflag:s11] =	ssyncadd.s32 $0xFFFFFF80  }
0x15: {  	[tilespmem:s12], [sflag:$0x3] =	stream.linear.gather [hbm4b:s18+s3], $0x80, $0x38;
	[tilespmem:$0x8100] =	vst v63  }
0x16: {  	_ =	swait.ge [sflag:s11], $0x80  }
0x17: {  	[sflag:s11] =	ssyncset.done $0x0  }
0x18: {  	[sflag:s11] =	ssyncadd.s32 $0xFFFFFF80  }
0x19: {  	[tilespmem:s13], [sflag:$0x1] =	stream.indirect.gather [hbm4b:s1+s12], $0x80, s3, s12, $0xb8;
	[tilespmem:$0x8100] =	vst v63  }
0x1a: {  	_ = 	snop  }
0x1b: {  	[tilespmem:s14], [sflag:$0x2] =	stream.indirect.gather [hbm4b:s4+s12], $0x80, s12, s12, $0xb8;
	[tilespmem:$0x8100] =	vst v63  }
0x1c: {  	_ =	swait.ge [sflag:s15], $0x4000  }
0x1d: {  	[sflag:s15] =	ssyncset.done $0x0  }
0x1e: {  	[sflag:s15] =	ssyncadd.s32 $0xFFFFC000  }
0x1f: {  	_ =	swait.ge [sflag:s16], $0x4000  }
0x20: {  	[sflag:s16] =	ssyncset.done $0x0  }
0x21: {  	[sflag:s16] =	ssyncadd.s32 $0xFFFFC000  }
0x22: {  	[hbm4b:s9+s3] =	stream.linear.scatter [tilespmem:s13], [sflag:$0x3], $0x4000, $0x38;
	[tilespmem:$0x8100] =	vst v63  }
0x23: {  	_ =	swait.ge [sflag:s11], $0x4000  }
0x24: {  	s31 =	simm.s32 $0x10;
	s20 =	sadd.s32 $0x10, s10;
	[sflag:s11] =	ssyncset.done $0x0  }
0x25: {  	s20 =	sand.u32 $0xFFFFF80, s20;
	s19 =	sand.u32 $0x70, s31;
	[sflag:s11] =	ssyncadd.s32 $0xFFFFC000  }
0x26: {  	[hbm4b:s8+s3] =	stream.linear.scatter [tilespmem:s14], [sflag:$0x3], $0x4000, $0x38;
	[tilespmem:$0x8100] =	vst v63  }
0x27: {  	s21 =	simm.s32 $0x20;
	s20 =	sor.u32 s19, s20;
	_ =	swait.ge [sflag:s11], $0x4000  }
0x28: {  	s19 =	sadd.s32 $0x800, s8;
	s18 =	sadd.s32 $0x800, s9;
	[sflag:s11] =	ssyncset.done $0x0  }
.LBB2_2:
0x29: {  	s22 =	sadd.s32 s5, s20  }
0x2a: {  	[sflag:s11] =	ssyncadd.s32 $0xFFFFC000;
	s23 =	smov.u32 s21;
	s24 =	sadd.s32 $0x10, s21  }
0x2b: {  	[tilespmem:s3], [sflag:$0x3] =	stream.linear.gather [hbm4b:s22+s3], $0x80, $0x38;
	[tilespmem:$0x8100] =	vst v63  }
0x2c: {  	p0 =	sne.s32 s21, $0x9F0;
	_ =	swait.ge [sflag:s11], $0x80  }
0x2d: {  	[sflag:s11] =	ssyncset.done $0x0  }
0x2e: {  	s20 =	sadd.s32 s6, s20;
	[sflag:s11] =	ssyncadd.s32 $0xFFFFFF80  }
0x2f: {  	[tilespmem:s12], [sflag:$0x3] =	stream.linear.gather [hbm4b:s20+s3], $0x80, $0x38;
	[tilespmem:$0x8100] =	vst v63  }
0x30: {  	_ =	swait.ge [sflag:s11], $0x80  }
0x31: {  	[sflag:s11] =	ssyncset.done $0x0  }
0x32: {  	[sflag:s11] =	ssyncadd.s32 $0xFFFFFF80  }
0x33: {  	[tilespmem:s13], [sflag:$0x1] =	stream.indirect.gather [hbm4b:s1+s12], $0x80, s3, s12, $0xb8;
	[tilespmem:$0x8100] =	vst v63  }
0x34: {  	_ = 	snop  }
0x35: {  	[tilespmem:s14], [sflag:$0x2] =	stream.indirect.gather [hbm4b:s4+s12], $0x80, s12, s12, $0xb8;
	[tilespmem:$0x8100] =	vst v63  }
0x36: {  	_ =	swait.ge [sflag:s15], $0x4000  }
0x37: {  	[sflag:s15] =	ssyncset.done $0x0  }
0x38: {  	[sflag:s15] =	ssyncadd.s32 $0xFFFFC000  }
0x39: {  	_ =	swait.ge [sflag:s16], $0x4000  }
0x3a: {  	[sflag:s16] =	ssyncset.done $0x0  }
0x3b: {  	[sflag:s16] =	ssyncadd.s32 $0xFFFFC000  }
0x3c: {  	[hbm4b:s18+s3] =	stream.linear.scatter [tilespmem:s13], [sflag:$0x3], $0x4000, $0x38;
	[tilespmem:$0x8100] =	vst v63  }
0x3d: {  	s21 =	sand.u32 $0x70, s23;
	_ =	swait.ge [sflag:s11], $0x4000  }
.Ltmp0:
0x3e: {  	s20 =	sadd.s32 s23, s10;
	[sflag:s11] =	ssyncset.done $0x0;
	(pc) =	sbr.rel @p0 .LBB2_2-.Ltmp0, $4  }
0x3f: {  	s20 =	sand.u32 $0xFFFFF80, s20;
	s18 =	sadd.s32 $0x800, s18;
	[sflag:s11] =	ssyncadd.s32 $0xFFFFC000  }
0x40: {  	[hbm4b:s19+s3] =	stream.linear.scatter [tilespmem:s14], [sflag:$0x3], $0x4000, $0x38;
	[tilespmem:$0x8100] =	vst v63  }
0x41: {  	s20 =	sor.u32 s21, s20;
	_ =	swait.ge [sflag:s11], $0x4000  }
0x42: {  	s21 =	smov.u32 s24;
	s19 =	sadd.s32 $0x800, s19;
	[sflag:s11] =	ssyncset.done $0x0  }
0x43: {  	s21 =	sadd.s32 s5, s20;
	[sflag:s11] =	ssyncadd.s32 $0xFFFFC000  }
0x44: {  	[tilespmem:s3], [sflag:$0x3] =	stream.linear.gather [hbm4b:s21+s3], $0x80, $0x38;
	[tilespmem:$0x8100] =	vst v63  }
0x45: {  	_ =	swait.ge [sflag:s11], $0x80  }
0x46: {  	[sflag:s11] =	ssyncset.done $0x0  }
0x47: {  	s31 =	sadd.s32 s6, s20;
	[sflag:s11] =	ssyncadd.s32 $0xFFFFFF80  }
0x48: {  	[tilespmem:s12], [sflag:$0x3] =	stream.linear.gather [hbm4b:s31+s3], $0x80, $0x38;
	[tilespmem:$0x8100] =	vst v63  }
0x49: {  	_ =	swait.ge [sflag:s11], $0x80  }
0x4a: {  	[sflag:s11] =	ssyncset.done $0x0  }
0x4b: {  	[sflag:s11] =	ssyncadd.s32 $0xFFFFFF80  }
0x4c: {  	[tilespmem:s13], [sflag:$0x1] =	stream.indirect.gather [hbm4b:s1+s12], $0x80, s3, s12, $0xb8;
	[tilespmem:$0x8100] =	vst v63  }
0x4d: {  	_ = 	snop  }
0x4e: {  	[tilespmem:s14], [sflag:$0x2] =	stream.indirect.gather [hbm4b:s4+s12], $0x80, s12, s12, $0xb8;
	[tilespmem:$0x8100] =	vst v63  }
0x4f: {  	_ =	swait.ge [sflag:s15], $0x4000  }
0x50: {  	[sflag:s15] =	ssyncset.done $0x0  }
0x51: {  	[sflag:s15] =	ssyncadd.s32 $0xFFFFC000  }
0x52: {  	_ =	swait.ge [sflag:s16], $0x4000  }
0x53: {  	[sflag:s16] =	ssyncset.done $0x0  }
0x54: {  	[sflag:s16] =	ssyncadd.s32 $0xFFFFC000  }
0x55: {  	[hbm4b:s18+s3] =	stream.linear.scatter [tilespmem:s13], [sflag:$0x3], $0x4000, $0x38;
	[tilespmem:$0x8100] =	vst v63  }
0x56: {  	s17 =	sadd.s32 $0x1, s17;
	_ =	swait.ge [sflag:s11], $0x4000  }
0x57: {  	p0 =	sne.s32 s17, s7;
	[sflag:s11] =	ssyncset.done $0x0  }
.Ltmp1:
0x58: {  	[sflag:s11] =	ssyncadd.s32 $0xFFFFC000;
	(pc) =	sbr.rel @p0 .LBB2_1-.Ltmp1, $4  }
0x59: {  	[hbm4b:s19+s3] =	stream.linear.scatter [tilespmem:s14], [sflag:$0x3], $0x4000, $0x38;
	[tilespmem:$0x8100] =	vst v63  }
0x5a: {  	_ =	swait.ge [sflag:s11], $0x4000  }
0x5b: {  	[sflag:s11] =	ssyncset.done $0x0  }
0x5c: {  	[sflag:s11] =	ssyncadd.s32 $0xFFFFC000  }
0x5d: {  	_ =	sfence.sel $0x180000  }
0x5e: {  	[bflag:$0x0] =	sbarrier.arrive $0xFFFF  }
0x5f: {  	p0 =	sne.s32 s2, $0x0;
	_ =	strace $0x90000053  }
0x60: {  	s0 =	sadd.s32 @!p0 $0x100000, s0;
	[bflag:$0x2] =	sbarrier.arrive $0xFFFF  }
0x61: {  	[sflag:s0] =	ssyncadd.tile.s32 @!p0 $0x1;
	_ =	shalt  }
.Lfunc_end2:
_tile_overlayer_lowered:
.L_overlay_start_2:
0x62: {  	(tag) =	ssettag $0x2  }
0x63: {  	s0 =	rddreg [dreg:$0x0];
	s2 =	stileid.u32  }
0x64: {  	s1 =	rddreg [dreg:$0x1];
	p0 =	sne.s32 s2, $0x0  }
0x65: {  	s3 =	rddreg [dreg:$0x2];
	[bflag:$0x3] =	sbarrier.arrive $0xFFFF;
	s2 =	simm.s32 @!p0 $0x1C03  }
0x66: {  	[timem:s3], [sflag:s2] =	dma.local @!p0 [hbm:s0], s1  }
0x67: {  	s0 =	simm.s32 @!p0 $0x3  }
0x68: {  	_ =	swait.ge @!p0 [sflag:s0], s1  }
0x69: {  	s1 =	ssub.s32 @!p0 $0x0, s1;
	[sflag:s0] =	ssyncset.done @!p0 $0x0  }
0x6a: {  	[sflag:s0] =	ssyncadd.s32 @!p0 s1  }
0x6b: {  	[bflag:$0x3] =	sbarrier.arrive $0xFFFF  }
0x6c: {  	_ =	shalt  }

// kernel: kernel.33.cloned.1.call-start
scs
__scs_entry_jumppad:
0x0: {  	(pc) =	sbr.rel $0x88, $3  }
0x1: {  	(tag) =	ssettag $0x0;
	lr =	simm.s32 $0x1  }
0x2: {  	[smem:$0x3F68] =	sst lr;
	_ =	strace $0xD0000000  }
0x3: {  	_ = 	snop  }
0x4: {  	_ = 	snop  }
0x5: {  	_ = 	snop  }
0x6: {  	_ = 	snop  }
0x7: {  	_ = 	snop  }
__scs_overlays_trampoline_lowered:
0x8: {  	[smem:$0x3F77] =	sst s0  }
0x9: {  	[smem:$0x3F78] =	sst s1  }
0xa: {  	[smem:$0x3F79] =	sst s2  }
0xb: {  	[smem:$0x3F7A] =	sst s3  }
0xc: {  	[smem:$0x3F7B] =	sst s4  }
0xd: {  	[smem:$0x3F7C] =	sst s5  }
0xe: {  	[smem:$0x3F7D] =	sst s6  }
0xf: {  	[smem:$0x3F7E] =	sst s7  }
0x10: {  	[smem:$0x3F7F] =	sst s8  }
0x11: {  	[smem:$0x3F80] =	sst s9;
	s0 =	simm.s32 @!p0 $0x0  }
0x12: {  	s1 =	sld [smem:$0x3F66];
	s0 =	simm.s32 @p0 $0x1  }
0x13: {  	[smem:$0x3F81] =	sst s0;
	s0 =	simm.s32 @!p1 $0x0  }
0x14: {  	s2 =	sld [smem:$0x3F65];
	s0 =	simm.s32 @p1 $0x1  }
0x15: {  	[smem:$0x3F82] =	sst s0;
	s0 =	simm.s32 @!p2 $0x0  }
0x16: {  	s3 =	sld [smem:$0x3FDB];
	s0 =	simm.s32 @p2 $0x1  }
0x17: {  	s4 =	simm.s32 $0x1BF5;
	[smem:$0x3F84] =	sst s0  }
0x18: {  	s0 =	sld [smem:$0x3F67];
	_ =	swait.ge [sflag:s4], $0x0  }
0x19: {  	s7 =	sld [smem:$0x3F68]  }
0x1a: {  	s8 =	sadd.s32 $0xFFFFE003, lr  }
0x1b: {  	s9 =	sadd.s32 $0xFFFFFEF7, lr;
	s5 =	simm.s32 $0xFFFFFFFF;
	p2 =	slt.u32 s8, $0xFFFFF086  }
0x1c: {  	p1 =	slt.u32 s9, $0xF7A;
	s5 =	simm.s32 @!p2 $0x0  }
0x1d: {  	s5 =	simm.s32 @p1 $0x1;
	p0 =	seq.s32 s7, s2  }
0x1e: {  	s7 =	smul.u32 @!p0 $0xF7A, s2;
	p2 =	seq.s32 @!p0 s5, $0x0  }
0x1f: {  	s9 =	smul.u32 $0xF7A, s1;
	s8 =	simm.s32 @!p0 $0x1BF5;
	p2 =	por !p2, p0  }
0x20: {  	[sflag:s8] =	ssyncset.s32 @!p0 $0xFFFFF086;
	s6 =	sadd.s32 @!p0 s3, s7;
	s7 =	simm.s32 @!p0 $0x108  }
0x21: {  	s3 =	sadd.s32 s3, s9;
	s6 =	sadd.s32 @!p0 $0x88, s6;
	s7 =	simm.s32 @p2 $0x1082  }
0x22: {  	[simem:s7], [sflag:s8] =	dma.local @!p0 [hbm:s6], $0xF7A  }
0x23: {  	s9 =	sor.u32 $0xD0000000, s2;
	s6 =	simm.s32 $0x108;
	_ =	swait.ge @!p0 [sflag:s8], $0x0  }
0x24: {  	s3 =	sadd.s32 $0x88, s3;
	s6 =	simm.s32 @!p1 $0x1082;
	[sflag:s4] =	ssyncset.s32 $0xFFFFF086  }
0x25: {  	[simem:s6], [sflag:s4] =	dma.local [hbm:s3], $0xF7A  }
0x26: {  	[smem:$0x3F68] =	sst s1;
	(tag) =	ssettag s2;
	_ =	strace s9  }
0x27: {  	s1 =	sld [smem:$0x3F78]  }
0x28: {  	s2 =	sld [smem:$0x3F79]  }
0x29: {  	s4 =	sld [smem:$0x3F7B]  }
0x2a: {  	p0 =	seq.s32 s5, $0x0;
	s5 =	sld [smem:$0x3F7C]  }
0x2b: {  	s6 =	sld [smem:$0x3F7D]  }
0x2c: {  	s7 =	sld [smem:$0x3F7E]  }
0x2d: {  	s3 =	simm.s32 $0x108;
	s8 =	sld [smem:$0x3F7F]  }
0x2e: {  	s3 =	simm.s32 @!p0 $0x1082;
	s9 =	sld [smem:$0x3F80]  }
0x2f: {  	lr =	sadd.s32 s0, s3;
	s0 =	sld [smem:$0x3F77]  }
0x30: {  	s3 =	sld [smem:$0x3F7A]  }
0x31: {  	[smem:$0x3F83] =	sst s10  }
0x32: {  	s10 =	sld [smem:$0x3F81];
	_ =	sdelay $0x3  }
0x33: {  	p0 =	seq.s32 s10, $0x1;
	s10 =	sld [smem:$0x3F83];
	_ =	sdelay $0x3  }
0x34: {  	[smem:$0x3F83] =	sst s10  }
0x35: {  	s10 =	sld [smem:$0x3F82];
	_ =	sdelay $0x3  }
0x36: {  	p1 =	seq.s32 s10, $0x1;
	s10 =	sld [smem:$0x3F83];
	_ =	sdelay $0x3  }
0x37: {  	[smem:$0x3F83] =	sst s10  }
0x38: {  	s10 =	sld [smem:$0x3F84]  }
0x39: {  	_ = 	snop;
	(pc) =	sbr.ind lr, $3  }
0x3a: {  	_ = 	snop  }
0x3b: {  	_ = 	snop  }
0x3c: {  	p2 =	seq.s32 s10, $0x1;
	s10 =	sld [smem:$0x3F83]  }
0x3d: {  	_ =	shalt  }
0x3e: {  	_ =	shalt  }
0x3f: {  	_ =	shalt  }
0x40: {  	_ =	shalt  }
0x41: {  	_ =	shalt  }
0x42: {  	_ =	shalt  }
0x43: {  	_ =	shalt  }
0x44: {  	_ =	shalt  }
0x45: {  	_ =	shalt  }
0x46: {  	_ =	shalt  }
0x47: {  	_ =	shalt  }
0x48: {  	_ =	shalt  }
0x49: {  	_ =	shalt  }
0x4a: {  	_ =	shalt  }
0x4b: {  	_ =	shalt  }
0x4c: {  	_ =	shalt  }
0x4d: {  	_ =	shalt  }
0x4e: {  	_ =	shalt  }
0x4f: {  	_ =	shalt  }
0x50: {  	_ =	shalt  }
0x51: {  	_ =	shalt  }
0x52: {  	_ =	shalt  }
0x53: {  	_ =	shalt  }
0x54: {  	_ =	shalt  }
0x55: {  	_ =	shalt  }
0x56: {  	_ =	shalt  }
0x57: {  	_ =	shalt  }
0x58: {  	_ =	shalt  }
0x59: {  	_ =	shalt  }
0x5a: {  	_ =	shalt  }
0x5b: {  	_ =	shalt  }
0x5c: {  	_ =	shalt  }
0x5d: {  	_ =	shalt  }
0x5e: {  	_ =	shalt  }
0x5f: {  	_ =	shalt  }
0x60: {  	_ =	shalt  }
0x61: {  	_ =	shalt  }
0x62: {  	_ =	shalt  }
0x63: {  	_ =	shalt  }
0x64: {  	_ =	shalt  }
0x65: {  	_ =	shalt  }
0x66: {  	_ =	shalt  }
0x67: {  	_ =	shalt  }
0x68: {  	_ =	shalt  }
0x69: {  	_ =	shalt  }
0x6a: {  	_ =	shalt  }
0x6b: {  	_ =	shalt  }
0x6c: {  	_ =	shalt  }
0x6d: {  	_ =	shalt  }
0x6e: {  	_ =	shalt  }
0x6f: {  	_ =	shalt  }
0x70: {  	_ =	shalt  }
0x71: {  	_ =	shalt  }
0x72: {  	_ =	shalt  }
0x73: {  	_ =	shalt  }
0x74: {  	_ =	shalt  }
0x75: {  	_ =	shalt  }
0x76: {  	_ =	shalt  }
0x77: {  	_ =	shalt  }
0x78: {  	_ =	shalt  }
0x79: {  	_ =	shalt  }
0x7a: {  	_ =	shalt  }
0x7b: {  	_ =	shalt  }
0x7c: {  	_ =	shalt  }
0x7d: {  	_ =	shalt  }
0x7e: {  	_ =	shalt  }
0x7f: {  	_ =	shalt  }
0x80: {  	_ =	shalt  }
0x81: {  	_ =	shalt  }
0x82: {  	_ =	shalt  }
0x83: {  	_ =	shalt  }
0x84: {  	_ =	shalt  }
0x85: {  	_ =	shalt  }
0x86: {  	_ =	shalt  }
0x87: {  	_ =	shalt  }
.Lfunc_end0:
.L_simem_size_0:
called_computation.5_lowered:
.L_overlay_start_0:
0x88: {  	s2 =	sld [smem:$0x3FD9]  }
0x89: {  	s3 =	sld [smem:$0x3FFE];
	_ =	sdelay $0x1  }
0x8a: {  	s1 =	srdreg.scid  }
0x8b: {  	s0 =	sand.u32 $0x1, s1  }
0x8c: {  	s17 =	sshll.u32 s0, $0xA;
	s2 =	sadd.s32 s3, s2  }
0x8d: {  	s2 =	sadd.s32 s2, s17  }
0x8e: {  	[smem:$0x3F8F] =	sst s2  }
0x8f: {  	_ = 	snop  }
0x90: {  	s2 =	sld [smem:$0x3FD0];
	(tm) =	ssettm $0x1  }
0x91: {  	s18 =	sld [smem:$0x3FFB];
	_ =	sdelay $0x3  }
0x92: {  	_ =	strace s18  }
0x93: {  	s3 =	sld [smem:$0x3FFC];
	_ =	sdelay $0x3  }
0x94: {  	_ =	strace s3  }
0x95: {  	s3 =	sld [smem:$0x3FFD];
	_ =	sdelay $0x3  }
0x96: {  	_ =	strace s3  }
0x97: {  	_ =	strace $0x8FFFFFFF  }
0x98: {  	s19 =	sld [smem:$0x3FDB];
	_ =	sdelay $0x1  }
0x99: {  	s4 =	simm.s32 $_scs_section_size  }
0x9a: {  	s5 =	simm.s32 $_size__tile_overlayer_lowered;
	s6 =	simm.s32 $_tile_overlayer_lowered  }
0x9b: {  	s22 =	simm.s32 $0x1BFF;
	s21 =	sshll.u32 s6, $0x1;
	s3 =	sadd.s32 s4, s19  }
0x9c: {  	s7 =	simm.s32 $0x0;
	s20 =	sshll.u32 s5, $0x1;
	s5 =	sadd.s32 s21, s3  }
0x9d: {  	[timem:s7], [sflag:s22] =	dma.local [hbm:s5], s20  }
0x9e: {  	_ =	swait.ge [sflag:s22], s20  }
0x9f: {  	s4 =	ssub.s32 $0x0, s20;
	[sflag:s22] =	ssyncset.done $0x0  }
0xa0: {  	[sflag:s22] =	ssyncadd.s32 s4;
	_ =	sdelay $0x1  }
0xa1: {  	s23 =	simm.s32 $0x1B8B  }
0xa2: {  	_ =	swait.ge [sflag:s23], $0x1  }
0xa3: {  	[sflag:s23] =	ssyncset.done $0x0  }
0xa4: {  	s25 =	simm.s32 $0x1B8E;
	s24 =	sld [smem:$0x3FFE];
	[sflag:s23] =	ssyncadd.s32 $0xFFFFFFFF  }
0xa5: {  	s26 =	simm.s32 $execute0_lowered;
	[smem:$0x3FD2] =	sst s25  }
0xa6: {  	s5 =	sshll.u32 s26, $0x1;
	_ =	strace $0x80000055;
	[dreg:$0x1] =	wrdreg $0xFFFFFFFF  }
0xa7: {  	s28 =	simm.s32 $_size_execute0_lowered;
	s3 =	sadd.s32 s3, s5;
	[dreg:$0x0] =	wrdreg $0x0  }
0xa8: {  	s5 =	sshll.u32 s28, $0x1;
	[dreg:$0x2] =	wrdreg s3  }
0xa9: {  	[dreg:$0x3] =	wrdreg s5  }
0xaa: {  	[dreg:$0x4] =	wrdreg $0xC0  }
0xab: {  	_ =	task [dreg:s7], $0x5FFFF  }
0xac: {  	[dreg:$0x1] =	wrdreg $0xFFFFFFFF  }
0xad: {  	[dreg:$0x0] =	wrdreg $0x60  }
0xae: {  	[dreg:$0x2] =	wrdreg s24  }
0xaf: {  	[dreg:$0x3] =	wrdreg s2  }
0xb0: {  	[dreg:$0x4] =	wrdreg $0x40800  }
0xb1: {  	[dreg:$0x5] =	wrdreg $0x9  }
0xb2: {  	_ =	task.clear_ibuf [dreg:s7], $0x6FFFF;
	_ =	strace $0x90000055  }
0xb3: {  	s29 =	simm.s32 $0x9;
	_ =	strace $0x80000057  }
0xb4: {  	_ =	swait.ge [sflag:s29], $0x1  }
0xb5: {  	[sflag:s29] =	ssyncadd.s32 $0xFFFFFFFF  }
0xb6: {  	_ =	strace $0x90000057  }
0xb7: {  	_ =	sfence  }
0xb8: {  	s30 =	sld [smem:$0x0];
	_ =	sdelay $0x2  }
0xb9: {  	s31 =	sshll.u32 s1, $0xD;
	s1 =	sshrl.u32 s1, $0x2  }
0xba: {  	s3 =	sand.u32 $0x4000, s31;
	s1 =	sadd.s32 s1, s30  }
0xbb: {  	s0 =	sor.u32 s3, s0;
	s1 =	sshll.u32 s1, $0x11  }
0xbc: {  	s0 =	sor.u32 s1, s0  }
0xbd: {  	s0 =	sadd.s32 $0x8F2B, s0  }
0xbe: {  	[sflag:s0] =	ssyncadd.remote.s32 $0x1  }
0xbf: {  	_ =	sfence.sel $0xFFFF  }
0xc0: {  	[dreg:$0x0] =	wrdreg $0xFFFFFFFF;
	(pc) =	sbr.abs _section_cstart, $3  }
0xc1: {  	[dreg:$0x1] =	wrdreg $0xFFFFFFFF  }
0xc2: {  	_ =	task.clear_ibuf [dreg:s7], $0x2FFFF;
	_ =	strace $0x9FFFFFFF  }
0xc3: {  	(tm) =	ssettm $0x7FFFFFFF  }
tec
execute0_lowered:
.L_overlay_start_1:
0x0: {  	(tag) =	ssettag $0x1  }
0x1: {  	s1 =	stileid.u32  }
0x2: {  	s5 =	rddreg [dreg:$0x0];
	s4 =	smul.u32 $0xA0000, s1  }
0x3: {  	s7 =	rddreg [dreg:$0x1];
	s6 =	smul.u32 $0x14000, s1  }
0x4: {  	s8 =	srdreg.scid;
	s12 =	smul.u32 $0x50000, s1  }
0x5: {  	s2 =	rddreg [dreg:$0x2];
	s8 =	sand.u32 $0x1, s8;
	s15 =	smul.u32 $0x1400, s1  }
0x6: {  	s0 =	rddreg [dreg:$0x3];
	s3 =	simm.s32 $0x0;
	s30 =	smul.u32 $0x140000, s8  }
0x7: {  	[smem:$0x7FF] =	sst s3;
	s14 =	sshll.u32 s1, $0x6;
	s13 =	smul.u32 $0x50000, s8  }
0x8: {  	_ =	strace $0x80000056;
	s11 =	ssub.s32 $0x2, s8;
	s31 =	smul.u32 $0xA00, s8  }
0x9: {  	s9 =	sadd.s32 s4, s5;
	s10 =	sshrl.u32 s6, $0x3;
	s4 =	sadd.s32 $0x20800, s5  }
0xa: {  	s28 =	sshrl.u32 s11, $0x1;
	s29 =	sshrl.u32 s12, $0x2;
	s5 =	sadd.s32 s10, s5  }
0xb: {  	s10 =	ssub.s32 s11, s28;
	s11 =	sadd.s32 s29, s2;
	s12 =	sadd.s32 s6, s30  }
0xc: {  	s6 =	sor.u32 $0x1C01, s14;
	s9 =	sadd.s32 s13, s9;
	s13 =	simm.s32 $0x80  }
0xd: {  	s14 =	simm.s32 $0x0;
	s5 =	sadd.s32 $0x34800, s5;
	s12 =	sshrl.u32 s12, $0x3  }
0xe: {  	s8 =	smax.u32 s10, $0x1;
	s9 =	sadd.s32 $0x2884E00, s9;
	s10 =	sadd.s32 s31, s15  }
0xf: {  	s11 =	sshrl.u32 s11, $0x3;
	s7 =	sadd.s32 s7, s12;
	s12 =	simm.s32 $0x1  }
.LBB2_1:
0x10: {  	[spmem:s11], [sflag:s6] =	dma.local [hbm:s5], $0x2800  }
0x11: {  	_ =	swait.ge [sflag:s12], $0x2800  }
0x12: {  	s15 =	sadd.s32 $0x0, s10;
	s16 =	sand.u32 $0x70, s3;
	[sflag:s12] =	ssyncset.done $0x0  }
0x13: {  	s15 =	sand.u32 $0xFFFFF80, s15;
	s16 =	sadd.s32 s4, s16;
	[sflag:s12] =	ssyncadd.s32 $0xFFFFD800  }
0x14: {  	s15 =	sadd.s32 s15, s16;
	[bflag:$0x0] =	sbarrier.arrive $0xFFFF  }
0x15: {  	[tilespmem:s3], [sflag:$0x1] =	stream.linear.gather [hbm4b:s15+s3], $0x80, $0x38;
	[tilespmem:$0x18080] =	vst v63  }
0x16: {  	_ =	swait.ge [sflag:s12], $0x80  }
0x17: {  	[sflag:s12] =	ssyncset.done $0x0  }
0x18: {  	[sflag:s12] =	ssyncadd.s32 $0xFFFFFF80  }
0x19: {  	[tilespmem:s13], [sflag:$0x1] =	stream.linear.gather [hbm4b:s9+s3], $0x4000, $0x38;
	[tilespmem:$0x18080] =	vst v63  }
0x1a: {  	_ =	swait.ge [sflag:s12], $0x4000  }
0x1b: {  	s17 =	simm.s32 $0x10;
	[sflag:s12] =	ssyncset.done $0x0  }
0x1c: {  	s18 =	sadd.s32 $0x10, s10;
	s19 =	sand.u32 $0x70, s17;
	[sflag:s12] =	ssyncadd.s32 $0xFFFFC000  }
0x1d: {  	[spmem:s2] =	stream.indirect.scatter.add.f32 [tilespmem:s13], [sflag:$0x1], $0x80, s3, s13, $0xb8;
	[tilespmem:$0x18080] =	vst v63  }
0x1e: {  	s17 =	sand.u32 $0xFFFFF80, s18;
	s16 =	simm.s32 $0x20;
	_ =	swait.ge [sflag:s12], $0x4000  }
0x1f: {  	s18 =	sadd.s32 s4, s19;
	s15 =	sadd.s32 $0x800, s9;
	[sflag:s12] =	ssyncset.done $0x0  }
.LBB2_2:
0x20: {  	s17 =	sadd.s32 s17, s18  }
0x21: {  	[sflag:s12] =	ssyncadd.s32 $0xFFFFC000;
	s18 =	smov.u32 s16;
	s19 =	sadd.s32 $0x10, s16  }
0x22: {  	[tilespmem:s3], [sflag:$0x1] =	stream.linear.gather [hbm4b:s17+s3], $0x80, $0x38;
	[tilespmem:$0x18080] =	vst v63  }
0x23: {  	p0 =	sne.s32 s16, $0x9F0;
	_ =	swait.ge [sflag:s12], $0x80  }
0x24: {  	[sflag:s12] =	ssyncset.done $0x0  }
0x25: {  	[sflag:s12] =	ssyncadd.s32 $0xFFFFFF80  }
0x26: {  	[tilespmem:s13], [sflag:$0x1] =	stream.linear.gather [hbm4b:s15+s3], $0x4000, $0x38;
	[tilespmem:$0x18080] =	vst v63  }
0x27: {  	_ =	swait.ge [sflag:s12], $0x4000  }
.Ltmp0:
0x28: {  	[sflag:s12] =	ssyncset.done $0x0;
	(pc) =	sbr.rel @p0 .LBB2_2-.Ltmp0, $4  }
0x29: {  	s16 =	sadd.s32 s18, s10;
	s15 =	sadd.s32 $0x800, s15;
	[sflag:s12] =	ssyncadd.s32 $0xFFFFC000  }
0x2a: {  	[spmem:s2] =	stream.indirect.scatter.add.f32 [tilespmem:s13], [sflag:$0x1], $0x80, s3, s13, $0xb8;
	[tilespmem:$0x18080] =	vst v63  }
0x2b: {  	s18 =	sand.u32 $0x70, s18;
	s17 =	sand.u32 $0xFFFFF80, s16;
	_ =	swait.ge [sflag:s12], $0x4000  }
0x2c: {  	s18 =	sadd.s32 s4, s18;
	s16 =	smov.u32 s19;
	[sflag:s12] =	ssyncset.done $0x0  }
0x2d: {  	s16 =	sadd.s32 s17, s18;
	[sflag:s12] =	ssyncadd.s32 $0xFFFFC000  }
0x2e: {  	[tilespmem:s3], [sflag:$0x1] =	stream.linear.gather [hbm4b:s16+s3], $0x80, $0x38;
	[tilespmem:$0x18080] =	vst v63  }
0x2f: {  	_ =	swait.ge [sflag:s12], $0x80  }
0x30: {  	[sflag:s12] =	ssyncset.done $0x0  }
0x31: {  	[sflag:s12] =	ssyncadd.s32 $0xFFFFFF80  }
0x32: {  	[tilespmem:s13], [sflag:$0x1] =	stream.linear.gather [hbm4b:s15+s3], $0x4000, $0x38;
	[tilespmem:$0x18080] =	vst v63  }
0x33: {  	_ =	swait.ge [sflag:s12], $0x4000  }
0x34: {  	[sflag:s12] =	ssyncset.done $0x0  }
0x35: {  	[sflag:s12] =	ssyncadd.s32 $0xFFFFC000  }
0x36: {  	[spmem:s2] =	stream.indirect.scatter.add.f32 [tilespmem:s13], [sflag:$0x1], $0x80, s3, s13, $0xb8;
	[tilespmem:$0x18080] =	vst v63  }
0x37: {  	_ =	swait.ge [sflag:s12], $0x4000  }
0x38: {  	s14 =	sadd.s32 $0x1, s14;
	[sflag:s12] =	ssyncset.done $0x0  }
0x39: {  	p0 =	sne.s32 s14, s8;
	[sflag:s12] =	ssyncadd.s32 $0xFFFFC000  }
.Ltmp1:
0x3a: {  	[bflag:$0x0] =	sbarrier.arrive $0xFFFF;
	(pc) =	sbr.rel @p0 .LBB2_1-.Ltmp1, $4  }
0x3b: {  	[hbm:s7], [sflag:s6] =	dma.local [spmem:s11], $0x2800  }
0x3c: {  	_ =	swait.ge [sflag:s12], $0x2800  }
0x3d: {  	[sflag:s12] =	ssyncset.done $0x0  }
0x3e: {  	[sflag:s12] =	ssyncadd.s32 $0xFFFFD800  }
0x3f: {  	_ =	sfence.sel $0x180000  }
0x40: {  	[bflag:$0x0] =	sbarrier.arrive $0xFFFF  }
0x41: {  	p0 =	sne.s32 s1, $0x0;
	_ =	strace $0x90000056  }
0x42: {  	s0 =	sadd.s32 @!p0 $0x100000, s0;
	[bflag:$0x2] =	sbarrier.arrive $0xFFFF  }
0x43: {  	[sflag:s0] =	ssyncadd.tile.s32 @!p0 $0x1;
	_ =	shalt  }
.Lfunc_end2:
_tile_overlayer_lowered:
.L_overlay_start_2:
0x44: {  	(tag) =	ssettag $0x2  }
0x45: {  	s0 =	rddreg [dreg:$0x0];
	s2 =	stileid.u32  }
0x46: {  	s1 =	rddreg [dreg:$0x1];
	p0 =	sne.s32 s2, $0x0  }
0x47: {  	s3 =	rddreg [dreg:$0x2];
	[bflag:$0x3] =	sbarrier.arrive $0xFFFF;
	s2 =	simm.s32 @!p0 $0x1C01  }
0x48: {  	[timem:s3], [sflag:s2] =	dma.local @!p0 [hbm:s0], s1  }
0x49: {  	s0 =	simm.s32 @!p0 $0x1  }
0x4a: {  	_ =	swait.ge @!p0 [sflag:s0], s1  }
0x4b: {  	s1 =	ssub.s32 @!p0 $0x0, s1;
	[sflag:s0] =	ssyncset.done @!p0 $0x0  }
0x4c: {  	[sflag:s0] =	ssyncadd.s32 @!p0 s1  }
0x4d: {  	[bflag:$0x3] =	sbarrier.arrive $0xFFFF  }
0x4e: {  	_ =	shalt  }

</sc_bundles>
